<compile_context>
chip_gen: v7x
topology: tpu7x:2x2x1
jax: 0.10.2.dev20260603
libtpu: 0.0.44.dev20260713+nightly
codegen_flags: <defaults>
</compile_context>

<pallas_src>
import jax
import jax.numpy as jnp
from jax import lax
from jax.experimental import pallas as pl
from jax.experimental.pallas import tpu as pltpu
from jax.experimental.pallas import tpu_sc as plsc

N = 10000
E = 320000
D = 128
G = 64
C = 16

NC = 2
NS = 16
NW = NC * NS
EW = E // NW
CH = 80
NCH = EW // CH
RCH = 200
NRC = N // RCH

R = 400
NB = N // R


def _tile_chunks(sid, fn):
    for k in range(NRC // NS + 1):
        ch = k * NS + sid
        if k * NS + NS <= NRC:
            fn(ch)
        else:
            @pl.when(ch < NRC)
            def _():
                fn(ch)


def _make_sc_agg():
    out_type = jax.ShapeDtypeStruct((NC, N, D), jnp.float32)
    scratch = [
        pltpu.VMEM_SHARED((N, D), jnp.float32),
        pltpu.VMEM((CH,), jnp.int32),
        pltpu.VMEM((CH,), jnp.int32),
        pltpu.VMEM((CH,), jnp.int32),
        pltpu.VMEM((CH,), jnp.int32),
        pltpu.VMEM((CH, D), jnp.float32),
        pltpu.VMEM((CH, D), jnp.float32),
        pltpu.VMEM((RCH, D), jnp.float32),
        pltpu.SemaphoreType.DMA,
        pltpu.SemaphoreType.DMA,
        pltpu.SemaphoreType.DMA,
        pltpu.SemaphoreType.DMA,
        pltpu.SemaphoreType.DMA,
        pltpu.SemaphoreType.DMA,
    ]
    mesh = plsc.VectorSubcoreMesh(core_axis_name="c", subcore_axis_name="s",
                                  num_cores=NC, num_subcores=NS)

    def body(table, src_hbm, dst_hbm, out_acc,
             acc_s, ib0, ib1, db0, db1, rb0, rb1, zb,
             sem0, sem1, semi0, semi1, semd0, semd1):
        cid = lax.axis_index("c")
        sid = lax.axis_index("s")
        wid = cid * NS + sid

        def zrow(r, _):
            for j in range(D // 16):
                zb[r, pl.ds(j * 16, 16)] = jnp.zeros((16,), jnp.float32)
            return 0
        lax.fori_loop(0, RCH, zrow, 0)
        _tile_chunks(sid, lambda ch: pltpu.sync_copy(
            zb, acc_s.at[pl.ds(ch * RCH, RCH)]))
        plsc.subcore_barrier()

        e0 = wid * EW

        def ld(buf, sem, arr, c):
            pltpu.async_copy(arr.at[pl.ds(e0 + c * CH, CH)], buf, sem)

        def wt_idx(buf, sem, arr):
            pltpu.make_async_copy(arr.at[pl.ds(e0, CH)], buf, sem).wait()

        def gather(ib, rb, sem):
            pltpu.async_copy(table.at[ib], rb, sem)

        def wt_rows(ib, rb, sem):
            pltpu.make_async_copy(table.at[ib], rb, sem).wait()

        ld(ib0, semi0, src_hbm, 0)
        ld(db0, semd0, dst_hbm, 0)
        ld(ib1, semi1, src_hbm, 1)
        ld(db1, semd1, dst_hbm, 1)
        wt_idx(ib0, semi0, src_hbm)
        gather(ib0, rb0, sem0)

        def step(c, _):
            wt_idx(ib1, semi1, src_hbm)
            gather(ib1, rb1, sem1)
            wt_rows(ib0, rb0, sem0)
            ld(ib0, semi0, src_hbm, c + 2)
            wt_idx(db0, semd0, dst_hbm)
            pltpu.sync_copy(rb0, acc_s.at[db0], add=True)
            ld(db0, semd0, dst_hbm, c + 2)
            wt_idx(ib0, semi0, src_hbm)
            gather(ib0, rb0, sem0)
            wt_rows(ib1, rb1, sem1)
            ld(ib1, semi1, src_hbm, c + 3)
            wt_idx(db1, semd1, dst_hbm)
            pltpu.sync_copy(rb1, acc_s.at[db1], add=True)
            ld(db1, semd1, dst_hbm, c + 3)
            return 0
        lax.fori_loop(0, (NCH - 1) // 2, lambda p, _: step(2 * p, _), 0)
        wt_rows(ib0, rb0, sem0)
        wt_idx(db0, semd0, dst_hbm)
        pltpu.sync_copy(rb0, acc_s.at[db0], add=True)
        wt_idx(ib1, semi1, src_hbm)
        wt_idx(db1, semd1, dst_hbm)

        plsc.subcore_barrier()

        def rd_acc(ch):
            pltpu.sync_copy(acc_s.at[pl.ds(ch * RCH, RCH)], zb)
            pltpu.sync_copy(zb, out_acc.at[cid, pl.ds(ch * RCH, RCH)])
        _tile_chunks(sid, rd_acc)

    return pl.kernel(body, out_type=out_type, mesh=mesh, scratch_types=scratch)


def _make_sc_count():
    out_type = jax.ShapeDtypeStruct((NC * N,), jnp.float32)
    scratch = [
        pltpu.VMEM_SHARED((N,), jnp.float32),
        pltpu.VMEM((CH,), jnp.int32),
        pltpu.VMEM((CH,), jnp.int32),
        pltpu.VMEM((CH,), jnp.float32),
        pltpu.VMEM((RCH,), jnp.float32),
        pltpu.SemaphoreType.DMA,
        pltpu.SemaphoreType.DMA,
    ]
    mesh = plsc.VectorSubcoreMesh(core_axis_name="c", subcore_axis_name="s",
                                  num_cores=NC, num_subcores=NS)

    def body(dst_hbm, ones_hbm, zeros_hbm, out_cnt,
             cnt_s, db0, db1, ones_v, cb, semd0, semd1):
        cid = lax.axis_index("c")
        sid = lax.axis_index("s")
        wid = cid * NS + sid

        pltpu.sync_copy(zeros_hbm, cb)
        _tile_chunks(sid, lambda ch: pltpu.sync_copy(
            cb, cnt_s.at[pl.ds(ch * RCH, RCH)]))
        pltpu.sync_copy(ones_hbm, ones_v)
        plsc.subcore_barrier()

        e0 = wid * EW

        def ld(db, sem, c):
            pltpu.async_copy(dst_hbm.at[pl.ds(e0 + c * CH, CH)], db, sem)

        def wt(db, sem):
            pltpu.make_async_copy(dst_hbm.at[pl.ds(e0, CH)], db, sem).wait()

        ld(db0, semd0, 0)
        ld(db1, semd1, 1)

        def step(c, _):
            wt(db0, semd0)
            pltpu.sync_copy(ones_v, cnt_s.at[db0], add=True)
            ld(db0, semd0, c + 2)
            wt(db1, semd1)
            pltpu.sync_copy(ones_v, cnt_s.at[db1], add=True)
            ld(db1, semd1, c + 3)
            return 0
        lax.fori_loop(0, (NCH - 1) // 2, lambda p, _: step(2 * p, _), 0)
        wt(db0, semd0)
        pltpu.sync_copy(ones_v, cnt_s.at[db0], add=True)
        wt(db1, semd1)

        plsc.subcore_barrier()

        def rd_cnt(ch):
            pltpu.sync_copy(cnt_s.at[pl.ds(ch * RCH, RCH)], cb)
            pltpu.sync_copy(cb, out_cnt.at[pl.ds(cid * N + ch * RCH, RCH)])
        _tile_chunks(sid, rd_cnt)

    return pl.kernel(body, out_type=out_type, mesh=mesh, scratch_types=scratch)


_sc_agg = _make_sc_agg()
_sc_count = _make_sc_count()


def _tc_layer1(a0, a1, ca, cb, x, wl, wr, b):
    def body(a0r, a1r, car, cbr, xr, wlr, wrr, br, o):
        cnt = car[...] + cbr[...]
        inv = 1.0 / jnp.maximum(cnt, 1.0)
        agg = (a0r[...] + a1r[...]) * inv
        h = (jnp.dot(agg, wlr[...], preferred_element_type=jnp.float32)
             + br[...]
             + jnp.dot(xr[...], wrr[...], preferred_element_type=jnp.float32))
        o[...] = jnp.maximum(h, 0.0)

    row = pl.BlockSpec((R, D), lambda i: (i, 0))
    cntspec = pl.BlockSpec((R, 1), lambda i: (i, 0))
    full = pl.BlockSpec((D, D), lambda i: (0, 0))
    bias = pl.BlockSpec((1, D), lambda i: (0, 0))
    return pl.pallas_call(
        body,
        grid=(NB,),
        in_specs=[row, row, cntspec, cntspec, row, full, full, bias],
        out_specs=row,
        out_shape=jax.ShapeDtypeStruct((N, D), jnp.float32),
    )(a0, a1, ca, cb, x, wl, wr, b)


def _tc_layer2(b0, b1, ca, cb, h1, bt, wl, wr, b2, wlin1, blin1, wlin2, blin2):
    def body(b0r, b1r, car, cbr, h1r, btr, wlr, wrr, b2r,
             w1r_, b1r_, w2r_, b2r_, o, gsum, gcnt):
        i = pl.program_id(0)

        @pl.when(i == 0)
        def _init():
            gsum[...] = jnp.zeros((G, D), jnp.float32)
            gcnt[...] = jnp.zeros((G, D), jnp.float32)

        cnt = car[...] + cbr[...]
        inv = 1.0 / jnp.maximum(cnt, 1.0)
        agg = (b0r[...] + b1r[...]) * inv
        h2 = jnp.maximum(
            jnp.dot(agg, wlr[...], preferred_element_type=jnp.float32)
            + b2r[...]
            + jnp.dot(h1r[...], wrr[...], preferred_element_type=jnp.float32),
            0.0)

        ids = lax.broadcasted_iota(jnp.int32, (G, R), 0)
        mask = (ids == btr[0]).astype(jnp.float32)
        gsum[...] += jnp.dot(mask, h2, preferred_element_type=jnp.float32)
        gcnt[...] += jnp.broadcast_to(
            jnp.sum(mask, axis=1, keepdims=True), (G, D))

        @pl.when(i == NB - 1)
        def _fin():
            g = gsum[...] / jnp.maximum(gcnt[...], 1.0)
            t = (jnp.dot(g, w1r_[...], preferred_element_type=jnp.float32)
                 + b1r_[...])
            o[...] = (jnp.dot(t, w2r_[...], preferred_element_type=jnp.float32)
                      + b2r_[...])

    row = pl.BlockSpec((R, D), lambda i: (i, 0))
    cntspec = pl.BlockSpec((R, 1), lambda i: (i, 0))
    full = pl.BlockSpec((D, D), lambda i: (0, 0))
    fix = lambda s: pl.BlockSpec(s, lambda i: tuple(0 for _ in s))
    return pl.pallas_call(
        body,
        grid=(NB,),
        in_specs=[row, row, cntspec, cntspec, row,
                  pl.BlockSpec((1, 1, R), lambda i: (i, 0, 0)),
                  full, full, fix((1, D)),
                  fix((D, G)), fix((1, G)), fix((G, C)), fix((1, C))],
        out_specs=fix((G, C)),
        out_shape=jax.ShapeDtypeStruct((G, C), jnp.float32),
        scratch_shapes=[pltpu.VMEM((G, D), jnp.float32),
                        pltpu.VMEM((G, D), jnp.float32)],
    )(b0, b1, ca, cb, h1, bt, wl, wr, b2, wlin1, blin1, wlin2, blin2)


def kernel(x, edge_index, batch, W1l, b1l, W1r, W2l, b2l, W2r,
           Wlin1, blin1, Wlin2, blin2):
    src = edge_index[0]
    dst = edge_index[1]

    src_p = jnp.concatenate([src, jnp.zeros((CH,), jnp.int32)])
    dst_p = jnp.concatenate([dst, jnp.zeros((CH,), jnp.int32)])
    cnt2 = _sc_count(dst_p, jnp.ones((CH,), jnp.float32),
                     jnp.zeros((RCH,), jnp.float32))
    accA = _sc_agg(x, src_p, dst_p)
    ca = cnt2[0:N].reshape(N, 1)
    cb = cnt2[N:].reshape(N, 1)
    h1 = _tc_layer1(accA[0], accA[1], ca, cb, x,
                    W1l.T, W1r.T, b1l.reshape(1, D))
    accB = _sc_agg(h1, src_p, dst_p)
    bt = batch.reshape(NB, 1, R)
    out = _tc_layer2(accB[0], accB[1], ca, cb, h1, bt,
                     W2l.T, W2r.T, b2l.reshape(1, D),
                     Wlin1.T, blin1.reshape(1, G), Wlin2.T, blin2.reshape(1, C))
    return out

# --- scband reference (transcript-rebuilt; emitter-appended) ---
"""Pipeline reference for scband-graph-sagemodel-4844723109938 (READ-ONLY COPY).

The authoritative reference and input builder live on the scoring server;
editing this copy changes nothing except your own understanding.
"""

import jax, jax.numpy as jnp
import numpy as np

N = 10000
E = 320000
D = 128
G = 64
C = 16


def setup_inputs(seed: int = 0) -> dict:
    key = jax.random.key(seed)
    ks = jax.random.split(key, 16)
    x = jax.random.normal(ks[0], (N, D), dtype=jnp.float32)
    edge_index = jax.random.randint(ks[1], (2, E), 0, N, dtype=jnp.int32)
    batch = jnp.sort(jax.random.randint(ks[2], (N,), 0, G, dtype=jnp.int32))
    s = 1.0 / np.sqrt(D)
    W1l = jax.random.normal(ks[3], (D, D), dtype=jnp.float32) * s
    b1l = jnp.zeros((D,), dtype=jnp.float32)
    W1r = jax.random.normal(ks[4], (D, D), dtype=jnp.float32) * s
    W2l = jax.random.normal(ks[5], (D, D), dtype=jnp.float32) * s
    b2l = jnp.zeros((D,), dtype=jnp.float32)
    W2r = jax.random.normal(ks[6], (D, D), dtype=jnp.float32) * s
    Wlin1 = jax.random.normal(ks[7], (D // 2, D), dtype=jnp.float32) * s
    blin1 = jnp.zeros((D // 2,), dtype=jnp.float32)
    Wlin2 = jax.random.normal(ks[8], (C, D // 2), dtype=jnp.float32) * (1.0 / np.sqrt(D // 2))
    blin2 = jnp.zeros((C,), dtype=jnp.float32)
    return {"x": x, "edge_index": edge_index, "batch": batch,
            "W1l": W1l, "b1l": b1l, "W1r": W1r,
            "W2l": W2l, "b2l": b2l, "W2r": W2r,
            "Wlin1": Wlin1, "blin1": blin1, "Wlin2": Wlin2, "blin2": blin2}


def _sage_conv(x, edge_index, Wl, bl, Wr):
    # PyG SAGEConv with mean aggregation: out = lin_l(mean_{j in N(i)} x_j) + lin_r(x_i)
    src = edge_index[0]
    dst = edge_index[1]
    msgs = jnp.take(x, src, axis=0)
    sums = jax.ops.segment_sum(msgs, dst, num_segments=x.shape[0])
    cnt = jax.ops.segment_sum(jnp.ones((src.shape[0], 1), x.dtype), dst, num_segments=x.shape[0])
    agg = sums / jnp.maximum(cnt, 1.0)
    return agg @ Wl.T + bl + x @ Wr.T


def _global_mean_pool(x, batch, num_graphs):
    sums = jax.ops.segment_sum(x, batch, num_segments=num_graphs)
    cnt = jax.ops.segment_sum(jnp.ones((x.shape[0], 1), x.dtype), batch, num_segments=num_graphs)
    return sums / jnp.maximum(cnt, 1.0)


def reference(x, edge_index, batch, W1l, b1l, W1r, W2l, b2l, W2r, Wlin1, blin1, Wlin2, blin2):
    h = jax.nn.relu(_sage_conv(x, edge_index, W1l, b1l, W1r))
    h = jax.nn.relu(_sage_conv(h, edge_index, W2l, b2l, W2r))
    g = _global_mean_pool(h, batch, G)
    g = g @ Wlin1.T + blin1
    # dropout omitted (deterministic eval-mode reference)
    g = g @ Wlin2.T + blin2
    return g

if __name__ == "__main__":
    import jax
    _d = setup_inputs()
    print(jax.jit(kernel)(*tuple(_d.values())))

</pallas_src>

<mosaic_0001>
#map = affine_map<(d0, d1) -> (0, 0)>
#map1 = affine_map<(d0, d1) -> (0)>
#map2 = affine_map<(d0, d1) -> (0, 0, 0)>
module attributes {stable_mosaic.version = 14 : i64} {
  func.func @body(%arg0: i32, %arg1: i32, %arg2: memref<10000x128xf32, #tpu.memory_space<hbm>>, %arg3: memref<320080xi32, #tpu.memory_space<hbm>>, %arg4: memref<320080xi32, #tpu.memory_space<hbm>>, %arg5: memref<2x10000x128xf32, #tpu.memory_space<hbm>>, %arg6: memref<10000x128xf32, #tpu.memory_space<vmem_shared>>, %arg7: memref<80xi32, #tpu.memory_space<vmem>>, %arg8: memref<80xi32, #tpu.memory_space<vmem>>, %arg9: memref<80xi32, #tpu.memory_space<vmem>>, %arg10: memref<80xi32, #tpu.memory_space<vmem>>, %arg11: memref<80x128xf32, #tpu.memory_space<vmem>>, %arg12: memref<80x128xf32, #tpu.memory_space<vmem>>, %arg13: memref<200x128xf32, #tpu.memory_space<vmem>>, %arg14: memref<!tpu.dma_semaphore, #tpu.memory_space<semaphore_mem>>, %arg15: memref<!tpu.dma_semaphore, #tpu.memory_space<semaphore_mem>>, %arg16: memref<!tpu.dma_semaphore, #tpu.memory_space<semaphore_mem>>, %arg17: memref<!tpu.dma_semaphore, #tpu.memory_space<semaphore_mem>>, %arg18: memref<!tpu.dma_semaphore, #tpu.memory_space<semaphore_mem>>, %arg19: memref<!tpu.dma_semaphore, #tpu.memory_space<semaphore_mem>>) attributes {dimension_semantics = [#tpu.dimension_semantics<core_parallel>, #tpu.dimension_semantics<subcore_parallel>], iteration_bounds = array<i64: 2, 16>, scalar_prefetch = 0 : i64, scratch_operands = 14 : i64, tpu.core_type = #tpu.core_type<sc_vector_subcore>, window_params = [{transform_indices = #map}, {transform_indices = #map1}, {transform_indices = #map1}, {transform_indices = #map2}]} {
    %mul3A = arith.constant 16 : i32
    %mul3A_0 = arith.muli %arg0, %mul3A : i32
    %add3A = arith.addi %mul3A_0, %arg1 : i32
    %scan3A = arith.constant 0 : i32
    %scan3A_1 = arith.constant 0 : i32
    %scan3A_2 = arith.constant 200 : i32
    %scan3A_3 = arith.addi %scan3A_1, %scan3A_2 : i32
    %scan3A_4 = arith.constant 1 : i32
    %scan3A_5 = scf.for %scan3A_86 = %scan3A_1 to %scan3A_3 step %scan3A_4 iter_args(%scan3A_87 = %scan3A) -> (i32)  : i32 {
      %broadcast_in_dim3A = arith.constant 0.000000e+00 : f32
      %broadcast_in_dim3A_88 = vector.broadcast %broadcast_in_dim3A : f32 to vector<16xf32>
      %swap3A = arith.index_cast %scan3A_86 : i32 to index
      %swap3A_89 = arith.constant 0 : index
      %swap3A_90 = tpu.vector_load %arg13[%swap3A, %swap3A_89] {strides = array<i32>} : memref<200x128xf32, #tpu.memory_space<vmem>>, vector<1x16xf32>,
      %swap3A_91 = vector.shape_cast %swap3A_90 : vector<1x16xf32> to vector<16xf32>
      %swap3A_92 = vector.shape_cast %broadcast_in_dim3A_88 : vector<16xf32> to vector<1x16xf32>
      tpu.vector_store %arg13[%swap3A, %swap3A_89], %swap3A_92 {strides = array<i32>} : memref<200x128xf32, #tpu.memory_space<vmem>>, vector<1x16xf32>,
      %broadcast_in_dim3A_93 = arith.constant 0.000000e+00 : f32
      %broadcast_in_dim3A_94 = vector.broadcast %broadcast_in_dim3A_93 : f32 to vector<16xf32>
      %swap3A_95 = arith.index_cast %scan3A_86 : i32 to index
      %swap3A_96 = arith.constant 16 : index
      %swap3A_97 = tpu.vector_load %arg13[%swap3A_95, %swap3A_96] {strides = array<i32>} : memref<200x128xf32, #tpu.memory_space<vmem>>, vector<1x16xf32>,
      %swap3A_98 = vector.shape_cast %swap3A_97 : vector<1x16xf32> to vector<16xf32>
      %swap3A_99 = vector.shape_cast %broadcast_in_dim3A_94 : vector<16xf32> to vector<1x16xf32>
      tpu.vector_store %arg13[%swap3A_95, %swap3A_96], %swap3A_99 {strides = array<i32>} : memref<200x128xf32, #tpu.memory_space<vmem>>, vector<1x16xf32>,
      %broadcast_in_dim3A_100 = arith.constant 0.000000e+00 : f32
      %broadcast_in_dim3A_101 = vector.broadcast %broadcast_in_dim3A_100 : f32 to vector<16xf32>
      %swap3A_102 = arith.index_cast %scan3A_86 : i32 to index
      %swap3A_103 = arith.constant 32 : index
      %swap3A_104 = tpu.vector_load %arg13[%swap3A_102, %swap3A_103] {strides = array<i32>} : memref<200x128xf32, #tpu.memory_space<vmem>>, vector<1x16xf32>,
      %swap3A_105 = vector.shape_cast %swap3A_104 : vector<1x16xf32> to vector<16xf32>
      %swap3A_106 = vector.shape_cast %broadcast_in_dim3A_101 : vector<16xf32> to vector<1x16xf32>
      tpu.vector_store %arg13[%swap3A_102, %swap3A_103], %swap3A_106 {strides = array<i32>} : memref<200x128xf32, #tpu.memory_space<vmem>>, vector<1x16xf32>,
      %broadcast_in_dim3A_107 = arith.constant 0.000000e+00 : f32
      %broadcast_in_dim3A_108 = vector.broadcast %broadcast_in_dim3A_107 : f32 to vector<16xf32>
      %swap3A_109 = arith.index_cast %scan3A_86 : i32 to index
      %swap3A_110 = arith.constant 48 : index
      %swap3A_111 = tpu.vector_load %arg13[%swap3A_109, %swap3A_110] {strides = array<i32>} : memref<200x128xf32, #tpu.memory_space<vmem>>, vector<1x16xf32>,
      %swap3A_112 = vector.shape_cast %swap3A_111 : vector<1x16xf32> to vector<16xf32>
      %swap3A_113 = vector.shape_cast %broadcast_in_dim3A_108 : vector<16xf32> to vector<1x16xf32>
      tpu.vector_store %arg13[%swap3A_109, %swap3A_110], %swap3A_113 {strides = array<i32>} : memref<200x128xf32, #tpu.memory_space<vmem>>, vector<1x16xf32>,
      %broadcast_in_dim3A_114 = arith.constant 0.000000e+00 : f32
      %broadcast_in_dim3A_115 = vector.broadcast %broadcast_in_dim3A_114 : f32 to vector<16xf32>
      %swap3A_116 = arith.index_cast %scan3A_86 : i32 to index
      %swap3A_117 = arith.constant 64 : index
      %swap3A_118 = tpu.vector_load %arg13[%swap3A_116, %swap3A_117] {strides = array<i32>} : memref<200x128xf32, #tpu.memory_space<vmem>>, vector<1x16xf32>,
      %swap3A_119 = vector.shape_cast %swap3A_118 : vector<1x16xf32> to vector<16xf32>
      %swap3A_120 = vector.shape_cast %broadcast_in_dim3A_115 : vector<16xf32> to vector<1x16xf32>
      tpu.vector_store %arg13[%swap3A_116, %swap3A_117], %swap3A_120 {strides = array<i32>} : memref<200x128xf32, #tpu.memory_space<vmem>>, vector<1x16xf32>,
      %broadcast_in_dim3A_121 = arith.constant 0.000000e+00 : f32
      %broadcast_in_dim3A_122 = vector.broadcast %broadcast_in_dim3A_121 : f32 to vector<16xf32>
      %swap3A_123 = arith.index_cast %scan3A_86 : i32 to index
      %swap3A_124 = arith.constant 80 : index
      %swap3A_125 = tpu.vector_load %arg13[%swap3A_123, %swap3A_124] {strides = array<i32>} : memref<200x128xf32, #tpu.memory_space<vmem>>, vector<1x16xf32>,
      %swap3A_126 = vector.shape_cast %swap3A_125 : vector<1x16xf32> to vector<16xf32>
      %swap3A_127 = vector.shape_cast %broadcast_in_dim3A_122 : vector<16xf32> to vector<1x16xf32>
      tpu.vector_store %arg13[%swap3A_123, %swap3A_124], %swap3A_127 {strides = array<i32>} : memref<200x128xf32, #tpu.memory_space<vmem>>, vector<1x16xf32>,
      %broadcast_in_dim3A_128 = arith.constant 0.000000e+00 : f32
      %broadcast_in_dim3A_129 = vector.broadcast %broadcast_in_dim3A_128 : f32 to vector<16xf32>
      %swap3A_130 = arith.index_cast %scan3A_86 : i32 to index
      %swap3A_131 = arith.constant 96 : index
      %swap3A_132 = tpu.vector_load %arg13[%swap3A_130, %swap3A_131] {strides = array<i32>} : memref<200x128xf32, #tpu.memory_space<vmem>>, vector<1x16xf32>,
      %swap3A_133 = vector.shape_cast %swap3A_132 : vector<1x16xf32> to vector<16xf32>
      %swap3A_134 = vector.shape_cast %broadcast_in_dim3A_129 : vector<16xf32> to vector<1x16xf32>
      tpu.vector_store %arg13[%swap3A_130, %swap3A_131], %swap3A_134 {strides = array<i32>} : memref<200x128xf32, #tpu.memory_space<vmem>>, vector<1x16xf32>,
      %broadcast_in_dim3A_135 = arith.constant 0.000000e+00 : f32
      %broadcast_in_dim3A_136 = vector.broadcast %broadcast_in_dim3A_135 : f32 to vector<16xf32>
      %swap3A_137 = arith.index_cast %scan3A_86 : i32 to index
      %swap3A_138 = arith.constant 112 : index
      %swap3A_139 = tpu.vector_load %arg13[%swap3A_137, %swap3A_138] {strides = array<i32>} : memref<200x128xf32, #tpu.memory_space<vmem>>, vector<1x16xf32>,
      %swap3A_140 = vector.shape_cast %swap3A_139 : vector<1x16xf32> to vector<16xf32>
      %swap3A_141 = vector.shape_cast %broadcast_in_dim3A_136 : vector<16xf32> to vector<1x16xf32>
      tpu.vector_store %arg13[%swap3A_137, %swap3A_138], %swap3A_141 {strides = array<i32>} : memref<200x128xf32, #tpu.memory_space<vmem>>, vector<1x16xf32>,
      %scan3A_142 = arith.constant 0 : i32
      scf.yield %scan3A_142 : i32
    }
    %scan3A_6 = arith.constant 200 : i32
    %add3A_7 = arith.constant 0 : i32
    %add3A_8 = arith.addi %add3A_7, %arg1 : i32
    %mul3A_9 = arith.constant 200 : i32
    %mul3A_10 = arith.muli %add3A_8, %mul3A_9 : i32
    "tpu.region"() ({
      %run_scoped3A = tpu.sem_alloc : memref<!tpu.dma_semaphore, #tpu.memory_space<semaphore_mem>>
      %dma_start3A_86 = arith.constant 0 : i32
      %dma_start3A_87 = tpu.memref_slice %arg6[%mul3A_10, %dma_start3A_86] : memref<10000x128xf32, #tpu.memory_space<vmem_shared>> -> memref<200x128xf32, #tpu.memory_space<vmem_shared>>
      %dma_start3A_88 = arith.constant 0 : i32
      %dma_start3A_89 = tpu.memref_slice %arg6[%mul3A_10, %dma_start3A_88] : memref<10000x128xf32, #tpu.memory_space<vmem_shared>> -> memref<200x128xf32, #tpu.memory_space<vmem_shared>>
      tpu.enqueue_dma source(%arg13 : memref<200x128xf32, #tpu.memory_space<vmem>>) target(%dma_start3A_89 : memref<200x128xf32, #tpu.memory_space<vmem_shared>>) target_semaphore(%run_scoped3A : memref<!tpu.dma_semaphore, #tpu.memory_space<semaphore_mem>>)
      %dma_wait3A_90 = arith.constant 0 : i32
      %dma_wait3A_91 = tpu.memref_slice %arg6[%mul3A_10, %dma_wait3A_90] : memref<10000x128xf32, #tpu.memory_space<vmem_shared>> -> memref<200x128xf32, #tpu.memory_space<vmem_shared>>
      %dma_wait3A_92 = arith.constant 0 : i32
      %dma_wait3A_93 = tpu.memref_slice %arg6[%mul3A_10, %dma_wait3A_92] : memref<10000x128xf32, #tpu.memory_space<vmem_shared>> -> memref<200x128xf32, #tpu.memory_space<vmem_shared>>
      tpu.wait_dma2 semaphore(%run_scoped3A : memref<!tpu.dma_semaphore, #tpu.memory_space<semaphore_mem>>) src(%arg13 : memref<200x128xf32, #tpu.memory_space<vmem>>) dst(%dma_wait3A_93 : memref<200x128xf32, #tpu.memory_space<vmem_shared>>)
      tpu.yield
    }) : () -> ()
    %add3A_11 = arith.constant 16 : i32
    %add3A_12 = arith.addi %add3A_11, %arg1 : i32
    %mul3A_13 = arith.constant 200 : i32
    %mul3A_14 = arith.muli %add3A_12, %mul3A_13 : i32
    "tpu.region"() ({
      %run_scoped3A = tpu.sem_alloc : memref<!tpu.dma_semaphore, #tpu.memory_space<semaphore_mem>>
      %dma_start3A_86 = arith.constant 0 : i32
      %dma_start3A_87 = tpu.memref_slice %arg6[%mul3A_14, %dma_start3A_86] : memref<10000x128xf32, #tpu.memory_space<vmem_shared>> -> memref<200x128xf32, #tpu.memory_space<vmem_shared>>
      %dma_start3A_88 = arith.constant 0 : i32
      %dma_start3A_89 = tpu.memref_slice %arg6[%mul3A_14, %dma_start3A_88] : memref<10000x128xf32, #tpu.memory_space<vmem_shared>> -> memref<200x128xf32, #tpu.memory_space<vmem_shared>>
      tpu.enqueue_dma source(%arg13 : memref<200x128xf32, #tpu.memory_space<vmem>>) target(%dma_start3A_89 : memref<200x128xf32, #tpu.memory_space<vmem_shared>>) target_semaphore(%run_scoped3A : memref<!tpu.dma_semaphore, #tpu.memory_space<semaphore_mem>>)
      %dma_wait3A_90 = arith.constant 0 : i32
      %dma_wait3A_91 = tpu.memref_slice %arg6[%mul3A_14, %dma_wait3A_90] : memref<10000x128xf32, #tpu.memory_space<vmem_shared>> -> memref<200x128xf32, #tpu.memory_space<vmem_shared>>
      %dma_wait3A_92 = arith.constant 0 : i32
      %dma_wait3A_93 = tpu.memref_slice %arg6[%mul3A_14, %dma_wait3A_92] : memref<10000x128xf32, #tpu.memory_space<vmem_shared>> -> memref<200x128xf32, #tpu.memory_space<vmem_shared>>
      tpu.wait_dma2 semaphore(%run_scoped3A : memref<!tpu.dma_semaphore, #tpu.memory_space<semaphore_mem>>) src(%arg13 : memref<200x128xf32, #tpu.memory_space<vmem>>) dst(%dma_wait3A_93 : memref<200x128xf32, #tpu.memory_space<vmem_shared>>)
      tpu.yield
    }) : () -> ()
    %add3A_15 = arith.constant 32 : i32
    %add3A_16 = arith.addi %add3A_15, %arg1 : i32
    %mul3A_17 = arith.constant 200 : i32
    %mul3A_18 = arith.muli %add3A_16, %mul3A_17 : i32
    "tpu.region"() ({
      %run_scoped3A = tpu.sem_alloc : memref<!tpu.dma_semaphore, #tpu.memory_space<semaphore_mem>>
      %dma_start3A_86 = arith.constant 0 : i32
      %dma_start3A_87 = tpu.memref_slice %arg6[%mul3A_18, %dma_start3A_86] : memref<10000x128xf32, #tpu.memory_space<vmem_shared>> -> memref<200x128xf32, #tpu.memory_space<vmem_shared>>
      %dma_start3A_88 = arith.constant 0 : i32
      %dma_start3A_89 = tpu.memref_slice %arg6[%mul3A_18, %dma_start3A_88] : memref<10000x128xf32, #tpu.memory_space<vmem_shared>> -> memref<200x128xf32, #tpu.memory_space<vmem_shared>>
      tpu.enqueue_dma source(%arg13 : memref<200x128xf32, #tpu.memory_space<vmem>>) target(%dma_start3A_89 : memref<200x128xf32, #tpu.memory_space<vmem_shared>>) target_semaphore(%run_scoped3A : memref<!tpu.dma_semaphore, #tpu.memory_space<semaphore_mem>>)
      %dma_wait3A_90 = arith.constant 0 : i32
      %dma_wait3A_91 = tpu.memref_slice %arg6[%mul3A_18, %dma_wait3A_90] : memref<10000x128xf32, #tpu.memory_space<vmem_shared>> -> memref<200x128xf32, #tpu.memory_space<vmem_shared>>
      %dma_wait3A_92 = arith.constant 0 : i32
      %dma_wait3A_93 = tpu.memref_slice %arg6[%mul3A_18, %dma_wait3A_92] : memref<10000x128xf32, #tpu.memory_space<vmem_shared>> -> memref<200x128xf32, #tpu.memory_space<vmem_shared>>
      tpu.wait_dma2 semaphore(%run_scoped3A : memref<!tpu.dma_semaphore, #tpu.memory_space<semaphore_mem>>) src(%arg13 : memref<200x128xf32, #tpu.memory_space<vmem>>) dst(%dma_wait3A_93 : memref<200x128xf32, #tpu.memory_space<vmem_shared>>)
      tpu.yield
    }) : () -> ()
    %add3A_19 = arith.constant 48 : i32
    %add3A_20 = arith.addi %add3A_19, %arg1 : i32
    %lt3A = arith.constant 50 : i32
    %lt3A_21 = arith.cmpi slt, %add3A_20, %lt3A : i32
    %convert_element_type3A = arith.extui %lt3A_21 : i1 to i32
    %cond3A = arith.constant 0 : i32
    %cond3A_22 = arith.cmpi ne, %convert_element_type3A, %cond3A : i32
    scf.if %cond3A_22 {
      %mul3A_86 = arith.constant 200 : i32
      %mul3A_87 = arith.muli %add3A_20, %mul3A_86 : i32
      "tpu.region"() ({
        %run_scoped3A = tpu.sem_alloc : memref<!tpu.dma_semaphore, #tpu.memory_space<semaphore_mem>>
        %dma_start3A_88 = arith.constant 0 : i32
        %dma_start3A_89 = tpu.memref_slice %arg6[%mul3A_87, %dma_start3A_88] : memref<10000x128xf32, #tpu.memory_space<vmem_shared>> -> memref<200x128xf32, #tpu.memory_space<vmem_shared>>
        %dma_start3A_90 = arith.constant 0 : i32
        %dma_start3A_91 = tpu.memref_slice %arg6[%mul3A_87, %dma_start3A_90] : memref<10000x128xf32, #tpu.memory_space<vmem_shared>> -> memref<200x128xf32, #tpu.memory_space<vmem_shared>>
        tpu.enqueue_dma source(%arg13 : memref<200x128xf32, #tpu.memory_space<vmem>>) target(%dma_start3A_91 : memref<200x128xf32, #tpu.memory_space<vmem_shared>>) target_semaphore(%run_scoped3A : memref<!tpu.dma_semaphore, #tpu.memory_space<semaphore_mem>>)
        %dma_wait3A_92 = arith.constant 0 : i32
        %dma_wait3A_93 = tpu.memref_slice %arg6[%mul3A_87, %dma_wait3A_92] : memref<10000x128xf32, #tpu.memory_space<vmem_shared>> -> memref<200x128xf32, #tpu.memory_space<vmem_shared>>
        %dma_wait3A_94 = arith.constant 0 : i32
        %dma_wait3A_95 = tpu.memref_slice %arg6[%mul3A_87, %dma_wait3A_94] : memref<10000x128xf32, #tpu.memory_space<vmem_shared>> -> memref<200x128xf32, #tpu.memory_space<vmem_shared>>
        tpu.wait_dma2 semaphore(%run_scoped3A : memref<!tpu.dma_semaphore, #tpu.memory_space<semaphore_mem>>) src(%arg13 : memref<200x128xf32, #tpu.memory_space<vmem>>) dst(%dma_wait3A_95 : memref<200x128xf32, #tpu.memory_space<vmem_shared>>)
        tpu.yield
      }) : () -> ()
    } else {
    }
    %barrier3A = arith.constant 0 : index
    tpu.barrier barrier_id(%barrier3A)
    %mul3A_23 = arith.constant 10000 : i32
    %mul3A_24 = arith.muli %add3A, %mul3A_23 : i32
    %add3A_25 = arith.constant 0 : i32
    %add3A_26 = arith.addi %mul3A_24, %add3A_25 : i32
    %dma_start3A = tpu.memref_slice %arg3[%add3A_26] : memref<320080xi32, #tpu.memory_space<hbm>> -> memref<80xi32, #tpu.memory_space<hbm>>
    %dma_start3A_27 = tpu.memref_slice %arg3[%add3A_26] : memref<320080xi32, #tpu.memory_space<hbm>> -> memref<80xi32, #tpu.memory_space<hbm>>
    tpu.enqueue_dma source(%dma_start3A_27 : memref<80xi32, #tpu.memory_space<hbm>>) target(%arg7 : memref<80xi32, #tpu.memory_space<vmem>>) target_semaphore(%arg16 : memref<!tpu.dma_semaphore, #tpu.memory_space<semaphore_mem>>)
    %add3A_28 = arith.constant 0 : i32
    %add3A_29 = arith.addi %mul3A_24, %add3A_28 : i32
    %dma_start3A_30 = tpu.memref_slice %arg4[%add3A_29] : memref<320080xi32, #tpu.memory_space<hbm>> -> memref<80xi32, #tpu.memory_space<hbm>>
    %dma_start3A_31 = tpu.memref_slice %arg4[%add3A_29] : memref<320080xi32, #tpu.memory_space<hbm>> -> memref<80xi32, #tpu.memory_space<hbm>>
    tpu.enqueue_dma source(%dma_start3A_31 : memref<80xi32, #tpu.memory_space<hbm>>) target(%arg9 : memref<80xi32, #tpu.memory_space<vmem>>) target_semaphore(%arg18 : memref<!tpu.dma_semaphore, #tpu.memory_space<semaphore_mem>>)
    %add3A_32 = arith.constant 80 : i32
    %add3A_33 = arith.addi %mul3A_24, %add3A_32 : i32
    %dma_start3A_34 = tpu.memref_slice %arg3[%add3A_33] : memref<320080xi32, #tpu.memory_space<hbm>> -> memref<80xi32, #tpu.memory_space<hbm>>
    %dma_start3A_35 = tpu.memref_slice %arg3[%add3A_33] : memref<320080xi32, #tpu.memory_space<hbm>> -> memref<80xi32, #tpu.memory_space<hbm>>
    tpu.enqueue_dma source(%dma_start3A_35 : memref<80xi32, #tpu.memory_space<hbm>>) target(%arg8 : memref<80xi32, #tpu.memory_space<vmem>>) target_semaphore(%arg17 : memref<!tpu.dma_semaphore, #tpu.memory_space<semaphore_mem>>)
    %add3A_36 = arith.constant 80 : i32
    %add3A_37 = arith.addi %mul3A_24, %add3A_36 : i32
    %dma_start3A_38 = tpu.memref_slice %arg4[%add3A_37] : memref<320080xi32, #tpu.memory_space<hbm>> -> memref<80xi32, #tpu.memory_space<hbm>>
    %dma_start3A_39 = tpu.memref_slice %arg4[%add3A_37] : memref<320080xi32, #tpu.memory_space<hbm>> -> memref<80xi32, #tpu.memory_space<hbm>>
    tpu.enqueue_dma source(%dma_start3A_39 : memref<80xi32, #tpu.memory_space<hbm>>) target(%arg10 : memref<80xi32, #tpu.memory_space<vmem>>) target_semaphore(%arg19 : memref<!tpu.dma_semaphore, #tpu.memory_space<semaphore_mem>>)
    %dma_wait3A = tpu.memref_slice %arg3[%mul3A_24] : memref<320080xi32, #tpu.memory_space<hbm>> -> memref<80xi32, #tpu.memory_space<hbm>>
    %dma_wait3A_40 = tpu.memref_slice %arg3[%mul3A_24] : memref<320080xi32, #tpu.memory_space<hbm>> -> memref<80xi32, #tpu.memory_space<hbm>>
    tpu.wait_dma2 semaphore(%arg16 : memref<!tpu.dma_semaphore, #tpu.memory_space<semaphore_mem>>) src(%dma_wait3A_40 : memref<80xi32, #tpu.memory_space<hbm>>) dst(%arg7 : memref<80xi32, #tpu.memory_space<vmem>>)
    %dma_start3A_41 = arith.constant 0 : i32
    %dma_start3A_42 = arith.constant 0 : i32
    %dma_start3A_43 = tpu.memref_slice %arg2[%dma_start3A_41, %dma_start3A_42] : memref<10000x128xf32, #tpu.memory_space<hbm>> -> memref<10000x128xf32, #tpu.memory_space<hbm>>
    tpu.enqueue_indirect_dma source(%dma_start3A_43 : memref<10000x128xf32, #tpu.memory_space<hbm>>) target(%arg11 : memref<80x128xf32, #tpu.memory_space<vmem>>) offsets(%arg7 : memref<80xi32, #tpu.memory_space<vmem>>) semaphore(%arg14 : memref<!tpu.dma_semaphore, #tpu.memory_space<semaphore_mem>>)
    %scan3A_44 = arith.constant 0 : i32
    %scan3A_45 = arith.constant 0 : i32
    %scan3A_46 = arith.constant 62 : i32
    %scan3A_47 = arith.addi %scan3A_45, %scan3A_46 : i32
    %scan3A_48 = arith.constant 1 : i32
    %scan3A_49 = scf.for %scan3A_86 = %scan3A_45 to %scan3A_47 step %scan3A_48 iter_args(%scan3A_87 = %scan3A_44) -> (i32)  : i32 {
      %mul3A_88 = arith.constant 2 : i32
      %mul3A_89 = arith.muli %mul3A_88, %scan3A_86 : i32
      %dma_wait3A_90 = tpu.memref_slice %arg3[%mul3A_24] : memref<320080xi32, #tpu.memory_space<hbm>> -> memref<80xi32, #tpu.memory_space<hbm>>
      %dma_wait3A_91 = tpu.memref_slice %arg3[%mul3A_24] : memref<320080xi32, #tpu.memory_space<hbm>> -> memref<80xi32, #tpu.memory_space<hbm>>
      tpu.wait_dma2 semaphore(%arg17 : memref<!tpu.dma_semaphore, #tpu.memory_space<semaphore_mem>>) src(%dma_wait3A_91 : memref<80xi32, #tpu.memory_space<hbm>>) dst(%arg8 : memref<80xi32, #tpu.memory_space<vmem>>)
      %dma_start3A_92 = arith.constant 0 : i32
      %dma_start3A_93 = arith.constant 0 : i32
      %dma_start3A_94 = tpu.memref_slice %arg2[%dma_start3A_92, %dma_start3A_93] : memref<10000x128xf32, #tpu.memory_space<hbm>> -> memref<10000x128xf32, #tpu.memory_space<hbm>>
      tpu.enqueue_indirect_dma source(%dma_start3A_94 : memref<10000x128xf32, #tpu.memory_space<hbm>>) target(%arg12 : memref<80x128xf32, #tpu.memory_space<vmem>>) offsets(%arg8 : memref<80xi32, #tpu.memory_space<vmem>>) semaphore(%arg15 : memref<!tpu.dma_semaphore, #tpu.memory_space<semaphore_mem>>)
      %dma_wait3A_95 = arith.constant 0 : i32
      %dma_wait3A_96 = arith.constant 0 : i32
      %dma_wait3A_97 = tpu.memref_slice %arg2[%dma_wait3A_95, %dma_wait3A_96] : memref<10000x128xf32, #tpu.memory_space<hbm>> -> memref<10000x128xf32, #tpu.memory_space<hbm>>
      tpu.wait_indirect_dma semaphore(%arg14 : memref<!tpu.dma_semaphore, #tpu.memory_space<semaphore_mem>>) src(%dma_wait3A_97 : memref<10000x128xf32, #tpu.memory_space<hbm>>) dst(%arg11 : memref<80x128xf32, #tpu.memory_space<vmem>>)
      %add3A_98 = arith.constant 2 : i32
      %add3A_99 = arith.addi %mul3A_89, %add3A_98 : i32
      %mul3A_100 = arith.constant 80 : i32
      %mul3A_101 = arith.muli %add3A_99, %mul3A_100 : i32
      %add3A_102 = arith.addi %mul3A_24, %mul3A_101 : i32
      %dma_start3A_103 = tpu.memref_slice %arg3[%add3A_102] : memref<320080xi32, #tpu.memory_space<hbm>> -> memref<80xi32, #tpu.memory_space<hbm>>
      %dma_start3A_104 = tpu.memref_slice %arg3[%add3A_102] : memref<320080xi32, #tpu.memory_space<hbm>> -> memref<80xi32, #tpu.memory_space<hbm>>
      tpu.enqueue_dma source(%dma_start3A_104 : memref<80xi32, #tpu.memory_space<hbm>>) target(%arg7 : memref<80xi32, #tpu.memory_space<vmem>>) target_semaphore(%arg16 : memref<!tpu.dma_semaphore, #tpu.memory_space<semaphore_mem>>)
      %dma_wait3A_105 = tpu.memref_slice %arg4[%mul3A_24] : memref<320080xi32, #tpu.memory_space<hbm>> -> memref<80xi32, #tpu.memory_space<hbm>>
      %dma_wait3A_106 = tpu.memref_slice %arg4[%mul3A_24] : memref<320080xi32, #tpu.memory_space<hbm>> -> memref<80xi32, #tpu.memory_space<hbm>>
      tpu.wait_dma2 semaphore(%arg18 : memref<!tpu.dma_semaphore, #tpu.memory_space<semaphore_mem>>) src(%dma_wait3A_106 : memref<80xi32, #tpu.memory_space<hbm>>) dst(%arg9 : memref<80xi32, #tpu.memory_space<vmem>>)
      "tpu.region"() ({
        %run_scoped3A = tpu.sem_alloc : memref<!tpu.dma_semaphore, #tpu.memory_space<semaphore_mem>>
        %dma_start3A_139 = arith.constant 0 : i32
        %dma_start3A_140 = arith.constant 0 : i32
        %dma_start3A_141 = tpu.memref_slice %arg6[%dma_start3A_139, %dma_start3A_140] : memref<10000x128xf32, #tpu.memory_space<vmem_shared>> -> memref<10000x128xf32, #tpu.memory_space<vmem_shared>>
        tpu.enqueue_indirect_dma source(%arg11 : memref<80x128xf32, #tpu.memory_space<vmem>>) target(%dma_start3A_141 : memref<10000x128xf32, #tpu.memory_space<vmem_shared>>) offsets(%arg9 : memref<80xi32, #tpu.memory_space<vmem>>) semaphore(%run_scoped3A : memref<!tpu.dma_semaphore, #tpu.memory_space<semaphore_mem>>) {add = true}
        %dma_wait3A_142 = arith.constant 0 : i32
        %dma_wait3A_143 = arith.constant 0 : i32
        %dma_wait3A_144 = tpu.memref_slice %arg6[%dma_wait3A_142, %dma_wait3A_143] : memref<10000x128xf32, #tpu.memory_space<vmem_shared>> -> memref<10000x128xf32, #tpu.memory_space<vmem_shared>>
        tpu.wait_indirect_dma semaphore(%run_scoped3A : memref<!tpu.dma_semaphore, #tpu.memory_space<semaphore_mem>>) src(%arg11 : memref<80x128xf32, #tpu.memory_space<vmem>>) dst(%dma_wait3A_144 : memref<10000x128xf32, #tpu.memory_space<vmem_shared>>)
        tpu.yield
      }) : () -> ()
      %add3A_107 = arith.constant 2 : i32
      %add3A_108 = arith.addi %mul3A_89, %add3A_107 : i32
      %mul3A_109 = arith.constant 80 : i32
      %mul3A_110 = arith.muli %add3A_108, %mul3A_109 : i32
      %add3A_111 = arith.addi %mul3A_24, %mul3A_110 : i32
      %dma_start3A_112 = tpu.memref_slice %arg4[%add3A_111] : memref<320080xi32, #tpu.memory_space<hbm>> -> memref<80xi32, #tpu.memory_space<hbm>>
      %dma_start3A_113 = tpu.memref_slice %arg4[%add3A_111] : memref<320080xi32, #tpu.memory_space<hbm>> -> memref<80xi32, #tpu.memory_space<hbm>>
      tpu.enqueue_dma source(%dma_start3A_113 : memref<80xi32, #tpu.memory_space<hbm>>) target(%arg9 : memref<80xi32, #tpu.memory_space<vmem>>) target_semaphore(%arg18 : memref<!tpu.dma_semaphore, #tpu.memory_space<semaphore_mem>>)
      %dma_wait3A_114 = tpu.memref_slice %arg3[%mul3A_24] : memref<320080xi32, #tpu.memory_space<hbm>> -> memref<80xi32, #tpu.memory_space<hbm>>
      %dma_wait3A_115 = tpu.memref_slice %arg3[%mul3A_24] : memref<320080xi32, #tpu.memory_space<hbm>> -> memref<80xi32, #tpu.memory_space<hbm>>
      tpu.wait_dma2 semaphore(%arg16 : memref<!tpu.dma_semaphore, #tpu.memory_space<semaphore_mem>>) src(%dma_wait3A_115 : memref<80xi32, #tpu.memory_space<hbm>>) dst(%arg7 : memref<80xi32, #tpu.memory_space<vmem>>)
      %dma_start3A_116 = arith.constant 0 : i32
      %dma_start3A_117 = arith.constant 0 : i32
      %dma_start3A_118 = tpu.memref_slice %arg2[%dma_start3A_116, %dma_start3A_117] : memref<10000x128xf32, #tpu.memory_space<hbm>> -> memref<10000x128xf32, #tpu.memory_space<hbm>>
      tpu.enqueue_indirect_dma source(%dma_start3A_118 : memref<10000x128xf32, #tpu.memory_space<hbm>>) target(%arg11 : memref<80x128xf32, #tpu.memory_space<vmem>>) offsets(%arg7 : memref<80xi32, #tpu.memory_space<vmem>>) semaphore(%arg14 : memref<!tpu.dma_semaphore, #tpu.memory_space<semaphore_mem>>)
      %dma_wait3A_119 = arith.constant 0 : i32
      %dma_wait3A_120 = arith.constant 0 : i32
      %dma_wait3A_121 = tpu.memref_slice %arg2[%dma_wait3A_119, %dma_wait3A_120] : memref<10000x128xf32, #tpu.memory_space<hbm>> -> memref<10000x128xf32, #tpu.memory_space<hbm>>
      tpu.wait_indirect_dma semaphore(%arg15 : memref<!tpu.dma_semaphore, #tpu.memory_space<semaphore_mem>>) src(%dma_wait3A_121 : memref<10000x128xf32, #tpu.memory_space<hbm>>) dst(%arg12 : memref<80x128xf32, #tpu.memory_space<vmem>>)
      %add3A_122 = arith.constant 3 : i32
      %add3A_123 = arith.addi %mul3A_89, %add3A_122 : i32
      %mul3A_124 = arith.constant 80 : i32
      %mul3A_125 = arith.muli %add3A_123, %mul3A_124 : i32
      %add3A_126 = arith.addi %mul3A_24, %mul3A_125 : i32
      %dma_start3A_127 = tpu.memref_slice %arg3[%add3A_126] : memref<320080xi32, #tpu.memory_space<hbm>> -> memref<80xi32, #tpu.memory_space<hbm>>
      %dma_start3A_128 = tpu.memref_slice %arg3[%add3A_126] : memref<320080xi32, #tpu.memory_space<hbm>> -> memref<80xi32, #tpu.memory_space<hbm>>
      tpu.enqueue_dma source(%dma_start3A_128 : memref<80xi32, #tpu.memory_space<hbm>>) target(%arg8 : memref<80xi32, #tpu.memory_space<vmem>>) target_semaphore(%arg17 : memref<!tpu.dma_semaphore, #tpu.memory_space<semaphore_mem>>)
      %dma_wait3A_129 = tpu.memref_slice %arg4[%mul3A_24] : memref<320080xi32, #tpu.memory_space<hbm>> -> memref<80xi32, #tpu.memory_space<hbm>>
      %dma_wait3A_130 = tpu.memref_slice %arg4[%mul3A_24] : memref<320080xi32, #tpu.memory_space<hbm>> -> memref<80xi32, #tpu.memory_space<hbm>>
      tpu.wait_dma2 semaphore(%arg19 : memref<!tpu.dma_semaphore, #tpu.memory_space<semaphore_mem>>) src(%dma_wait3A_130 : memref<80xi32, #tpu.memory_space<hbm>>) dst(%arg10 : memref<80xi32, #tpu.memory_space<vmem>>)
      "tpu.region"() ({
        %run_scoped3A = tpu.sem_alloc : memref<!tpu.dma_semaphore, #tpu.memory_space<semaphore_mem>>
        %dma_start3A_139 = arith.constant 0 : i32
        %dma_start3A_140 = arith.constant 0 : i32
        %dma_start3A_141 = tpu.memref_slice %arg6[%dma_start3A_139, %dma_start3A_140] : memref<10000x128xf32, #tpu.memory_space<vmem_shared>> -> memref<10000x128xf32, #tpu.memory_space<vmem_shared>>
        tpu.enqueue_indirect_dma source(%arg12 : memref<80x128xf32, #tpu.memory_space<vmem>>) target(%dma_start3A_141 : memref<10000x128xf32, #tpu.memory_space<vmem_shared>>) offsets(%arg10 : memref<80xi32, #tpu.memory_space<vmem>>) semaphore(%run_scoped3A : memref<!tpu.dma_semaphore, #tpu.memory_space<semaphore_mem>>) {add = true}
        %dma_wait3A_142 = arith.constant 0 : i32
        %dma_wait3A_143 = arith.constant 0 : i32
        %dma_wait3A_144 = tpu.memref_slice %arg6[%dma_wait3A_142, %dma_wait3A_143] : memref<10000x128xf32, #tpu.memory_space<vmem_shared>> -> memref<10000x128xf32, #tpu.memory_space<vmem_shared>>
        tpu.wait_indirect_dma semaphore(%run_scoped3A : memref<!tpu.dma_semaphore, #tpu.memory_space<semaphore_mem>>) src(%arg12 : memref<80x128xf32, #tpu.memory_space<vmem>>) dst(%dma_wait3A_144 : memref<10000x128xf32, #tpu.memory_space<vmem_shared>>)
        tpu.yield
      }) : () -> ()
      %add3A_131 = arith.constant 3 : i32
      %add3A_132 = arith.addi %mul3A_89, %add3A_131 : i32
      %mul3A_133 = arith.constant 80 : i32
      %mul3A_134 = arith.muli %add3A_132, %mul3A_133 : i32
      %add3A_135 = arith.addi %mul3A_24, %mul3A_134 : i32
      %dma_start3A_136 = tpu.memref_slice %arg4[%add3A_135] : memref<320080xi32, #tpu.memory_space<hbm>> -> memref<80xi32, #tpu.memory_space<hbm>>
      %dma_start3A_137 = tpu.memref_slice %arg4[%add3A_135] : memref<320080xi32, #tpu.memory_space<hbm>> -> memref<80xi32, #tpu.memory_space<hbm>>
      tpu.enqueue_dma source(%dma_start3A_137 : memref<80xi32, #tpu.memory_space<hbm>>) target(%arg10 : memref<80xi32, #tpu.memory_space<vmem>>) target_semaphore(%arg19 : memref<!tpu.dma_semaphore, #tpu.memory_space<semaphore_mem>>)
      %scan3A_138 = arith.constant 0 : i32
      scf.yield %scan3A_138 : i32
    }
    %scan3A_50 = arith.constant 62 : i32
    %dma_wait3A_51 = arith.constant 0 : i32
    %dma_wait3A_52 = arith.constant 0 : i32
    %dma_wait3A_53 = tpu.memref_slice %arg2[%dma_wait3A_51, %dma_wait3A_52] : memref<10000x128xf32, #tpu.memory_space<hbm>> -> memref<10000x128xf32, #tpu.memory_space<hbm>>
    tpu.wait_indirect_dma semaphore(%arg14 : memref<!tpu.dma_semaphore, #tpu.memory_space<semaphore_mem>>) src(%dma_wait3A_53 : memref<10000x128xf32, #tpu.memory_space<hbm>>) dst(%arg11 : memref<80x128xf32, #tpu.memory_space<vmem>>)
    %dma_wait3A_54 = tpu.memref_slice %arg4[%mul3A_24] : memref<320080xi32, #tpu.memory_space<hbm>> -> memref<80xi32, #tpu.memory_space<hbm>>
    %dma_wait3A_55 = tpu.memref_slice %arg4[%mul3A_24] : memref<320080xi32, #tpu.memory_space<hbm>> -> memref<80xi32, #tpu.memory_space<hbm>>
    tpu.wait_dma2 semaphore(%arg18 : memref<!tpu.dma_semaphore, #tpu.memory_space<semaphore_mem>>) src(%dma_wait3A_55 : memref<80xi32, #tpu.memory_space<hbm>>) dst(%arg9 : memref<80xi32, #tpu.memory_space<vmem>>)
    "tpu.region"() ({
      %run_scoped3A = tpu.sem_alloc : memref<!tpu.dma_semaphore, #tpu.memory_space<semaphore_mem>>
      %dma_start3A_86 = arith.constant 0 : i32
      %dma_start3A_87 = arith.constant 0 : i32
      %dma_start3A_88 = tpu.memref_slice %arg6[%dma_start3A_86, %dma_start3A_87] : memref<10000x128xf32, #tpu.memory_space<vmem_shared>> -> memref<10000x128xf32, #tpu.memory_space<vmem_shared>>
      tpu.enqueue_indirect_dma source(%arg11 : memref<80x128xf32, #tpu.memory_space<vmem>>) target(%dma_start3A_88 : memref<10000x128xf32, #tpu.memory_space<vmem_shared>>) offsets(%arg9 : memref<80xi32, #tpu.memory_space<vmem>>) semaphore(%run_scoped3A : memref<!tpu.dma_semaphore, #tpu.memory_space<semaphore_mem>>) {add = true}
      %dma_wait3A_89 = arith.constant 0 : i32
      %dma_wait3A_90 = arith.constant 0 : i32
      %dma_wait3A_91 = tpu.memref_slice %arg6[%dma_wait3A_89, %dma_wait3A_90] : memref<10000x128xf32, #tpu.memory_space<vmem_shared>> -> memref<10000x128xf32, #tpu.memory_space<vmem_shared>>
      tpu.wait_indirect_dma semaphore(%run_scoped3A : memref<!tpu.dma_semaphore, #tpu.memory_space<semaphore_mem>>) src(%arg11 : memref<80x128xf32, #tpu.memory_space<vmem>>) dst(%dma_wait3A_91 : memref<10000x128xf32, #tpu.memory_space<vmem_shared>>)
      tpu.yield
    }) : () -> ()
    %dma_wait3A_56 = tpu.memref_slice %arg3[%mul3A_24] : memref<320080xi32, #tpu.memory_space<hbm>> -> memref<80xi32, #tpu.memory_space<hbm>>
    %dma_wait3A_57 = tpu.memref_slice %arg3[%mul3A_24] : memref<320080xi32, #tpu.memory_space<hbm>> -> memref<80xi32, #tpu.memory_space<hbm>>
    tpu.wait_dma2 semaphore(%arg17 : memref<!tpu.dma_semaphore, #tpu.memory_space<semaphore_mem>>) src(%dma_wait3A_57 : memref<80xi32, #tpu.memory_space<hbm>>) dst(%arg8 : memref<80xi32, #tpu.memory_space<vmem>>)
    %dma_wait3A_58 = tpu.memref_slice %arg4[%mul3A_24] : memref<320080xi32, #tpu.memory_space<hbm>> -> memref<80xi32, #tpu.memory_space<hbm>>
    %dma_wait3A_59 = tpu.memref_slice %arg4[%mul3A_24] : memref<320080xi32, #tpu.memory_space<hbm>> -> memref<80xi32, #tpu.memory_space<hbm>>
    tpu.wait_dma2 semaphore(%arg19 : memref<!tpu.dma_semaphore, #tpu.memory_space<semaphore_mem>>) src(%dma_wait3A_59 : memref<80xi32, #tpu.memory_space<hbm>>) dst(%arg10 : memref<80xi32, #tpu.memory_space<vmem>>)
    %barrier3A_60 = arith.constant 0 : index
    tpu.barrier barrier_id(%barrier3A_60)
    %add3A_61 = arith.constant 0 : i32
    %add3A_62 = arith.addi %add3A_61, %arg1 : i32
    %mul3A_63 = arith.constant 200 : i32
    %mul3A_64 = arith.muli %add3A_62, %mul3A_63 : i32
    "tpu.region"() ({
      %run_scoped3A = tpu.sem_alloc : memref<!tpu.dma_semaphore, #tpu.memory_space<semaphore_mem>>
      %dma_start3A_86 = arith.constant 0 : i32
      %dma_start3A_87 = tpu.memref_slice %arg6[%mul3A_64, %dma_start3A_86] : memref<10000x128xf32, #tpu.memory_space<vmem_shared>> -> memref<200x128xf32, #tpu.memory_space<vmem_shared>>
      %dma_start3A_88 = arith.constant 0 : i32
      %dma_start3A_89 = tpu.memref_slice %arg6[%mul3A_64, %dma_start3A_88] : memref<10000x128xf32, #tpu.memory_space<vmem_shared>> -> memref<200x128xf32, #tpu.memory_space<vmem_shared>>
      tpu.enqueue_dma source(%dma_start3A_89 : memref<200x128xf32, #tpu.memory_space<vmem_shared>>) target(%arg13 : memref<200x128xf32, #tpu.memory_space<vmem>>) target_semaphore(%run_scoped3A : memref<!tpu.dma_semaphore, #tpu.memory_space<semaphore_mem>>)
      %dma_wait3A_90 = arith.constant 0 : i32
      %dma_wait3A_91 = tpu.memref_slice %arg6[%mul3A_64, %dma_wait3A_90] : memref<10000x128xf32, #tpu.memory_space<vmem_shared>> -> memref<200x128xf32, #tpu.memory_space<vmem_shared>>
      %dma_wait3A_92 = arith.constant 0 : i32
      %dma_wait3A_93 = tpu.memref_slice %arg6[%mul3A_64, %dma_wait3A_92] : memref<10000x128xf32, #tpu.memory_space<vmem_shared>> -> memref<200x128xf32, #tpu.memory_space<vmem_shared>>
      tpu.wait_dma2 semaphore(%run_scoped3A : memref<!tpu.dma_semaphore, #tpu.memory_space<semaphore_mem>>) src(%dma_wait3A_93 : memref<200x128xf32, #tpu.memory_space<vmem_shared>>) dst(%arg13 : memref<200x128xf32, #tpu.memory_space<vmem>>)
      tpu.yield
    }) : () -> ()
    %mul3A_65 = arith.constant 200 : i32
    %mul3A_66 = arith.muli %add3A_62, %mul3A_65 : i32
    "tpu.region"() ({
      %run_scoped3A = tpu.sem_alloc : memref<!tpu.dma_semaphore, #tpu.memory_space<semaphore_mem>>
      %dma_start3A_86 = arith.constant 0 : i32
      %dma_start3A_87 = tpu.memref_slice %arg5[%arg0, %mul3A_66, %dma_start3A_86] : memref<2x10000x128xf32, #tpu.memory_space<hbm>> -> memref<1x200x128xf32, #tpu.memory_space<hbm>>
      %dma_start3A_88 = tpu.memref_squeeze %dma_start3A_87 : memref<1x200x128xf32, #tpu.memory_space<hbm>> -> memref<200x128xf32, #tpu.memory_space<hbm>>
      %dma_start3A_89 = arith.constant 0 : i32
      %dma_start3A_90 = tpu.memref_slice %arg5[%arg0, %mul3A_66, %dma_start3A_89] : memref<2x10000x128xf32, #tpu.memory_space<hbm>> -> memref<1x200x128xf32, #tpu.memory_space<hbm>>
      %dma_start3A_91 = tpu.memref_squeeze %dma_start3A_90 : memref<1x200x128xf32, #tpu.memory_space<hbm>> -> memref<200x128xf32, #tpu.memory_space<hbm>>
      tpu.enqueue_dma source(%arg13 : memref<200x128xf32, #tpu.memory_space<vmem>>) target(%dma_start3A_91 : memref<200x128xf32, #tpu.memory_space<hbm>>) target_semaphore(%run_scoped3A : memref<!tpu.dma_semaphore, #tpu.memory_space<semaphore_mem>>)
      %dma_wait3A_92 = arith.constant 0 : i32
      %dma_wait3A_93 = tpu.memref_slice %arg5[%arg0, %mul3A_66, %dma_wait3A_92] : memref<2x10000x128xf32, #tpu.memory_space<hbm>> -> memref<1x200x128xf32, #tpu.memory_space<hbm>>
      %dma_wait3A_94 = tpu.memref_squeeze %dma_wait3A_93 : memref<1x200x128xf32, #tpu.memory_space<hbm>> -> memref<200x128xf32, #tpu.memory_space<hbm>>
      %dma_wait3A_95 = arith.constant 0 : i32
      %dma_wait3A_96 = tpu.memref_slice %arg5[%arg0, %mul3A_66, %dma_wait3A_95] : memref<2x10000x128xf32, #tpu.memory_space<hbm>> -> memref<1x200x128xf32, #tpu.memory_space<hbm>>
      %dma_wait3A_97 = tpu.memref_squeeze %dma_wait3A_96 : memref<1x200x128xf32, #tpu.memory_space<hbm>> -> memref<200x128xf32, #tpu.memory_space<hbm>>
      tpu.wait_dma2 semaphore(%run_scoped3A : memref<!tpu.dma_semaphore, #tpu.memory_space<semaphore_mem>>) src(%arg13 : memref<200x128xf32, #tpu.memory_space<vmem>>) dst(%dma_wait3A_97 : memref<200x128xf32, #tpu.memory_space<hbm>>)
      tpu.yield
    }) : () -> ()
    %add3A_67 = arith.constant 16 : i32
    %add3A_68 = arith.addi %add3A_67, %arg1 : i32
    %mul3A_69 = arith.constant 200 : i32
    %mul3A_70 = arith.muli %add3A_68, %mul3A_69 : i32
    "tpu.region"() ({
      %run_scoped3A = tpu.sem_alloc : memref<!tpu.dma_semaphore, #tpu.memory_space<semaphore_mem>>
      %dma_start3A_86 = arith.constant 0 : i32
      %dma_start3A_87 = tpu.memref_slice %arg6[%mul3A_70, %dma_start3A_86] : memref<10000x128xf32, #tpu.memory_space<vmem_shared>> -> memref<200x128xf32, #tpu.memory_space<vmem_shared>>
      %dma_start3A_88 = arith.constant 0 : i32
      %dma_start3A_89 = tpu.memref_slice %arg6[%mul3A_70, %dma_start3A_88] : memref<10000x128xf32, #tpu.memory_space<vmem_shared>> -> memref<200x128xf32, #tpu.memory_space<vmem_shared>>
      tpu.enqueue_dma source(%dma_start3A_89 : memref<200x128xf32, #tpu.memory_space<vmem_shared>>) target(%arg13 : memref<200x128xf32, #tpu.memory_space<vmem>>) target_semaphore(%run_scoped3A : memref<!tpu.dma_semaphore, #tpu.memory_space<semaphore_mem>>)
      %dma_wait3A_90 = arith.constant 0 : i32
      %dma_wait3A_91 = tpu.memref_slice %arg6[%mul3A_70, %dma_wait3A_90] : memref<10000x128xf32, #tpu.memory_space<vmem_shared>> -> memref<200x128xf32, #tpu.memory_space<vmem_shared>>
      %dma_wait3A_92 = arith.constant 0 : i32
      %dma_wait3A_93 = tpu.memref_slice %arg6[%mul3A_70, %dma_wait3A_92] : memref<10000x128xf32, #tpu.memory_space<vmem_shared>> -> memref<200x128xf32, #tpu.memory_space<vmem_shared>>
      tpu.wait_dma2 semaphore(%run_scoped3A : memref<!tpu.dma_semaphore, #tpu.memory_space<semaphore_mem>>) src(%dma_wait3A_93 : memref<200x128xf32, #tpu.memory_space<vmem_shared>>) dst(%arg13 : memref<200x128xf32, #tpu.memory_space<vmem>>)
      tpu.yield
    }) : () -> ()
    %mul3A_71 = arith.constant 200 : i32
    %mul3A_72 = arith.muli %add3A_68, %mul3A_71 : i32
    "tpu.region"() ({
      %run_scoped3A = tpu.sem_alloc : memref<!tpu.dma_semaphore, #tpu.memory_space<semaphore_mem>>
      %dma_start3A_86 = arith.constant 0 : i32
      %dma_start3A_87 = tpu.memref_slice %arg5[%arg0, %mul3A_72, %dma_start3A_86] : memref<2x10000x128xf32, #tpu.memory_space<hbm>> -> memref<1x200x128xf32, #tpu.memory_space<hbm>>
      %dma_start3A_88 = tpu.memref_squeeze %dma_start3A_87 : memref<1x200x128xf32, #tpu.memory_space<hbm>> -> memref<200x128xf32, #tpu.memory_space<hbm>>
      %dma_start3A_89 = arith.constant 0 : i32
      %dma_start3A_90 = tpu.memref_slice %arg5[%arg0, %mul3A_72, %dma_start3A_89] : memref<2x10000x128xf32, #tpu.memory_space<hbm>> -> memref<1x200x128xf32, #tpu.memory_space<hbm>>
      %dma_start3A_91 = tpu.memref_squeeze %dma_start3A_90 : memref<1x200x128xf32, #tpu.memory_space<hbm>> -> memref<200x128xf32, #tpu.memory_space<hbm>>
      tpu.enqueue_dma source(%arg13 : memref<200x128xf32, #tpu.memory_space<vmem>>) target(%dma_start3A_91 : memref<200x128xf32, #tpu.memory_space<hbm>>) target_semaphore(%run_scoped3A : memref<!tpu.dma_semaphore, #tpu.memory_space<semaphore_mem>>)
      %dma_wait3A_92 = arith.constant 0 : i32
      %dma_wait3A_93 = tpu.memref_slice %arg5[%arg0, %mul3A_72, %dma_wait3A_92] : memref<2x10000x128xf32, #tpu.memory_space<hbm>> -> memref<1x200x128xf32, #tpu.memory_space<hbm>>
      %dma_wait3A_94 = tpu.memref_squeeze %dma_wait3A_93 : memref<1x200x128xf32, #tpu.memory_space<hbm>> -> memref<200x128xf32, #tpu.memory_space<hbm>>
      %dma_wait3A_95 = arith.constant 0 : i32
      %dma_wait3A_96 = tpu.memref_slice %arg5[%arg0, %mul3A_72, %dma_wait3A_95] : memref<2x10000x128xf32, #tpu.memory_space<hbm>> -> memref<1x200x128xf32, #tpu.memory_space<hbm>>
      %dma_wait3A_97 = tpu.memref_squeeze %dma_wait3A_96 : memref<1x200x128xf32, #tpu.memory_space<hbm>> -> memref<200x128xf32, #tpu.memory_space<hbm>>
      tpu.wait_dma2 semaphore(%run_scoped3A : memref<!tpu.dma_semaphore, #tpu.memory_space<semaphore_mem>>) src(%arg13 : memref<200x128xf32, #tpu.memory_space<vmem>>) dst(%dma_wait3A_97 : memref<200x128xf32, #tpu.memory_space<hbm>>)
      tpu.yield
    }) : () -> ()
    %add3A_73 = arith.constant 32 : i32
    %add3A_74 = arith.addi %add3A_73, %arg1 : i32
    %mul3A_75 = arith.constant 200 : i32
    %mul3A_76 = arith.muli %add3A_74, %mul3A_75 : i32
    "tpu.region"() ({
      %run_scoped3A = tpu.sem_alloc : memref<!tpu.dma_semaphore, #tpu.memory_space<semaphore_mem>>
      %dma_start3A_86 = arith.constant 0 : i32
      %dma_start3A_87 = tpu.memref_slice %arg6[%mul3A_76, %dma_start3A_86] : memref<10000x128xf32, #tpu.memory_space<vmem_shared>> -> memref<200x128xf32, #tpu.memory_space<vmem_shared>>
      %dma_start3A_88 = arith.constant 0 : i32
      %dma_start3A_89 = tpu.memref_slice %arg6[%mul3A_76, %dma_start3A_88] : memref<10000x128xf32, #tpu.memory_space<vmem_shared>> -> memref<200x128xf32, #tpu.memory_space<vmem_shared>>
      tpu.enqueue_dma source(%dma_start3A_89 : memref<200x128xf32, #tpu.memory_space<vmem_shared>>) target(%arg13 : memref<200x128xf32, #tpu.memory_space<vmem>>) target_semaphore(%run_scoped3A : memref<!tpu.dma_semaphore, #tpu.memory_space<semaphore_mem>>)
      %dma_wait3A_90 = arith.constant 0 : i32
      %dma_wait3A_91 = tpu.memref_slice %arg6[%mul3A_76, %dma_wait3A_90] : memref<10000x128xf32, #tpu.memory_space<vmem_shared>> -> memref<200x128xf32, #tpu.memory_space<vmem_shared>>
      %dma_wait3A_92 = arith.constant 0 : i32
      %dma_wait3A_93 = tpu.memref_slice %arg6[%mul3A_76, %dma_wait3A_92] : memref<10000x128xf32, #tpu.memory_space<vmem_shared>> -> memref<200x128xf32, #tpu.memory_space<vmem_shared>>
      tpu.wait_dma2 semaphore(%run_scoped3A : memref<!tpu.dma_semaphore, #tpu.memory_space<semaphore_mem>>) src(%dma_wait3A_93 : memref<200x128xf32, #tpu.memory_space<vmem_shared>>) dst(%arg13 : memref<200x128xf32, #tpu.memory_space<vmem>>)
      tpu.yield
    }) : () -> ()
    %mul3A_77 = arith.constant 200 : i32
    %mul3A_78 = arith.muli %add3A_74, %mul3A_77 : i32
    "tpu.region"() ({
      %run_scoped3A = tpu.sem_alloc : memref<!tpu.dma_semaphore, #tpu.memory_space<semaphore_mem>>
      %dma_start3A_86 = arith.constant 0 : i32
      %dma_start3A_87 = tpu.memref_slice %arg5[%arg0, %mul3A_78, %dma_start3A_86] : memref<2x10000x128xf32, #tpu.memory_space<hbm>> -> memref<1x200x128xf32, #tpu.memory_space<hbm>>
      %dma_start3A_88 = tpu.memref_squeeze %dma_start3A_87 : memref<1x200x128xf32, #tpu.memory_space<hbm>> -> memref<200x128xf32, #tpu.memory_space<hbm>>
      %dma_start3A_89 = arith.constant 0 : i32
      %dma_start3A_90 = tpu.memref_slice %arg5[%arg0, %mul3A_78, %dma_start3A_89] : memref<2x10000x128xf32, #tpu.memory_space<hbm>> -> memref<1x200x128xf32, #tpu.memory_space<hbm>>
      %dma_start3A_91 = tpu.memref_squeeze %dma_start3A_90 : memref<1x200x128xf32, #tpu.memory_space<hbm>> -> memref<200x128xf32, #tpu.memory_space<hbm>>
      tpu.enqueue_dma source(%arg13 : memref<200x128xf32, #tpu.memory_space<vmem>>) target(%dma_start3A_91 : memref<200x128xf32, #tpu.memory_space<hbm>>) target_semaphore(%run_scoped3A : memref<!tpu.dma_semaphore, #tpu.memory_space<semaphore_mem>>)
      %dma_wait3A_92 = arith.constant 0 : i32
      %dma_wait3A_93 = tpu.memref_slice %arg5[%arg0, %mul3A_78, %dma_wait3A_92] : memref<2x10000x128xf32, #tpu.memory_space<hbm>> -> memref<1x200x128xf32, #tpu.memory_space<hbm>>
      %dma_wait3A_94 = tpu.memref_squeeze %dma_wait3A_93 : memref<1x200x128xf32, #tpu.memory_space<hbm>> -> memref<200x128xf32, #tpu.memory_space<hbm>>
      %dma_wait3A_95 = arith.constant 0 : i32
      %dma_wait3A_96 = tpu.memref_slice %arg5[%arg0, %mul3A_78, %dma_wait3A_95] : memref<2x10000x128xf32, #tpu.memory_space<hbm>> -> memref<1x200x128xf32, #tpu.memory_space<hbm>>
      %dma_wait3A_97 = tpu.memref_squeeze %dma_wait3A_96 : memref<1x200x128xf32, #tpu.memory_space<hbm>> -> memref<200x128xf32, #tpu.memory_space<hbm>>
      tpu.wait_dma2 semaphore(%run_scoped3A : memref<!tpu.dma_semaphore, #tpu.memory_space<semaphore_mem>>) src(%arg13 : memref<200x128xf32, #tpu.memory_space<vmem>>) dst(%dma_wait3A_97 : memref<200x128xf32, #tpu.memory_space<hbm>>)
      tpu.yield
    }) : () -> ()
    %add3A_79 = arith.constant 48 : i32
    %add3A_80 = arith.addi %add3A_79, %arg1 : i32
    %lt3A_81 = arith.constant 50 : i32
    %lt3A_82 = arith.cmpi slt, %add3A_80, %lt3A_81 : i32
    %convert_element_type3A_83 = arith.extui %lt3A_82 : i1 to i32
    %cond3A_84 = arith.constant 0 : i32
    %cond3A_85 = arith.cmpi ne, %convert_element_type3A_83, %cond3A_84 : i32
    scf.if %cond3A_85 {
      %mul3A_86 = arith.constant 200 : i32
      %mul3A_87 = arith.muli %add3A_80, %mul3A_86 : i32
      "tpu.region"() ({
        %run_scoped3A = tpu.sem_alloc : memref<!tpu.dma_semaphore, #tpu.memory_space<semaphore_mem>>
        %dma_start3A_90 = arith.constant 0 : i32
        %dma_start3A_91 = tpu.memref_slice %arg6[%mul3A_87, %dma_start3A_90] : memref<10000x128xf32, #tpu.memory_space<vmem_shared>> -> memref<200x128xf32, #tpu.memory_space<vmem_shared>>
        %dma_start3A_92 = arith.constant 0 : i32
        %dma_start3A_93 = tpu.memref_slice %arg6[%mul3A_87, %dma_start3A_92] : memref<10000x128xf32, #tpu.memory_space<vmem_shared>> -> memref<200x128xf32, #tpu.memory_space<vmem_shared>>
        tpu.enqueue_dma source(%dma_start3A_93 : memref<200x128xf32, #tpu.memory_space<vmem_shared>>) target(%arg13 : memref<200x128xf32, #tpu.memory_space<vmem>>) target_semaphore(%run_scoped3A : memref<!tpu.dma_semaphore, #tpu.memory_space<semaphore_mem>>)
        %dma_wait3A_94 = arith.constant 0 : i32
        %dma_wait3A_95 = tpu.memref_slice %arg6[%mul3A_87, %dma_wait3A_94] : memref<10000x128xf32, #tpu.memory_space<vmem_shared>> -> memref<200x128xf32, #tpu.memory_space<vmem_shared>>
        %dma_wait3A_96 = arith.constant 0 : i32
        %dma_wait3A_97 = tpu.memref_slice %arg6[%mul3A_87, %dma_wait3A_96] : memref<10000x128xf32, #tpu.memory_space<vmem_shared>> -> memref<200x128xf32, #tpu.memory_space<vmem_shared>>
        tpu.wait_dma2 semaphore(%run_scoped3A : memref<!tpu.dma_semaphore, #tpu.memory_space<semaphore_mem>>) src(%dma_wait3A_97 : memref<200x128xf32, #tpu.memory_space<vmem_shared>>) dst(%arg13 : memref<200x128xf32, #tpu.memory_space<vmem>>)
        tpu.yield
      }) : () -> ()
      %mul3A_88 = arith.constant 200 : i32
      %mul3A_89 = arith.muli %add3A_80, %mul3A_88 : i32
      "tpu.region"() ({
        %run_scoped3A = tpu.sem_alloc : memref<!tpu.dma_semaphore, #tpu.memory_space<semaphore_mem>>
        %dma_start3A_90 = arith.constant 0 : i32
        %dma_start3A_91 = tpu.memref_slice %arg5[%arg0, %mul3A_89, %dma_start3A_90] : memref<2x10000x128xf32, #tpu.memory_space<hbm>> -> memref<1x200x128xf32, #tpu.memory_space<hbm>>
        %dma_start3A_92 = tpu.memref_squeeze %dma_start3A_91 : memref<1x200x128xf32, #tpu.memory_space<hbm>> -> memref<200x128xf32, #tpu.memory_space<hbm>>
        %dma_start3A_93 = arith.constant 0 : i32
        %dma_start3A_94 = tpu.memref_slice %arg5[%arg0, %mul3A_89, %dma_start3A_93] : memref<2x10000x128xf32, #tpu.memory_space<hbm>> -> memref<1x200x128xf32, #tpu.memory_space<hbm>>
        %dma_start3A_95 = tpu.memref_squeeze %dma_start3A_94 : memref<1x200x128xf32, #tpu.memory_space<hbm>> -> memref<200x128xf32, #tpu.memory_space<hbm>>
        tpu.enqueue_dma source(%arg13 : memref<200x128xf32, #tpu.memory_space<vmem>>) target(%dma_start3A_95 : memref<200x128xf32, #tpu.memory_space<hbm>>) target_semaphore(%run_scoped3A : memref<!tpu.dma_semaphore, #tpu.memory_space<semaphore_mem>>)
        %dma_wait3A_96 = arith.constant 0 : i32
        %dma_wait3A_97 = tpu.memref_slice %arg5[%arg0, %mul3A_89, %dma_wait3A_96] : memref<2x10000x128xf32, #tpu.memory_space<hbm>> -> memref<1x200x128xf32, #tpu.memory_space<hbm>>
        %dma_wait3A_98 = tpu.memref_squeeze %dma_wait3A_97 : memref<1x200x128xf32, #tpu.memory_space<hbm>> -> memref<200x128xf32, #tpu.memory_space<hbm>>
        %dma_wait3A_99 = arith.constant 0 : i32
        %dma_wait3A_100 = tpu.memref_slice %arg5[%arg0, %mul3A_89, %dma_wait3A_99] : memref<2x10000x128xf32, #tpu.memory_space<hbm>> -> memref<1x200x128xf32, #tpu.memory_space<hbm>>
        %dma_wait3A_101 = tpu.memref_squeeze %dma_wait3A_100 : memref<1x200x128xf32, #tpu.memory_space<hbm>> -> memref<200x128xf32, #tpu.memory_space<hbm>>
        tpu.wait_dma2 semaphore(%run_scoped3A : memref<!tpu.dma_semaphore, #tpu.memory_space<semaphore_mem>>) src(%arg13 : memref<200x128xf32, #tpu.memory_space<vmem>>) dst(%dma_wait3A_101 : memref<200x128xf32, #tpu.memory_space<hbm>>)
        tpu.yield
      }) : () -> ()
    } else {
    }
    return
  }
}

#map = affine_map<(d0, d1) -> (0)>
module attributes {stable_mosaic.version = 14 : i64} {
  func.func @body(%arg0: i32, %arg1: i32, %arg2: memref<320080xi32, #tpu.memory_space<hbm>>, %arg3: memref<80xf32, #tpu.memory_space<hbm>>, %arg4: memref<200xf32, #tpu.memory_space<hbm>>, %arg5: memref<20000xf32, #tpu.memory_space<hbm>>, %arg6: memref<10000xf32, #tpu.memory_space<vmem_shared>>, %arg7: memref<80xi32, #tpu.memory_space<vmem>>, %arg8: memref<80xi32, #tpu.memory_space<vmem>>, %arg9: memref<80xf32, #tpu.memory_space<vmem>>, %arg10: memref<200xf32, #tpu.memory_space<vmem>>, %arg11: memref<!tpu.dma_semaphore, #tpu.memory_space<semaphore_mem>>, %arg12: memref<!tpu.dma_semaphore, #tpu.memory_space<semaphore_mem>>) attributes {dimension_semantics = [#tpu.dimension_semantics<core_parallel>, #tpu.dimension_semantics<subcore_parallel>], iteration_bounds = array<i64: 2, 16>, scalar_prefetch = 0 : i64, scratch_operands = 7 : i64, tpu.core_type = #tpu.core_type<sc_vector_subcore>, window_params = [{transform_indices = #map}, {transform_indices = #map}, {transform_indices = #map}, {transform_indices = #map}]} {
    %mul3A = arith.constant 16 : i32
    %mul3A_0 = arith.muli %arg0, %mul3A : i32
    %add3A = arith.addi %mul3A_0, %arg1 : i32
    "tpu.region"() ({
      %run_scoped3A = tpu.sem_alloc : memref<!tpu.dma_semaphore, #tpu.memory_space<semaphore_mem>>
      tpu.enqueue_dma source(%arg4 : memref<200xf32, #tpu.memory_space<hbm>>) target(%arg10 : memref<200xf32, #tpu.memory_space<vmem>>) target_semaphore(%run_scoped3A : memref<!tpu.dma_semaphore, #tpu.memory_space<semaphore_mem>>)
      tpu.wait_dma2 semaphore(%run_scoped3A : memref<!tpu.dma_semaphore, #tpu.memory_space<semaphore_mem>>) src(%arg4 : memref<200xf32, #tpu.memory_space<hbm>>) dst(%arg10 : memref<200xf32, #tpu.memory_space<vmem>>)
      tpu.yield
    }) : () -> ()
    %add3A_1 = arith.constant 0 : i32
    %add3A_2 = arith.addi %add3A_1, %arg1 : i32
    %mul3A_3 = arith.constant 200 : i32
    %mul3A_4 = arith.muli %add3A_2, %mul3A_3 : i32
    "tpu.region"() ({
      %run_scoped3A = tpu.sem_alloc : memref<!tpu.dma_semaphore, #tpu.memory_space<semaphore_mem>>
      %dma_start3A_70 = tpu.memref_slice %arg6[%mul3A_4] : memref<10000xf32, #tpu.memory_space<vmem_shared>> -> memref<200xf32, #tpu.memory_space<vmem_shared>>
      %dma_start3A_71 = tpu.memref_slice %arg6[%mul3A_4] : memref<10000xf32, #tpu.memory_space<vmem_shared>> -> memref<200xf32, #tpu.memory_space<vmem_shared>>
      tpu.enqueue_dma source(%arg10 : memref<200xf32, #tpu.memory_space<vmem>>) target(%dma_start3A_71 : memref<200xf32, #tpu.memory_space<vmem_shared>>) target_semaphore(%run_scoped3A : memref<!tpu.dma_semaphore, #tpu.memory_space<semaphore_mem>>)
      %dma_wait3A_72 = tpu.memref_slice %arg6[%mul3A_4] : memref<10000xf32, #tpu.memory_space<vmem_shared>> -> memref<200xf32, #tpu.memory_space<vmem_shared>>
      %dma_wait3A_73 = tpu.memref_slice %arg6[%mul3A_4] : memref<10000xf32, #tpu.memory_space<vmem_shared>> -> memref<200xf32, #tpu.memory_space<vmem_shared>>
      tpu.wait_dma2 semaphore(%run_scoped3A : memref<!tpu.dma_semaphore, #tpu.memory_space<semaphore_mem>>) src(%arg10 : memref<200xf32, #tpu.memory_space<vmem>>) dst(%dma_wait3A_73 : memref<200xf32, #tpu.memory_space<vmem_shared>>)
      tpu.yield
    }) : () -> ()
    %add3A_5 = arith.constant 16 : i32
    %add3A_6 = arith.addi %add3A_5, %arg1 : i32
    %mul3A_7 = arith.constant 200 : i32
    %mul3A_8 = arith.muli %add3A_6, %mul3A_7 : i32
    "tpu.region"() ({
      %run_scoped3A = tpu.sem_alloc : memref<!tpu.dma_semaphore, #tpu.memory_space<semaphore_mem>>
      %dma_start3A_70 = tpu.memref_slice %arg6[%mul3A_8] : memref<10000xf32, #tpu.memory_space<vmem_shared>> -> memref<200xf32, #tpu.memory_space<vmem_shared>>
      %dma_start3A_71 = tpu.memref_slice %arg6[%mul3A_8] : memref<10000xf32, #tpu.memory_space<vmem_shared>> -> memref<200xf32, #tpu.memory_space<vmem_shared>>
      tpu.enqueue_dma source(%arg10 : memref<200xf32, #tpu.memory_space<vmem>>) target(%dma_start3A_71 : memref<200xf32, #tpu.memory_space<vmem_shared>>) target_semaphore(%run_scoped3A : memref<!tpu.dma_semaphore, #tpu.memory_space<semaphore_mem>>)
      %dma_wait3A_72 = tpu.memref_slice %arg6[%mul3A_8] : memref<10000xf32, #tpu.memory_space<vmem_shared>> -> memref<200xf32, #tpu.memory_space<vmem_shared>>
      %dma_wait3A_73 = tpu.memref_slice %arg6[%mul3A_8] : memref<10000xf32, #tpu.memory_space<vmem_shared>> -> memref<200xf32, #tpu.memory_space<vmem_shared>>
      tpu.wait_dma2 semaphore(%run_scoped3A : memref<!tpu.dma_semaphore, #tpu.memory_space<semaphore_mem>>) src(%arg10 : memref<200xf32, #tpu.memory_space<vmem>>) dst(%dma_wait3A_73 : memref<200xf32, #tpu.memory_space<vmem_shared>>)
      tpu.yield
    }) : () -> ()
    %add3A_9 = arith.constant 32 : i32
    %add3A_10 = arith.addi %add3A_9, %arg1 : i32
    %mul3A_11 = arith.constant 200 : i32
    %mul3A_12 = arith.muli %add3A_10, %mul3A_11 : i32
    "tpu.region"() ({
      %run_scoped3A = tpu.sem_alloc : memref<!tpu.dma_semaphore, #tpu.memory_space<semaphore_mem>>
      %dma_start3A_70 = tpu.memref_slice %arg6[%mul3A_12] : memref<10000xf32, #tpu.memory_space<vmem_shared>> -> memref<200xf32, #tpu.memory_space<vmem_shared>>
      %dma_start3A_71 = tpu.memref_slice %arg6[%mul3A_12] : memref<10000xf32, #tpu.memory_space<vmem_shared>> -> memref<200xf32, #tpu.memory_space<vmem_shared>>
      tpu.enqueue_dma source(%arg10 : memref<200xf32, #tpu.memory_space<vmem>>) target(%dma_start3A_71 : memref<200xf32, #tpu.memory_space<vmem_shared>>) target_semaphore(%run_scoped3A : memref<!tpu.dma_semaphore, #tpu.memory_space<semaphore_mem>>)
      %dma_wait3A_72 = tpu.memref_slice %arg6[%mul3A_12] : memref<10000xf32, #tpu.memory_space<vmem_shared>> -> memref<200xf32, #tpu.memory_space<vmem_shared>>
      %dma_wait3A_73 = tpu.memref_slice %arg6[%mul3A_12] : memref<10000xf32, #tpu.memory_space<vmem_shared>> -> memref<200xf32, #tpu.memory_space<vmem_shared>>
      tpu.wait_dma2 semaphore(%run_scoped3A : memref<!tpu.dma_semaphore, #tpu.memory_space<semaphore_mem>>) src(%arg10 : memref<200xf32, #tpu.memory_space<vmem>>) dst(%dma_wait3A_73 : memref<200xf32, #tpu.memory_space<vmem_shared>>)
      tpu.yield
    }) : () -> ()
    %add3A_13 = arith.constant 48 : i32
    %add3A_14 = arith.addi %add3A_13, %arg1 : i32
    %lt3A = arith.constant 50 : i32
    %lt3A_15 = arith.cmpi slt, %add3A_14, %lt3A : i32
    %convert_element_type3A = arith.extui %lt3A_15 : i1 to i32
    %cond3A = arith.constant 0 : i32
    %cond3A_16 = arith.cmpi ne, %convert_element_type3A, %cond3A : i32
    scf.if %cond3A_16 {
      %mul3A_70 = arith.constant 200 : i32
      %mul3A_71 = arith.muli %add3A_14, %mul3A_70 : i32
      "tpu.region"() ({
        %run_scoped3A = tpu.sem_alloc : memref<!tpu.dma_semaphore, #tpu.memory_space<semaphore_mem>>
        %dma_start3A_72 = tpu.memref_slice %arg6[%mul3A_71] : memref<10000xf32, #tpu.memory_space<vmem_shared>> -> memref<200xf32, #tpu.memory_space<vmem_shared>>
        %dma_start3A_73 = tpu.memref_slice %arg6[%mul3A_71] : memref<10000xf32, #tpu.memory_space<vmem_shared>> -> memref<200xf32, #tpu.memory_space<vmem_shared>>
        tpu.enqueue_dma source(%arg10 : memref<200xf32, #tpu.memory_space<vmem>>) target(%dma_start3A_73 : memref<200xf32, #tpu.memory_space<vmem_shared>>) target_semaphore(%run_scoped3A : memref<!tpu.dma_semaphore, #tpu.memory_space<semaphore_mem>>)
        %dma_wait3A_74 = tpu.memref_slice %arg6[%mul3A_71] : memref<10000xf32, #tpu.memory_space<vmem_shared>> -> memref<200xf32, #tpu.memory_space<vmem_shared>>
        %dma_wait3A_75 = tpu.memref_slice %arg6[%mul3A_71] : memref<10000xf32, #tpu.memory_space<vmem_shared>> -> memref<200xf32, #tpu.memory_space<vmem_shared>>
        tpu.wait_dma2 semaphore(%run_scoped3A : memref<!tpu.dma_semaphore, #tpu.memory_space<semaphore_mem>>) src(%arg10 : memref<200xf32, #tpu.memory_space<vmem>>) dst(%dma_wait3A_75 : memref<200xf32, #tpu.memory_space<vmem_shared>>)
        tpu.yield
      }) : () -> ()
    } else {
    }
    "tpu.region"() ({
      %run_scoped3A = tpu.sem_alloc : memref<!tpu.dma_semaphore, #tpu.memory_space<semaphore_mem>>
      tpu.enqueue_dma source(%arg3 : memref<80xf32, #tpu.memory_space<hbm>>) target(%arg9 : memref<80xf32, #tpu.memory_space<vmem>>) target_semaphore(%run_scoped3A : memref<!tpu.dma_semaphore, #tpu.memory_space<semaphore_mem>>)
      tpu.wait_dma2 semaphore(%run_scoped3A : memref<!tpu.dma_semaphore, #tpu.memory_space<semaphore_mem>>) src(%arg3 : memref<80xf32, #tpu.memory_space<hbm>>) dst(%arg9 : memref<80xf32, #tpu.memory_space<vmem>>)
      tpu.yield
    }) : () -> ()
    %barrier3A = arith.constant 0 : index
    tpu.barrier barrier_id(%barrier3A)
    %mul3A_17 = arith.constant 10000 : i32
    %mul3A_18 = arith.muli %add3A, %mul3A_17 : i32
    %add3A_19 = arith.constant 0 : i32
    %add3A_20 = arith.addi %mul3A_18, %add3A_19 : i32
    %dma_start3A = tpu.memref_slice %arg2[%add3A_20] : memref<320080xi32, #tpu.memory_space<hbm>> -> memref<80xi32, #tpu.memory_space<hbm>>
    %dma_start3A_21 = tpu.memref_slice %arg2[%add3A_20] : memref<320080xi32, #tpu.memory_space<hbm>> -> memref<80xi32, #tpu.memory_space<hbm>>
    tpu.enqueue_dma source(%dma_start3A_21 : memref<80xi32, #tpu.memory_space<hbm>>) target(%arg7 : memref<80xi32, #tpu.memory_space<vmem>>) target_semaphore(%arg11 : memref<!tpu.dma_semaphore, #tpu.memory_space<semaphore_mem>>)
    %add3A_22 = arith.constant 80 : i32
    %add3A_23 = arith.addi %mul3A_18, %add3A_22 : i32
    %dma_start3A_24 = tpu.memref_slice %arg2[%add3A_23] : memref<320080xi32, #tpu.memory_space<hbm>> -> memref<80xi32, #tpu.memory_space<hbm>>
    %dma_start3A_25 = tpu.memref_slice %arg2[%add3A_23] : memref<320080xi32, #tpu.memory_space<hbm>> -> memref<80xi32, #tpu.memory_space<hbm>>
    tpu.enqueue_dma source(%dma_start3A_25 : memref<80xi32, #tpu.memory_space<hbm>>) target(%arg8 : memref<80xi32, #tpu.memory_space<vmem>>) target_semaphore(%arg12 : memref<!tpu.dma_semaphore, #tpu.memory_space<semaphore_mem>>)
    %scan3A = arith.constant 0 : i32
    %scan3A_26 = arith.constant 0 : i32
    %scan3A_27 = arith.constant 62 : i32
    %scan3A_28 = arith.addi %scan3A_26, %scan3A_27 : i32
    %scan3A_29 = arith.constant 1 : i32
    %scan3A_30 = scf.for %scan3A_70 = %scan3A_26 to %scan3A_28 step %scan3A_29 iter_args(%scan3A_71 = %scan3A) -> (i32)  : i32 {
      %mul3A_72 = arith.constant 2 : i32
      %mul3A_73 = arith.muli %mul3A_72, %scan3A_70 : i32
      %dma_wait3A_74 = tpu.memref_slice %arg2[%mul3A_18] : memref<320080xi32, #tpu.memory_space<hbm>> -> memref<80xi32, #tpu.memory_space<hbm>>
      %dma_wait3A_75 = tpu.memref_slice %arg2[%mul3A_18] : memref<320080xi32, #tpu.memory_space<hbm>> -> memref<80xi32, #tpu.memory_space<hbm>>
      tpu.wait_dma2 semaphore(%arg11 : memref<!tpu.dma_semaphore, #tpu.memory_space<semaphore_mem>>) src(%dma_wait3A_75 : memref<80xi32, #tpu.memory_space<hbm>>) dst(%arg7 : memref<80xi32, #tpu.memory_space<vmem>>)
      "tpu.region"() ({
        %run_scoped3A = tpu.sem_alloc : memref<!tpu.dma_semaphore, #tpu.memory_space<semaphore_mem>>
        %dma_start3A_93 = arith.constant 0 : i32
        %dma_start3A_94 = tpu.memref_slice %arg6[%dma_start3A_93] : memref<10000xf32, #tpu.memory_space<vmem_shared>> -> memref<10000xf32, #tpu.memory_space<vmem_shared>>
        tpu.enqueue_indirect_dma source(%arg9 : memref<80xf32, #tpu.memory_space<vmem>>) target(%dma_start3A_94 : memref<10000xf32, #tpu.memory_space<vmem_shared>>) offsets(%arg7 : memref<80xi32, #tpu.memory_space<vmem>>) semaphore(%run_scoped3A : memref<!tpu.dma_semaphore, #tpu.memory_space<semaphore_mem>>) {add = true}
        %dma_wait3A_95 = arith.constant 0 : i32
        %dma_wait3A_96 = tpu.memref_slice %arg6[%dma_wait3A_95] : memref<10000xf32, #tpu.memory_space<vmem_shared>> -> memref<10000xf32, #tpu.memory_space<vmem_shared>>
        tpu.wait_indirect_dma semaphore(%run_scoped3A : memref<!tpu.dma_semaphore, #tpu.memory_space<semaphore_mem>>) src(%arg9 : memref<80xf32, #tpu.memory_space<vmem>>) dst(%dma_wait3A_96 : memref<10000xf32, #tpu.memory_space<vmem_shared>>)
        tpu.yield
      }) : () -> ()
      %add3A_76 = arith.constant 2 : i32
      %add3A_77 = arith.addi %mul3A_73, %add3A_76 : i32
      %mul3A_78 = arith.constant 80 : i32
      %mul3A_79 = arith.muli %add3A_77, %mul3A_78 : i32
      %add3A_80 = arith.addi %mul3A_18, %mul3A_79 : i32
      %dma_start3A_81 = tpu.memref_slice %arg2[%add3A_80] : memref<320080xi32, #tpu.memory_space<hbm>> -> memref<80xi32, #tpu.memory_space<hbm>>
      %dma_start3A_82 = tpu.memref_slice %arg2[%add3A_80] : memref<320080xi32, #tpu.memory_space<hbm>> -> memref<80xi32, #tpu.memory_space<hbm>>
      tpu.enqueue_dma source(%dma_start3A_82 : memref<80xi32, #tpu.memory_space<hbm>>) target(%arg7 : memref<80xi32, #tpu.memory_space<vmem>>) target_semaphore(%arg11 : memref<!tpu.dma_semaphore, #tpu.memory_space<semaphore_mem>>)
      %dma_wait3A_83 = tpu.memref_slice %arg2[%mul3A_18] : memref<320080xi32, #tpu.memory_space<hbm>> -> memref<80xi32, #tpu.memory_space<hbm>>
      %dma_wait3A_84 = tpu.memref_slice %arg2[%mul3A_18] : memref<320080xi32, #tpu.memory_space<hbm>> -> memref<80xi32, #tpu.memory_space<hbm>>
      tpu.wait_dma2 semaphore(%arg12 : memref<!tpu.dma_semaphore, #tpu.memory_space<semaphore_mem>>) src(%dma_wait3A_84 : memref<80xi32, #tpu.memory_space<hbm>>) dst(%arg8 : memref<80xi32, #tpu.memory_space<vmem>>)
      "tpu.region"() ({
        %run_scoped3A = tpu.sem_alloc : memref<!tpu.dma_semaphore, #tpu.memory_space<semaphore_mem>>
        %dma_start3A_93 = arith.constant 0 : i32
        %dma_start3A_94 = tpu.memref_slice %arg6[%dma_start3A_93] : memref<10000xf32, #tpu.memory_space<vmem_shared>> -> memref<10000xf32, #tpu.memory_space<vmem_shared>>
        tpu.enqueue_indirect_dma source(%arg9 : memref<80xf32, #tpu.memory_space<vmem>>) target(%dma_start3A_94 : memref<10000xf32, #tpu.memory_space<vmem_shared>>) offsets(%arg8 : memref<80xi32, #tpu.memory_space<vmem>>) semaphore(%run_scoped3A : memref<!tpu.dma_semaphore, #tpu.memory_space<semaphore_mem>>) {add = true}
        %dma_wait3A_95 = arith.constant 0 : i32
        %dma_wait3A_96 = tpu.memref_slice %arg6[%dma_wait3A_95] : memref<10000xf32, #tpu.memory_space<vmem_shared>> -> memref<10000xf32, #tpu.memory_space<vmem_shared>>
        tpu.wait_indirect_dma semaphore(%run_scoped3A : memref<!tpu.dma_semaphore, #tpu.memory_space<semaphore_mem>>) src(%arg9 : memref<80xf32, #tpu.memory_space<vmem>>) dst(%dma_wait3A_96 : memref<10000xf32, #tpu.memory_space<vmem_shared>>)
        tpu.yield
      }) : () -> ()
      %add3A_85 = arith.constant 3 : i32
      %add3A_86 = arith.addi %mul3A_73, %add3A_85 : i32
      %mul3A_87 = arith.constant 80 : i32
      %mul3A_88 = arith.muli %add3A_86, %mul3A_87 : i32
      %add3A_89 = arith.addi %mul3A_18, %mul3A_88 : i32
      %dma_start3A_90 = tpu.memref_slice %arg2[%add3A_89] : memref<320080xi32, #tpu.memory_space<hbm>> -> memref<80xi32, #tpu.memory_space<hbm>>
      %dma_start3A_91 = tpu.memref_slice %arg2[%add3A_89] : memref<320080xi32, #tpu.memory_space<hbm>> -> memref<80xi32, #tpu.memory_space<hbm>>
      tpu.enqueue_dma source(%dma_start3A_91 : memref<80xi32, #tpu.memory_space<hbm>>) target(%arg8 : memref<80xi32, #tpu.memory_space<vmem>>) target_semaphore(%arg12 : memref<!tpu.dma_semaphore, #tpu.memory_space<semaphore_mem>>)
      %scan3A_92 = arith.constant 0 : i32
      scf.yield %scan3A_92 : i32
    }
    %scan3A_31 = arith.constant 62 : i32
    %dma_wait3A = tpu.memref_slice %arg2[%mul3A_18] : memref<320080xi32, #tpu.memory_space<hbm>> -> memref<80xi32, #tpu.memory_space<hbm>>
    %dma_wait3A_32 = tpu.memref_slice %arg2[%mul3A_18] : memref<320080xi32, #tpu.memory_space<hbm>> -> memref<80xi32, #tpu.memory_space<hbm>>
    tpu.wait_dma2 semaphore(%arg11 : memref<!tpu.dma_semaphore, #tpu.memory_space<semaphore_mem>>) src(%dma_wait3A_32 : memref<80xi32, #tpu.memory_space<hbm>>) dst(%arg7 : memref<80xi32, #tpu.memory_space<vmem>>)
    "tpu.region"() ({
      %run_scoped3A = tpu.sem_alloc : memref<!tpu.dma_semaphore, #tpu.memory_space<semaphore_mem>>
      %dma_start3A_70 = arith.constant 0 : i32
      %dma_start3A_71 = tpu.memref_slice %arg6[%dma_start3A_70] : memref<10000xf32, #tpu.memory_space<vmem_shared>> -> memref<10000xf32, #tpu.memory_space<vmem_shared>>
      tpu.enqueue_indirect_dma source(%arg9 : memref<80xf32, #tpu.memory_space<vmem>>) target(%dma_start3A_71 : memref<10000xf32, #tpu.memory_space<vmem_shared>>) offsets(%arg7 : memref<80xi32, #tpu.memory_space<vmem>>) semaphore(%run_scoped3A : memref<!tpu.dma_semaphore, #tpu.memory_space<semaphore_mem>>) {add = true}
      %dma_wait3A_72 = arith.constant 0 : i32
      %dma_wait3A_73 = tpu.memref_slice %arg6[%dma_wait3A_72] : memref<10000xf32, #tpu.memory_space<vmem_shared>> -> memref<10000xf32, #tpu.memory_space<vmem_shared>>
      tpu.wait_indirect_dma semaphore(%run_scoped3A : memref<!tpu.dma_semaphore, #tpu.memory_space<semaphore_mem>>) src(%arg9 : memref<80xf32, #tpu.memory_space<vmem>>) dst(%dma_wait3A_73 : memref<10000xf32, #tpu.memory_space<vmem_shared>>)
      tpu.yield
    }) : () -> ()
    %dma_wait3A_33 = tpu.memref_slice %arg2[%mul3A_18] : memref<320080xi32, #tpu.memory_space<hbm>> -> memref<80xi32, #tpu.memory_space<hbm>>
    %dma_wait3A_34 = tpu.memref_slice %arg2[%mul3A_18] : memref<320080xi32, #tpu.memory_space<hbm>> -> memref<80xi32, #tpu.memory_space<hbm>>
    tpu.wait_dma2 semaphore(%arg12 : memref<!tpu.dma_semaphore, #tpu.memory_space<semaphore_mem>>) src(%dma_wait3A_34 : memref<80xi32, #tpu.memory_space<hbm>>) dst(%arg8 : memref<80xi32, #tpu.memory_space<vmem>>)
    %barrier3A_35 = arith.constant 0 : index
    tpu.barrier barrier_id(%barrier3A_35)
    %add3A_36 = arith.constant 0 : i32
    %add3A_37 = arith.addi %add3A_36, %arg1 : i32
    %mul3A_38 = arith.constant 200 : i32
    %mul3A_39 = arith.muli %add3A_37, %mul3A_38 : i32
    "tpu.region"() ({
      %run_scoped3A = tpu.sem_alloc : memref<!tpu.dma_semaphore, #tpu.memory_space<semaphore_mem>>
      %dma_start3A_70 = tpu.memref_slice %arg6[%mul3A_39] : memref<10000xf32, #tpu.memory_space<vmem_shared>> -> memref<200xf32, #tpu.memory_space<vmem_shared>>
      %dma_start3A_71 = tpu.memref_slice %arg6[%mul3A_39] : memref<10000xf32, #tpu.memory_space<vmem_shared>> -> memref<200xf32, #tpu.memory_space<vmem_shared>>
      tpu.enqueue_dma source(%dma_start3A_71 : memref<200xf32, #tpu.memory_space<vmem_shared>>) target(%arg10 : memref<200xf32, #tpu.memory_space<vmem>>) target_semaphore(%run_scoped3A : memref<!tpu.dma_semaphore, #tpu.memory_space<semaphore_mem>>)
      %dma_wait3A_72 = tpu.memref_slice %arg6[%mul3A_39] : memref<10000xf32, #tpu.memory_space<vmem_shared>> -> memref<200xf32, #tpu.memory_space<vmem_shared>>
      %dma_wait3A_73 = tpu.memref_slice %arg6[%mul3A_39] : memref<10000xf32, #tpu.memory_space<vmem_shared>> -> memref<200xf32, #tpu.memory_space<vmem_shared>>
      tpu.wait_dma2 semaphore(%run_scoped3A : memref<!tpu.dma_semaphore, #tpu.memory_space<semaphore_mem>>) src(%dma_wait3A_73 : memref<200xf32, #tpu.memory_space<vmem_shared>>) dst(%arg10 : memref<200xf32, #tpu.memory_space<vmem>>)
      tpu.yield
    }) : () -> ()
    %mul3A_40 = arith.constant 10000 : i32
    %mul3A_41 = arith.muli %arg0, %mul3A_40 : i32
    %mul3A_42 = arith.constant 200 : i32
    %mul3A_43 = arith.muli %add3A_37, %mul3A_42 : i32
    %add3A_44 = arith.addi %mul3A_41, %mul3A_43 : i32
    "tpu.region"() ({
      %run_scoped3A = tpu.sem_alloc : memref<!tpu.dma_semaphore, #tpu.memory_space<semaphore_mem>>
      %dma_start3A_70 = tpu.memref_slice %arg5[%add3A_44] : memref<20000xf32, #tpu.memory_space<hbm>> -> memref<200xf32, #tpu.memory_space<hbm>>
      %dma_start3A_71 = tpu.memref_slice %arg5[%add3A_44] : memref<20000xf32, #tpu.memory_space<hbm>> -> memref<200xf32, #tpu.memory_space<hbm>>
      tpu.enqueue_dma source(%arg10 : memref<200xf32, #tpu.memory_space<vmem>>) target(%dma_start3A_71 : memref<200xf32, #tpu.memory_space<hbm>>) target_semaphore(%run_scoped3A : memref<!tpu.dma_semaphore, #tpu.memory_space<semaphore_mem>>)
      %dma_wait3A_72 = tpu.memref_slice %arg5[%add3A_44] : memref<20000xf32, #tpu.memory_space<hbm>> -> memref<200xf32, #tpu.memory_space<hbm>>
      %dma_wait3A_73 = tpu.memref_slice %arg5[%add3A_44] : memref<20000xf32, #tpu.memory_space<hbm>> -> memref<200xf32, #tpu.memory_space<hbm>>
      tpu.wait_dma2 semaphore(%run_scoped3A : memref<!tpu.dma_semaphore, #tpu.memory_space<semaphore_mem>>) src(%arg10 : memref<200xf32, #tpu.memory_space<vmem>>) dst(%dma_wait3A_73 : memref<200xf32, #tpu.memory_space<hbm>>)
      tpu.yield
    }) : () -> ()
    %add3A_45 = arith.constant 16 : i32
    %add3A_46 = arith.addi %add3A_45, %arg1 : i32
    %mul3A_47 = arith.constant 200 : i32
    %mul3A_48 = arith.muli %add3A_46, %mul3A_47 : i32
    "tpu.region"() ({
      %run_scoped3A = tpu.sem_alloc : memref<!tpu.dma_semaphore, #tpu.memory_space<semaphore_mem>>
      %dma_start3A_70 = tpu.memref_slice %arg6[%mul3A_48] : memref<10000xf32, #tpu.memory_space<vmem_shared>> -> memref<200xf32, #tpu.memory_space<vmem_shared>>
      %dma_start3A_71 = tpu.memref_slice %arg6[%mul3A_48] : memref<10000xf32, #tpu.memory_space<vmem_shared>> -> memref<200xf32, #tpu.memory_space<vmem_shared>>
      tpu.enqueue_dma source(%dma_start3A_71 : memref<200xf32, #tpu.memory_space<vmem_shared>>) target(%arg10 : memref<200xf32, #tpu.memory_space<vmem>>) target_semaphore(%run_scoped3A : memref<!tpu.dma_semaphore, #tpu.memory_space<semaphore_mem>>)
      %dma_wait3A_72 = tpu.memref_slice %arg6[%mul3A_48] : memref<10000xf32, #tpu.memory_space<vmem_shared>> -> memref<200xf32, #tpu.memory_space<vmem_shared>>
      %dma_wait3A_73 = tpu.memref_slice %arg6[%mul3A_48] : memref<10000xf32, #tpu.memory_space<vmem_shared>> -> memref<200xf32, #tpu.memory_space<vmem_shared>>
      tpu.wait_dma2 semaphore(%run_scoped3A : memref<!tpu.dma_semaphore, #tpu.memory_space<semaphore_mem>>) src(%dma_wait3A_73 : memref<200xf32, #tpu.memory_space<vmem_shared>>) dst(%arg10 : memref<200xf32, #tpu.memory_space<vmem>>)
      tpu.yield
    }) : () -> ()
    %mul3A_49 = arith.constant 10000 : i32
    %mul3A_50 = arith.muli %arg0, %mul3A_49 : i32
    %mul3A_51 = arith.constant 200 : i32
    %mul3A_52 = arith.muli %add3A_46, %mul3A_51 : i32
    %add3A_53 = arith.addi %mul3A_50, %mul3A_52 : i32
    "tpu.region"() ({
      %run_scoped3A = tpu.sem_alloc : memref<!tpu.dma_semaphore, #tpu.memory_space<semaphore_mem>>
      %dma_start3A_70 = tpu.memref_slice %arg5[%add3A_53] : memref<20000xf32, #tpu.memory_space<hbm>> -> memref<200xf32, #tpu.memory_space<hbm>>
      %dma_start3A_71 = tpu.memref_slice %arg5[%add3A_53] : memref<20000xf32, #tpu.memory_space<hbm>> -> memref<200xf32, #tpu.memory_space<hbm>>
      tpu.enqueue_dma source(%arg10 : memref<200xf32, #tpu.memory_space<vmem>>) target(%dma_start3A_71 : memref<200xf32, #tpu.memory_space<hbm>>) target_semaphore(%run_scoped3A : memref<!tpu.dma_semaphore, #tpu.memory_space<semaphore_mem>>)
      %dma_wait3A_72 = tpu.memref_slice %arg5[%add3A_53] : memref<20000xf32, #tpu.memory_space<hbm>> -> memref<200xf32, #tpu.memory_space<hbm>>
      %dma_wait3A_73 = tpu.memref_slice %arg5[%add3A_53] : memref<20000xf32, #tpu.memory_space<hbm>> -> memref<200xf32, #tpu.memory_space<hbm>>
      tpu.wait_dma2 semaphore(%run_scoped3A : memref<!tpu.dma_semaphore, #tpu.memory_space<semaphore_mem>>) src(%arg10 : memref<200xf32, #tpu.memory_space<vmem>>) dst(%dma_wait3A_73 : memref<200xf32, #tpu.memory_space<hbm>>)
      tpu.yield
    }) : () -> ()
    %add3A_54 = arith.constant 32 : i32
    %add3A_55 = arith.addi %add3A_54, %arg1 : i32
    %mul3A_56 = arith.constant 200 : i32
    %mul3A_57 = arith.muli %add3A_55, %mul3A_56 : i32
    "tpu.region"() ({
      %run_scoped3A = tpu.sem_alloc : memref<!tpu.dma_semaphore, #tpu.memory_space<semaphore_mem>>
      %dma_start3A_70 = tpu.memref_slice %arg6[%mul3A_57] : memref<10000xf32, #tpu.memory_space<vmem_shared>> -> memref<200xf32, #tpu.memory_space<vmem_shared>>
      %dma_start3A_71 = tpu.memref_slice %arg6[%mul3A_57] : memref<10000xf32, #tpu.memory_space<vmem_shared>> -> memref<200xf32, #tpu.memory_space<vmem_shared>>
      tpu.enqueue_dma source(%dma_start3A_71 : memref<200xf32, #tpu.memory_space<vmem_shared>>) target(%arg10 : memref<200xf32, #tpu.memory_space<vmem>>) target_semaphore(%run_scoped3A : memref<!tpu.dma_semaphore, #tpu.memory_space<semaphore_mem>>)
      %dma_wait3A_72 = tpu.memref_slice %arg6[%mul3A_57] : memref<10000xf32, #tpu.memory_space<vmem_shared>> -> memref<200xf32, #tpu.memory_space<vmem_shared>>
      %dma_wait3A_73 = tpu.memref_slice %arg6[%mul3A_57] : memref<10000xf32, #tpu.memory_space<vmem_shared>> -> memref<200xf32, #tpu.memory_space<vmem_shared>>
      tpu.wait_dma2 semaphore(%run_scoped3A : memref<!tpu.dma_semaphore, #tpu.memory_space<semaphore_mem>>) src(%dma_wait3A_73 : memref<200xf32, #tpu.memory_space<vmem_shared>>) dst(%arg10 : memref<200xf32, #tpu.memory_space<vmem>>)
      tpu.yield
    }) : () -> ()
    %mul3A_58 = arith.constant 10000 : i32
    %mul3A_59 = arith.muli %arg0, %mul3A_58 : i32
    %mul3A_60 = arith.constant 200 : i32
    %mul3A_61 = arith.muli %add3A_55, %mul3A_60 : i32
    %add3A_62 = arith.addi %mul3A_59, %mul3A_61 : i32
    "tpu.region"() ({
      %run_scoped3A = tpu.sem_alloc : memref<!tpu.dma_semaphore, #tpu.memory_space<semaphore_mem>>
      %dma_start3A_70 = tpu.memref_slice %arg5[%add3A_62] : memref<20000xf32, #tpu.memory_space<hbm>> -> memref<200xf32, #tpu.memory_space<hbm>>
      %dma_start3A_71 = tpu.memref_slice %arg5[%add3A_62] : memref<20000xf32, #tpu.memory_space<hbm>> -> memref<200xf32, #tpu.memory_space<hbm>>
      tpu.enqueue_dma source(%arg10 : memref<200xf32, #tpu.memory_space<vmem>>) target(%dma_start3A_71 : memref<200xf32, #tpu.memory_space<hbm>>) target_semaphore(%run_scoped3A : memref<!tpu.dma_semaphore, #tpu.memory_space<semaphore_mem>>)
      %dma_wait3A_72 = tpu.memref_slice %arg5[%add3A_62] : memref<20000xf32, #tpu.memory_space<hbm>> -> memref<200xf32, #tpu.memory_space<hbm>>
      %dma_wait3A_73 = tpu.memref_slice %arg5[%add3A_62] : memref<20000xf32, #tpu.memory_space<hbm>> -> memref<200xf32, #tpu.memory_space<hbm>>
      tpu.wait_dma2 semaphore(%run_scoped3A : memref<!tpu.dma_semaphore, #tpu.memory_space<semaphore_mem>>) src(%arg10 : memref<200xf32, #tpu.memory_space<vmem>>) dst(%dma_wait3A_73 : memref<200xf32, #tpu.memory_space<hbm>>)
      tpu.yield
    }) : () -> ()
    %add3A_63 = arith.constant 48 : i32
    %add3A_64 = arith.addi %add3A_63, %arg1 : i32
    %lt3A_65 = arith.constant 50 : i32
    %lt3A_66 = arith.cmpi slt, %add3A_64, %lt3A_65 : i32
    %convert_element_type3A_67 = arith.extui %lt3A_66 : i1 to i32
    %cond3A_68 = arith.constant 0 : i32
    %cond3A_69 = arith.cmpi ne, %convert_element_type3A_67, %cond3A_68 : i32
    scf.if %cond3A_69 {
      %mul3A_70 = arith.constant 200 : i32
      %mul3A_71 = arith.muli %add3A_64, %mul3A_70 : i32
      "tpu.region"() ({
        %run_scoped3A = tpu.sem_alloc : memref<!tpu.dma_semaphore, #tpu.memory_space<semaphore_mem>>
        %dma_start3A_77 = tpu.memref_slice %arg6[%mul3A_71] : memref<10000xf32, #tpu.memory_space<vmem_shared>> -> memref<200xf32, #tpu.memory_space<vmem_shared>>
        %dma_start3A_78 = tpu.memref_slice %arg6[%mul3A_71] : memref<10000xf32, #tpu.memory_space<vmem_shared>> -> memref<200xf32, #tpu.memory_space<vmem_shared>>
        tpu.enqueue_dma source(%dma_start3A_78 : memref<200xf32, #tpu.memory_space<vmem_shared>>) target(%arg10 : memref<200xf32, #tpu.memory_space<vmem>>) target_semaphore(%run_scoped3A : memref<!tpu.dma_semaphore, #tpu.memory_space<semaphore_mem>>)
        %dma_wait3A_79 = tpu.memref_slice %arg6[%mul3A_71] : memref<10000xf32, #tpu.memory_space<vmem_shared>> -> memref<200xf32, #tpu.memory_space<vmem_shared>>
        %dma_wait3A_80 = tpu.memref_slice %arg6[%mul3A_71] : memref<10000xf32, #tpu.memory_space<vmem_shared>> -> memref<200xf32, #tpu.memory_space<vmem_shared>>
        tpu.wait_dma2 semaphore(%run_scoped3A : memref<!tpu.dma_semaphore, #tpu.memory_space<semaphore_mem>>) src(%dma_wait3A_80 : memref<200xf32, #tpu.memory_space<vmem_shared>>) dst(%arg10 : memref<200xf32, #tpu.memory_space<vmem>>)
        tpu.yield
      }) : () -> ()
      %mul3A_72 = arith.constant 10000 : i32
      %mul3A_73 = arith.muli %arg0, %mul3A_72 : i32
      %mul3A_74 = arith.constant 200 : i32
      %mul3A_75 = arith.muli %add3A_64, %mul3A_74 : i32
      %add3A_76 = arith.addi %mul3A_73, %mul3A_75 : i32
      "tpu.region"() ({
        %run_scoped3A = tpu.sem_alloc : memref<!tpu.dma_semaphore, #tpu.memory_space<semaphore_mem>>
        %dma_start3A_77 = tpu.memref_slice %arg5[%add3A_76] : memref<20000xf32, #tpu.memory_space<hbm>> -> memref<200xf32, #tpu.memory_space<hbm>>
        %dma_start3A_78 = tpu.memref_slice %arg5[%add3A_76] : memref<20000xf32, #tpu.memory_space<hbm>> -> memref<200xf32, #tpu.memory_space<hbm>>
        tpu.enqueue_dma source(%arg10 : memref<200xf32, #tpu.memory_space<vmem>>) target(%dma_start3A_78 : memref<200xf32, #tpu.memory_space<hbm>>) target_semaphore(%run_scoped3A : memref<!tpu.dma_semaphore, #tpu.memory_space<semaphore_mem>>)
        %dma_wait3A_79 = tpu.memref_slice %arg5[%add3A_76] : memref<20000xf32, #tpu.memory_space<hbm>> -> memref<200xf32, #tpu.memory_space<hbm>>
        %dma_wait3A_80 = tpu.memref_slice %arg5[%add3A_76] : memref<20000xf32, #tpu.memory_space<hbm>> -> memref<200xf32, #tpu.memory_space<hbm>>
        tpu.wait_dma2 semaphore(%run_scoped3A : memref<!tpu.dma_semaphore, #tpu.memory_space<semaphore_mem>>) src(%arg10 : memref<200xf32, #tpu.memory_space<vmem>>) dst(%dma_wait3A_80 : memref<200xf32, #tpu.memory_space<hbm>>)
        tpu.yield
      }) : () -> ()
    } else {
    }
    return
  }
}

#map = affine_map<(d0, d1) -> (0, 0)>
#map1 = affine_map<(d0, d1) -> (0)>
#map2 = affine_map<(d0, d1) -> (0, 0, 0)>
module attributes {stable_mosaic.version = 14 : i64} {
  func.func @body(%arg0: i32, %arg1: i32, %arg2: memref<10000x128xf32, #tpu.memory_space<hbm>>, %arg3: memref<320080xi32, #tpu.memory_space<hbm>>, %arg4: memref<320080xi32, #tpu.memory_space<hbm>>, %arg5: memref<2x10000x128xf32, #tpu.memory_space<hbm>>, %arg6: memref<10000x128xf32, #tpu.memory_space<vmem_shared>>, %arg7: memref<80xi32, #tpu.memory_space<vmem>>, %arg8: memref<80xi32, #tpu.memory_space<vmem>>, %arg9: memref<80xi32, #tpu.memory_space<vmem>>, %arg10: memref<80xi32, #tpu.memory_space<vmem>>, %arg11: memref<80x128xf32, #tpu.memory_space<vmem>>, %arg12: memref<80x128xf32, #tpu.memory_space<vmem>>, %arg13: memref<200x128xf32, #tpu.memory_space<vmem>>, %arg14: memref<!tpu.dma_semaphore, #tpu.memory_space<semaphore_mem>>, %arg15: memref<!tpu.dma_semaphore, #tpu.memory_space<semaphore_mem>>, %arg16: memref<!tpu.dma_semaphore, #tpu.memory_space<semaphore_mem>>, %arg17: memref<!tpu.dma_semaphore, #tpu.memory_space<semaphore_mem>>, %arg18: memref<!tpu.dma_semaphore, #tpu.memory_space<semaphore_mem>>, %arg19: memref<!tpu.dma_semaphore, #tpu.memory_space<semaphore_mem>>) attributes {dimension_semantics = [#tpu.dimension_semantics<core_parallel>, #tpu.dimension_semantics<subcore_parallel>], iteration_bounds = array<i64: 2, 16>, scalar_prefetch = 0 : i64, scratch_operands = 14 : i64, tpu.core_type = #tpu.core_type<sc_vector_subcore>, window_params = [{transform_indices = #map}, {transform_indices = #map1}, {transform_indices = #map1}, {transform_indices = #map2}]} {
    %mul3A = arith.constant 16 : i32
    %mul3A_0 = arith.muli %arg0, %mul3A : i32
    %add3A = arith.addi %mul3A_0, %arg1 : i32
    %scan3A = arith.constant 0 : i32
    %scan3A_1 = arith.constant 0 : i32
    %scan3A_2 = arith.constant 200 : i32
    %scan3A_3 = arith.addi %scan3A_1, %scan3A_2 : i32
    %scan3A_4 = arith.constant 1 : i32
    %scan3A_5 = scf.for %scan3A_86 = %scan3A_1 to %scan3A_3 step %scan3A_4 iter_args(%scan3A_87 = %scan3A) -> (i32)  : i32 {
      %broadcast_in_dim3A = arith.constant 0.000000e+00 : f32
      %broadcast_in_dim3A_88 = vector.broadcast %broadcast_in_dim3A : f32 to vector<16xf32>
      %swap3A = arith.index_cast %scan3A_86 : i32 to index
      %swap3A_89 = arith.constant 0 : index
      %swap3A_90 = tpu.vector_load %arg13[%swap3A, %swap3A_89] {strides = array<i32>} : memref<200x128xf32, #tpu.memory_space<vmem>>, vector<1x16xf32>,
      %swap3A_91 = vector.shape_cast %swap3A_90 : vector<1x16xf32> to vector<16xf32>
      %swap3A_92 = vector.shape_cast %broadcast_in_dim3A_88 : vector<16xf32> to vector<1x16xf32>
      tpu.vector_store %arg13[%swap3A, %swap3A_89], %swap3A_92 {strides = array<i32>} : memref<200x128xf32, #tpu.memory_space<vmem>>, vector<1x16xf32>,
      %broadcast_in_dim3A_93 = arith.constant 0.000000e+00 : f32
      %broadcast_in_dim3A_94 = vector.broadcast %broadcast_in_dim3A_93 : f32 to vector<16xf32>
      %swap3A_95 = arith.index_cast %scan3A_86 : i32 to index
      %swap3A_96 = arith.constant 16 : index
      %swap3A_97 = tpu.vector_load %arg13[%swap3A_95, %swap3A_96] {strides = array<i32>} : memref<200x128xf32, #tpu.memory_space<vmem>>, vector<1x16xf32>,
      %swap3A_98 = vector.shape_cast %swap3A_97 : vector<1x16xf32> to vector<16xf32>
      %swap3A_99 = vector.shape_cast %broadcast_in_dim3A_94 : vector<16xf32> to vector<1x16xf32>
      tpu.vector_store %arg13[%swap3A_95, %swap3A_96], %swap3A_99 {strides = array<i32>} : memref<200x128xf32, #tpu.memory_space<vmem>>, vector<1x16xf32>,
      %broadcast_in_dim3A_100 = arith.constant 0.000000e+00 : f32
      %broadcast_in_dim3A_101 = vector.broadcast %broadcast_in_dim3A_100 : f32 to vector<16xf32>
      %swap3A_102 = arith.index_cast %scan3A_86 : i32 to index
      %swap3A_103 = arith.constant 32 : index
      %swap3A_104 = tpu.vector_load %arg13[%swap3A_102, %swap3A_103] {strides = array<i32>} : memref<200x128xf32, #tpu.memory_space<vmem>>, vector<1x16xf32>,
      %swap3A_105 = vector.shape_cast %swap3A_104 : vector<1x16xf32> to vector<16xf32>
      %swap3A_106 = vector.shape_cast %broadcast_in_dim3A_101 : vector<16xf32> to vector<1x16xf32>
      tpu.vector_store %arg13[%swap3A_102, %swap3A_103], %swap3A_106 {strides = array<i32>} : memref<200x128xf32, #tpu.memory_space<vmem>>, vector<1x16xf32>,
      %broadcast_in_dim3A_107 = arith.constant 0.000000e+00 : f32
      %broadcast_in_dim3A_108 = vector.broadcast %broadcast_in_dim3A_107 : f32 to vector<16xf32>
      %swap3A_109 = arith.index_cast %scan3A_86 : i32 to index
      %swap3A_110 = arith.constant 48 : index
      %swap3A_111 = tpu.vector_load %arg13[%swap3A_109, %swap3A_110] {strides = array<i32>} : memref<200x128xf32, #tpu.memory_space<vmem>>, vector<1x16xf32>,
      %swap3A_112 = vector.shape_cast %swap3A_111 : vector<1x16xf32> to vector<16xf32>
      %swap3A_113 = vector.shape_cast %broadcast_in_dim3A_108 : vector<16xf32> to vector<1x16xf32>
      tpu.vector_store %arg13[%swap3A_109, %swap3A_110], %swap3A_113 {strides = array<i32>} : memref<200x128xf32, #tpu.memory_space<vmem>>, vector<1x16xf32>,
      %broadcast_in_dim3A_114 = arith.constant 0.000000e+00 : f32
      %broadcast_in_dim3A_115 = vector.broadcast %broadcast_in_dim3A_114 : f32 to vector<16xf32>
      %swap3A_116 = arith.index_cast %scan3A_86 : i32 to index
      %swap3A_117 = arith.constant 64 : index
      %swap3A_118 = tpu.vector_load %arg13[%swap3A_116, %swap3A_117] {strides = array<i32>} : memref<200x128xf32, #tpu.memory_space<vmem>>, vector<1x16xf32>,
      %swap3A_119 = vector.shape_cast %swap3A_118 : vector<1x16xf32> to vector<16xf32>
      %swap3A_120 = vector.shape_cast %broadcast_in_dim3A_115 : vector<16xf32> to vector<1x16xf32>
      tpu.vector_store %arg13[%swap3A_116, %swap3A_117], %swap3A_120 {strides = array<i32>} : memref<200x128xf32, #tpu.memory_space<vmem>>, vector<1x16xf32>,
      %broadcast_in_dim3A_121 = arith.constant 0.000000e+00 : f32
      %broadcast_in_dim3A_122 = vector.broadcast %broadcast_in_dim3A_121 : f32 to vector<16xf32>
      %swap3A_123 = arith.index_cast %scan3A_86 : i32 to index
      %swap3A_124 = arith.constant 80 : index
      %swap3A_125 = tpu.vector_load %arg13[%swap3A_123, %swap3A_124] {strides = array<i32>} : memref<200x128xf32, #tpu.memory_space<vmem>>, vector<1x16xf32>,
      %swap3A_126 = vector.shape_cast %swap3A_125 : vector<1x16xf32> to vector<16xf32>
      %swap3A_127 = vector.shape_cast %broadcast_in_dim3A_122 : vector<16xf32> to vector<1x16xf32>
      tpu.vector_store %arg13[%swap3A_123, %swap3A_124], %swap3A_127 {strides = array<i32>} : memref<200x128xf32, #tpu.memory_space<vmem>>, vector<1x16xf32>,
      %broadcast_in_dim3A_128 = arith.constant 0.000000e+00 : f32
      %broadcast_in_dim3A_129 = vector.broadcast %broadcast_in_dim3A_128 : f32 to vector<16xf32>
      %swap3A_130 = arith.index_cast %scan3A_86 : i32 to index
      %swap3A_131 = arith.constant 96 : index
      %swap3A_132 = tpu.vector_load %arg13[%swap3A_130, %swap3A_131] {strides = array<i32>} : memref<200x128xf32, #tpu.memory_space<vmem>>, vector<1x16xf32>,
      %swap3A_133 = vector.shape_cast %swap3A_132 : vector<1x16xf32> to vector<16xf32>
      %swap3A_134 = vector.shape_cast %broadcast_in_dim3A_129 : vector<16xf32> to vector<1x16xf32>
      tpu.vector_store %arg13[%swap3A_130, %swap3A_131], %swap3A_134 {strides = array<i32>} : memref<200x128xf32, #tpu.memory_space<vmem>>, vector<1x16xf32>,
      %broadcast_in_dim3A_135 = arith.constant 0.000000e+00 : f32
      %broadcast_in_dim3A_136 = vector.broadcast %broadcast_in_dim3A_135 : f32 to vector<16xf32>
      %swap3A_137 = arith.index_cast %scan3A_86 : i32 to index
      %swap3A_138 = arith.constant 112 : index
      %swap3A_139 = tpu.vector_load %arg13[%swap3A_137, %swap3A_138] {strides = array<i32>} : memref<200x128xf32, #tpu.memory_space<vmem>>, vector<1x16xf32>,
      %swap3A_140 = vector.shape_cast %swap3A_139 : vector<1x16xf32> to vector<16xf32>
      %swap3A_141 = vector.shape_cast %broadcast_in_dim3A_136 : vector<16xf32> to vector<1x16xf32>
      tpu.vector_store %arg13[%swap3A_137, %swap3A_138], %swap3A_141 {strides = array<i32>} : memref<200x128xf32, #tpu.memory_space<vmem>>, vector<1x16xf32>,
      %scan3A_142 = arith.constant 0 : i32
      scf.yield %scan3A_142 : i32
    }
    %scan3A_6 = arith.constant 200 : i32
    %add3A_7 = arith.constant 0 : i32
    %add3A_8 = arith.addi %add3A_7, %arg1 : i32
    %mul3A_9 = arith.constant 200 : i32
    %mul3A_10 = arith.muli %add3A_8, %mul3A_9 : i32
    "tpu.region"() ({
      %run_scoped3A = tpu.sem_alloc : memref<!tpu.dma_semaphore, #tpu.memory_space<semaphore_mem>>
      %dma_start3A_86 = arith.constant 0 : i32
      %dma_start3A_87 = tpu.memref_slice %arg6[%mul3A_10, %dma_start3A_86] : memref<10000x128xf32, #tpu.memory_space<vmem_shared>> -> memref<200x128xf32, #tpu.memory_space<vmem_shared>>
      %dma_start3A_88 = arith.constant 0 : i32
      %dma_start3A_89 = tpu.memref_slice %arg6[%mul3A_10, %dma_start3A_88] : memref<10000x128xf32, #tpu.memory_space<vmem_shared>> -> memref<200x128xf32, #tpu.memory_space<vmem_shared>>
      tpu.enqueue_dma source(%arg13 : memref<200x128xf32, #tpu.memory_space<vmem>>) target(%dma_start3A_89 : memref<200x128xf32, #tpu.memory_space<vmem_shared>>) target_semaphore(%run_scoped3A : memref<!tpu.dma_semaphore, #tpu.memory_space<semaphore_mem>>)
      %dma_wait3A_90 = arith.constant 0 : i32
      %dma_wait3A_91 = tpu.memref_slice %arg6[%mul3A_10, %dma_wait3A_90] : memref<10000x128xf32, #tpu.memory_space<vmem_shared>> -> memref<200x128xf32, #tpu.memory_space<vmem_shared>>
      %dma_wait3A_92 = arith.constant 0 : i32
      %dma_wait3A_93 = tpu.memref_slice %arg6[%mul3A_10, %dma_wait3A_92] : memref<10000x128xf32, #tpu.memory_space<vmem_shared>> -> memref<200x128xf32, #tpu.memory_space<vmem_shared>>
      tpu.wait_dma2 semaphore(%run_scoped3A : memref<!tpu.dma_semaphore, #tpu.memory_space<semaphore_mem>>) src(%arg13 : memref<200x128xf32, #tpu.memory_space<vmem>>) dst(%dma_wait3A_93 : memref<200x128xf32, #tpu.memory_space<vmem_shared>>)
      tpu.yield
    }) : () -> ()
    %add3A_11 = arith.constant 16 : i32
    %add3A_12 = arith.addi %add3A_11, %arg1 : i32
    %mul3A_13 = arith.constant 200 : i32
    %mul3A_14 = arith.muli %add3A_12, %mul3A_13 : i32
    "tpu.region"() ({
      %run_scoped3A = tpu.sem_alloc : memref<!tpu.dma_semaphore, #tpu.memory_space<semaphore_mem>>
      %dma_start3A_86 = arith.constant 0 : i32
      %dma_start3A_87 = tpu.memref_slice %arg6[%mul3A_14, %dma_start3A_86] : memref<10000x128xf32, #tpu.memory_space<vmem_shared>> -> memref<200x128xf32, #tpu.memory_space<vmem_shared>>
      %dma_start3A_88 = arith.constant 0 : i32
      %dma_start3A_89 = tpu.memref_slice %arg6[%mul3A_14, %dma_start3A_88] : memref<10000x128xf32, #tpu.memory_space<vmem_shared>> -> memref<200x128xf32, #tpu.memory_space<vmem_shared>>
      tpu.enqueue_dma source(%arg13 : memref<200x128xf32, #tpu.memory_space<vmem>>) target(%dma_start3A_89 : memref<200x128xf32, #tpu.memory_space<vmem_shared>>) target_semaphore(%run_scoped3A : memref<!tpu.dma_semaphore, #tpu.memory_space<semaphore_mem>>)
      %dma_wait3A_90 = arith.constant 0 : i32
      %dma_wait3A_91 = tpu.memref_slice %arg6[%mul3A_14, %dma_wait3A_90] : memref<10000x128xf32, #tpu.memory_space<vmem_shared>> -> memref<200x128xf32, #tpu.memory_space<vmem_shared>>
      %dma_wait3A_92 = arith.constant 0 : i32
      %dma_wait3A_93 = tpu.memref_slice %arg6[%mul3A_14, %dma_wait3A_92] : memref<10000x128xf32, #tpu.memory_space<vmem_shared>> -> memref<200x128xf32, #tpu.memory_space<vmem_shared>>
      tpu.wait_dma2 semaphore(%run_scoped3A : memref<!tpu.dma_semaphore, #tpu.memory_space<semaphore_mem>>) src(%arg13 : memref<200x128xf32, #tpu.memory_space<vmem>>) dst(%dma_wait3A_93 : memref<200x128xf32, #tpu.memory_space<vmem_shared>>)
      tpu.yield
    }) : () -> ()
    %add3A_15 = arith.constant 32 : i32
    %add3A_16 = arith.addi %add3A_15, %arg1 : i32
    %mul3A_17 = arith.constant 200 : i32
    %mul3A_18 = arith.muli %add3A_16, %mul3A_17 : i32
    "tpu.region"() ({
      %run_scoped3A = tpu.sem_alloc : memref<!tpu.dma_semaphore, #tpu.memory_space<semaphore_mem>>
      %dma_start3A_86 = arith.constant 0 : i32
      %dma_start3A_87 = tpu.memref_slice %arg6[%mul3A_18, %dma_start3A_86] : memref<10000x128xf32, #tpu.memory_space<vmem_shared>> -> memref<200x128xf32, #tpu.memory_space<vmem_shared>>
      %dma_start3A_88 = arith.constant 0 : i32
      %dma_start3A_89 = tpu.memref_slice %arg6[%mul3A_18, %dma_start3A_88] : memref<10000x128xf32, #tpu.memory_space<vmem_shared>> -> memref<200x128xf32, #tpu.memory_space<vmem_shared>>
      tpu.enqueue_dma source(%arg13 : memref<200x128xf32, #tpu.memory_space<vmem>>) target(%dma_start3A_89 : memref<200x128xf32, #tpu.memory_space<vmem_shared>>) target_semaphore(%run_scoped3A : memref<!tpu.dma_semaphore, #tpu.memory_space<semaphore_mem>>)
      %dma_wait3A_90 = arith.constant 0 : i32
      %dma_wait3A_91 = tpu.memref_slice %arg6[%mul3A_18, %dma_wait3A_90] : memref<10000x128xf32, #tpu.memory_space<vmem_shared>> -> memref<200x128xf32, #tpu.memory_space<vmem_shared>>
      %dma_wait3A_92 = arith.constant 0 : i32
      %dma_wait3A_93 = tpu.memref_slice %arg6[%mul3A_18, %dma_wait3A_92] : memref<10000x128xf32, #tpu.memory_space<vmem_shared>> -> memref<200x128xf32, #tpu.memory_space<vmem_shared>>
      tpu.wait_dma2 semaphore(%run_scoped3A : memref<!tpu.dma_semaphore, #tpu.memory_space<semaphore_mem>>) src(%arg13 : memref<200x128xf32, #tpu.memory_space<vmem>>) dst(%dma_wait3A_93 : memref<200x128xf32, #tpu.memory_space<vmem_shared>>)
      tpu.yield
    }) : () -> ()
    %add3A_19 = arith.constant 48 : i32
    %add3A_20 = arith.addi %add3A_19, %arg1 : i32
    %lt3A = arith.constant 50 : i32
    %lt3A_21 = arith.cmpi slt, %add3A_20, %lt3A : i32
    %convert_element_type3A = arith.extui %lt3A_21 : i1 to i32
    %cond3A = arith.constant 0 : i32
    %cond3A_22 = arith.cmpi ne, %convert_element_type3A, %cond3A : i32
    scf.if %cond3A_22 {
      %mul3A_86 = arith.constant 200 : i32
      %mul3A_87 = arith.muli %add3A_20, %mul3A_86 : i32
      "tpu.region"() ({
        %run_scoped3A = tpu.sem_alloc : memref<!tpu.dma_semaphore, #tpu.memory_space<semaphore_mem>>
        %dma_start3A_88 = arith.constant 0 : i32
        %dma_start3A_89 = tpu.memref_slice %arg6[%mul3A_87, %dma_start3A_88] : memref<10000x128xf32, #tpu.memory_space<vmem_shared>> -> memref<200x128xf32, #tpu.memory_space<vmem_shared>>
        %dma_start3A_90 = arith.constant 0 : i32
        %dma_start3A_91 = tpu.memref_slice %arg6[%mul3A_87, %dma_start3A_90] : memref<10000x128xf32, #tpu.memory_space<vmem_shared>> -> memref<200x128xf32, #tpu.memory_space<vmem_shared>>
        tpu.enqueue_dma source(%arg13 : memref<200x128xf32, #tpu.memory_space<vmem>>) target(%dma_start3A_91 : memref<200x128xf32, #tpu.memory_space<vmem_shared>>) target_semaphore(%run_scoped3A : memref<!tpu.dma_semaphore, #tpu.memory_space<semaphore_mem>>)
        %dma_wait3A_92 = arith.constant 0 : i32
        %dma_wait3A_93 = tpu.memref_slice %arg6[%mul3A_87, %dma_wait3A_92] : memref<10000x128xf32, #tpu.memory_space<vmem_shared>> -> memref<200x128xf32, #tpu.memory_space<vmem_shared>>
        %dma_wait3A_94 = arith.constant 0 : i32
        %dma_wait3A_95 = tpu.memref_slice %arg6[%mul3A_87, %dma_wait3A_94] : memref<10000x128xf32, #tpu.memory_space<vmem_shared>> -> memref<200x128xf32, #tpu.memory_space<vmem_shared>>
        tpu.wait_dma2 semaphore(%run_scoped3A : memref<!tpu.dma_semaphore, #tpu.memory_space<semaphore_mem>>) src(%arg13 : memref<200x128xf32, #tpu.memory_space<vmem>>) dst(%dma_wait3A_95 : memref<200x128xf32, #tpu.memory_space<vmem_shared>>)
        tpu.yield
      }) : () -> ()
    } else {
    }
    %barrier3A = arith.constant 0 : index
    tpu.barrier barrier_id(%barrier3A)
    %mul3A_23 = arith.constant 10000 : i32
    %mul3A_24 = arith.muli %add3A, %mul3A_23 : i32
    %add3A_25 = arith.constant 0 : i32
    %add3A_26 = arith.addi %mul3A_24, %add3A_25 : i32
    %dma_start3A = tpu.memref_slice %arg3[%add3A_26] : memref<320080xi32, #tpu.memory_space<hbm>> -> memref<80xi32, #tpu.memory_space<hbm>>
    %dma_start3A_27 = tpu.memref_slice %arg3[%add3A_26] : memref<320080xi32, #tpu.memory_space<hbm>> -> memref<80xi32, #tpu.memory_space<hbm>>
    tpu.enqueue_dma source(%dma_start3A_27 : memref<80xi32, #tpu.memory_space<hbm>>) target(%arg7 : memref<80xi32, #tpu.memory_space<vmem>>) target_semaphore(%arg16 : memref<!tpu.dma_semaphore, #tpu.memory_space<semaphore_mem>>)
    %add3A_28 = arith.constant 0 : i32
    %add3A_29 = arith.addi %mul3A_24, %add3A_28 : i32
    %dma_start3A_30 = tpu.memref_slice %arg4[%add3A_29] : memref<320080xi32, #tpu.memory_space<hbm>> -> memref<80xi32, #tpu.memory_space<hbm>>
    %dma_start3A_31 = tpu.memref_slice %arg4[%add3A_29] : memref<320080xi32, #tpu.memory_space<hbm>> -> memref<80xi32, #tpu.memory_space<hbm>>
    tpu.enqueue_dma source(%dma_start3A_31 : memref<80xi32, #tpu.memory_space<hbm>>) target(%arg9 : memref<80xi32, #tpu.memory_space<vmem>>) target_semaphore(%arg18 : memref<!tpu.dma_semaphore, #tpu.memory_space<semaphore_mem>>)
    %add3A_32 = arith.constant 80 : i32
    %add3A_33 = arith.addi %mul3A_24, %add3A_32 : i32
    %dma_start3A_34 = tpu.memref_slice %arg3[%add3A_33] : memref<320080xi32, #tpu.memory_space<hbm>> -> memref<80xi32, #tpu.memory_space<hbm>>
    %dma_start3A_35 = tpu.memref_slice %arg3[%add3A_33] : memref<320080xi32, #tpu.memory_space<hbm>> -> memref<80xi32, #tpu.memory_space<hbm>>
    tpu.enqueue_dma source(%dma_start3A_35 : memref<80xi32, #tpu.memory_space<hbm>>) target(%arg8 : memref<80xi32, #tpu.memory_space<vmem>>) target_semaphore(%arg17 : memref<!tpu.dma_semaphore, #tpu.memory_space<semaphore_mem>>)
    %add3A_36 = arith.constant 80 : i32
    %add3A_37 = arith.addi %mul3A_24, %add3A_36 : i32
    %dma_start3A_38 = tpu.memref_slice %arg4[%add3A_37] : memref<320080xi32, #tpu.memory_space<hbm>> -> memref<80xi32, #tpu.memory_space<hbm>>
    %dma_start3A_39 = tpu.memref_slice %arg4[%add3A_37] : memref<320080xi32, #tpu.memory_space<hbm>> -> memref<80xi32, #tpu.memory_space<hbm>>
    tpu.enqueue_dma source(%dma_start3A_39 : memref<80xi32, #tpu.memory_space<hbm>>) target(%arg10 : memref<80xi32, #tpu.memory_space<vmem>>) target_semaphore(%arg19 : memref<!tpu.dma_semaphore, #tpu.memory_space<semaphore_mem>>)
    %dma_wait3A = tpu.memref_slice %arg3[%mul3A_24] : memref<320080xi32, #tpu.memory_space<hbm>> -> memref<80xi32, #tpu.memory_space<hbm>>
    %dma_wait3A_40 = tpu.memref_slice %arg3[%mul3A_24] : memref<320080xi32, #tpu.memory_space<hbm>> -> memref<80xi32, #tpu.memory_space<hbm>>
    tpu.wait_dma2 semaphore(%arg16 : memref<!tpu.dma_semaphore, #tpu.memory_space<semaphore_mem>>) src(%dma_wait3A_40 : memref<80xi32, #tpu.memory_space<hbm>>) dst(%arg7 : memref<80xi32, #tpu.memory_space<vmem>>)
    %dma_start3A_41 = arith.constant 0 : i32
    %dma_start3A_42 = arith.constant 0 : i32
    %dma_start3A_43 = tpu.memref_slice %arg2[%dma_start3A_41, %dma_start3A_42] : memref<10000x128xf32, #tpu.memory_space<hbm>> -> memref<10000x128xf32, #tpu.memory_space<hbm>>
    tpu.enqueue_indirect_dma source(%dma_start3A_43 : memref<10000x128xf32, #tpu.memory_space<hbm>>) target(%arg11 : memref<80x128xf32, #tpu.memory_space<vmem>>) offsets(%arg7 : memref<80xi32, #tpu.memory_space<vmem>>) semaphore(%arg14 : memref<!tpu.dma_semaphore, #tpu.memory_space<semaphore_mem>>)
    %scan3A_44 = arith.constant 0 : i32
    %scan3A_45 = arith.constant 0 : i32
    %scan3A_46 = arith.constant 62 : i32
    %scan3A_47 = arith.addi %scan3A_45, %scan3A_46 : i32
    %scan3A_48 = arith.constant 1 : i32
    %scan3A_49 = scf.for %scan3A_86 = %scan3A_45 to %scan3A_47 step %scan3A_48 iter_args(%scan3A_87 = %scan3A_44) -> (i32)  : i32 {
      %mul3A_88 = arith.constant 2 : i32
      %mul3A_89 = arith.muli %mul3A_88, %scan3A_86 : i32
      %dma_wait3A_90 = tpu.memref_slice %arg3[%mul3A_24] : memref<320080xi32, #tpu.memory_space<hbm>> -> memref<80xi32, #tpu.memory_space<hbm>>
      %dma_wait3A_91 = tpu.memref_slice %arg3[%mul3A_24] : memref<320080xi32, #tpu.memory_space<hbm>> -> memref<80xi32, #tpu.memory_space<hbm>>
      tpu.wait_dma2 semaphore(%arg17 : memref<!tpu.dma_semaphore, #tpu.memory_space<semaphore_mem>>) src(%dma_wait3A_91 : memref<80xi32, #tpu.memory_space<hbm>>) dst(%arg8 : memref<80xi32, #tpu.memory_space<vmem>>)
      %dma_start3A_92 = arith.constant 0 : i32
      %dma_start3A_93 = arith.constant 0 : i32
      %dma_start3A_94 = tpu.memref_slice %arg2[%dma_start3A_92, %dma_start3A_93] : memref<10000x128xf32, #tpu.memory_space<hbm>> -> memref<10000x128xf32, #tpu.memory_space<hbm>>
      tpu.enqueue_indirect_dma source(%dma_start3A_94 : memref<10000x128xf32, #tpu.memory_space<hbm>>) target(%arg12 : memref<80x128xf32, #tpu.memory_space<vmem>>) offsets(%arg8 : memref<80xi32, #tpu.memory_space<vmem>>) semaphore(%arg15 : memref<!tpu.dma_semaphore, #tpu.memory_space<semaphore_mem>>)
      %dma_wait3A_95 = arith.constant 0 : i32
      %dma_wait3A_96 = arith.constant 0 : i32
      %dma_wait3A_97 = tpu.memref_slice %arg2[%dma_wait3A_95, %dma_wait3A_96] : memref<10000x128xf32, #tpu.memory_space<hbm>> -> memref<10000x128xf32, #tpu.memory_space<hbm>>
      tpu.wait_indirect_dma semaphore(%arg14 : memref<!tpu.dma_semaphore, #tpu.memory_space<semaphore_mem>>) src(%dma_wait3A_97 : memref<10000x128xf32, #tpu.memory_space<hbm>>) dst(%arg11 : memref<80x128xf32, #tpu.memory_space<vmem>>)
      %add3A_98 = arith.constant 2 : i32
      %add3A_99 = arith.addi %mul3A_89, %add3A_98 : i32
      %mul3A_100 = arith.constant 80 : i32
      %mul3A_101 = arith.muli %add3A_99, %mul3A_100 : i32
      %add3A_102 = arith.addi %mul3A_24, %mul3A_101 : i32
      %dma_start3A_103 = tpu.memref_slice %arg3[%add3A_102] : memref<320080xi32, #tpu.memory_space<hbm>> -> memref<80xi32, #tpu.memory_space<hbm>>
      %dma_start3A_104 = tpu.memref_slice %arg3[%add3A_102] : memref<320080xi32, #tpu.memory_space<hbm>> -> memref<80xi32, #tpu.memory_space<hbm>>
      tpu.enqueue_dma source(%dma_start3A_104 : memref<80xi32, #tpu.memory_space<hbm>>) target(%arg7 : memref<80xi32, #tpu.memory_space<vmem>>) target_semaphore(%arg16 : memref<!tpu.dma_semaphore, #tpu.memory_space<semaphore_mem>>)
      %dma_wait3A_105 = tpu.memref_slice %arg4[%mul3A_24] : memref<320080xi32, #tpu.memory_space<hbm>> -> memref<80xi32, #tpu.memory_space<hbm>>
      %dma_wait3A_106 = tpu.memref_slice %arg4[%mul3A_24] : memref<320080xi32, #tpu.memory_space<hbm>> -> memref<80xi32, #tpu.memory_space<hbm>>
      tpu.wait_dma2 semaphore(%arg18 : memref<!tpu.dma_semaphore, #tpu.memory_space<semaphore_mem>>) src(%dma_wait3A_106 : memref<80xi32, #tpu.memory_space<hbm>>) dst(%arg9 : memref<80xi32, #tpu.memory_space<vmem>>)
      "tpu.region"() ({
        %run_scoped3A = tpu.sem_alloc : memref<!tpu.dma_semaphore, #tpu.memory_space<semaphore_mem>>
        %dma_start3A_139 = arith.constant 0 : i32
        %dma_start3A_140 = arith.constant 0 : i32
        %dma_start3A_141 = tpu.memref_slice %arg6[%dma_start3A_139, %dma_start3A_140] : memref<10000x128xf32, #tpu.memory_space<vmem_shared>> -> memref<10000x128xf32, #tpu.memory_space<vmem_shared>>
        tpu.enqueue_indirect_dma source(%arg11 : memref<80x128xf32, #tpu.memory_space<vmem>>) target(%dma_start3A_141 : memref<10000x128xf32, #tpu.memory_space<vmem_shared>>) offsets(%arg9 : memref<80xi32, #tpu.memory_space<vmem>>) semaphore(%run_scoped3A : memref<!tpu.dma_semaphore, #tpu.memory_space<semaphore_mem>>) {add = true}
        %dma_wait3A_142 = arith.constant 0 : i32
        %dma_wait3A_143 = arith.constant 0 : i32
        %dma_wait3A_144 = tpu.memref_slice %arg6[%dma_wait3A_142, %dma_wait3A_143] : memref<10000x128xf32, #tpu.memory_space<vmem_shared>> -> memref<10000x128xf32, #tpu.memory_space<vmem_shared>>
        tpu.wait_indirect_dma semaphore(%run_scoped3A : memref<!tpu.dma_semaphore, #tpu.memory_space<semaphore_mem>>) src(%arg11 : memref<80x128xf32, #tpu.memory_space<vmem>>) dst(%dma_wait3A_144 : memref<10000x128xf32, #tpu.memory_space<vmem_shared>>)
        tpu.yield
      }) : () -> ()
      %add3A_107 = arith.constant 2 : i32
      %add3A_108 = arith.addi %mul3A_89, %add3A_107 : i32
      %mul3A_109 = arith.constant 80 : i32
      %mul3A_110 = arith.muli %add3A_108, %mul3A_109 : i32
      %add3A_111 = arith.addi %mul3A_24, %mul3A_110 : i32
      %dma_start3A_112 = tpu.memref_slice %arg4[%add3A_111] : memref<320080xi32, #tpu.memory_space<hbm>> -> memref<80xi32, #tpu.memory_space<hbm>>
      %dma_start3A_113 = tpu.memref_slice %arg4[%add3A_111] : memref<320080xi32, #tpu.memory_space<hbm>> -> memref<80xi32, #tpu.memory_space<hbm>>
      tpu.enqueue_dma source(%dma_start3A_113 : memref<80xi32, #tpu.memory_space<hbm>>) target(%arg9 : memref<80xi32, #tpu.memory_space<vmem>>) target_semaphore(%arg18 : memref<!tpu.dma_semaphore, #tpu.memory_space<semaphore_mem>>)
      %dma_wait3A_114 = tpu.memref_slice %arg3[%mul3A_24] : memref<320080xi32, #tpu.memory_space<hbm>> -> memref<80xi32, #tpu.memory_space<hbm>>
      %dma_wait3A_115 = tpu.memref_slice %arg3[%mul3A_24] : memref<320080xi32, #tpu.memory_space<hbm>> -> memref<80xi32, #tpu.memory_space<hbm>>
      tpu.wait_dma2 semaphore(%arg16 : memref<!tpu.dma_semaphore, #tpu.memory_space<semaphore_mem>>) src(%dma_wait3A_115 : memref<80xi32, #tpu.memory_space<hbm>>) dst(%arg7 : memref<80xi32, #tpu.memory_space<vmem>>)
      %dma_start3A_116 = arith.constant 0 : i32
      %dma_start3A_117 = arith.constant 0 : i32
      %dma_start3A_118 = tpu.memref_slice %arg2[%dma_start3A_116, %dma_start3A_117] : memref<10000x128xf32, #tpu.memory_space<hbm>> -> memref<10000x128xf32, #tpu.memory_space<hbm>>
      tpu.enqueue_indirect_dma source(%dma_start3A_118 : memref<10000x128xf32, #tpu.memory_space<hbm>>) target(%arg11 : memref<80x128xf32, #tpu.memory_space<vmem>>) offsets(%arg7 : memref<80xi32, #tpu.memory_space<vmem>>) semaphore(%arg14 : memref<!tpu.dma_semaphore, #tpu.memory_space<semaphore_mem>>)
      %dma_wait3A_119 = arith.constant 0 : i32
      %dma_wait3A_120 = arith.constant 0 : i32
      %dma_wait3A_121 = tpu.memref_slice %arg2[%dma_wait3A_119, %dma_wait3A_120] : memref<10000x128xf32, #tpu.memory_space<hbm>> -> memref<10000x128xf32, #tpu.memory_space<hbm>>
      tpu.wait_indirect_dma semaphore(%arg15 : memref<!tpu.dma_semaphore, #tpu.memory_space<semaphore_mem>>) src(%dma_wait3A_121 : memref<10000x128xf32, #tpu.memory_space<hbm>>) dst(%arg12 : memref<80x128xf32, #tpu.memory_space<vmem>>)
      %add3A_122 = arith.constant 3 : i32
      %add3A_123 = arith.addi %mul3A_89, %add3A_122 : i32
      %mul3A_124 = arith.constant 80 : i32
      %mul3A_125 = arith.muli %add3A_123, %mul3A_124 : i32
      %add3A_126 = arith.addi %mul3A_24, %mul3A_125 : i32
      %dma_start3A_127 = tpu.memref_slice %arg3[%add3A_126] : memref<320080xi32, #tpu.memory_space<hbm>> -> memref<80xi32, #tpu.memory_space<hbm>>
      %dma_start3A_128 = tpu.memref_slice %arg3[%add3A_126] : memref<320080xi32, #tpu.memory_space<hbm>> -> memref<80xi32, #tpu.memory_space<hbm>>
      tpu.enqueue_dma source(%dma_start3A_128 : memref<80xi32, #tpu.memory_space<hbm>>) target(%arg8 : memref<80xi32, #tpu.memory_space<vmem>>) target_semaphore(%arg17 : memref<!tpu.dma_semaphore, #tpu.memory_space<semaphore_mem>>)
      %dma_wait3A_129 = tpu.memref_slice %arg4[%mul3A_24] : memref<320080xi32, #tpu.memory_space<hbm>> -> memref<80xi32, #tpu.memory_space<hbm>>
      %dma_wait3A_130 = tpu.memref_slice %arg4[%mul3A_24] : memref<320080xi32, #tpu.memory_space<hbm>> -> memref<80xi32, #tpu.memory_space<hbm>>
      tpu.wait_dma2 semaphore(%arg19 : memref<!tpu.dma_semaphore, #tpu.memory_space<semaphore_mem>>) src(%dma_wait3A_130 : memref<80xi32, #tpu.memory_space<hbm>>) dst(%arg10 : memref<80xi32, #tpu.memory_space<vmem>>)
      "tpu.region"() ({
        %run_scoped3A = tpu.sem_alloc : memref<!tpu.dma_semaphore, #tpu.memory_space<semaphore_mem>>
        %dma_start3A_139 = arith.constant 0 : i32
        %dma_start3A_140 = arith.constant 0 : i32
        %dma_start3A_141 = tpu.memref_slice %arg6[%dma_start3A_139, %dma_start3A_140] : memref<10000x128xf32, #tpu.memory_space<vmem_shared>> -> memref<10000x128xf32, #tpu.memory_space<vmem_shared>>
        tpu.enqueue_indirect_dma source(%arg12 : memref<80x128xf32, #tpu.memory_space<vmem>>) target(%dma_start3A_141 : memref<10000x128xf32, #tpu.memory_space<vmem_shared>>) offsets(%arg10 : memref<80xi32, #tpu.memory_space<vmem>>) semaphore(%run_scoped3A : memref<!tpu.dma_semaphore, #tpu.memory_space<semaphore_mem>>) {add = true}
        %dma_wait3A_142 = arith.constant 0 : i32
        %dma_wait3A_143 = arith.constant 0 : i32
        %dma_wait3A_144 = tpu.memref_slice %arg6[%dma_wait3A_142, %dma_wait3A_143] : memref<10000x128xf32, #tpu.memory_space<vmem_shared>> -> memref<10000x128xf32, #tpu.memory_space<vmem_shared>>
        tpu.wait_indirect_dma semaphore(%run_scoped3A : memref<!tpu.dma_semaphore, #tpu.memory_space<semaphore_mem>>) src(%arg12 : memref<80x128xf32, #tpu.memory_space<vmem>>) dst(%dma_wait3A_144 : memref<10000x128xf32, #tpu.memory_space<vmem_shared>>)
        tpu.yield
      }) : () -> ()
      %add3A_131 = arith.constant 3 : i32
      %add3A_132 = arith.addi %mul3A_89, %add3A_131 : i32
      %mul3A_133 = arith.constant 80 : i32
      %mul3A_134 = arith.muli %add3A_132, %mul3A_133 : i32
      %add3A_135 = arith.addi %mul3A_24, %mul3A_134 : i32
      %dma_start3A_136 = tpu.memref_slice %arg4[%add3A_135] : memref<320080xi32, #tpu.memory_space<hbm>> -> memref<80xi32, #tpu.memory_space<hbm>>
      %dma_start3A_137 = tpu.memref_slice %arg4[%add3A_135] : memref<320080xi32, #tpu.memory_space<hbm>> -> memref<80xi32, #tpu.memory_space<hbm>>
      tpu.enqueue_dma source(%dma_start3A_137 : memref<80xi32, #tpu.memory_space<hbm>>) target(%arg10 : memref<80xi32, #tpu.memory_space<vmem>>) target_semaphore(%arg19 : memref<!tpu.dma_semaphore, #tpu.memory_space<semaphore_mem>>)
      %scan3A_138 = arith.constant 0 : i32
      scf.yield %scan3A_138 : i32
    }
    %scan3A_50 = arith.constant 62 : i32
    %dma_wait3A_51 = arith.constant 0 : i32
    %dma_wait3A_52 = arith.constant 0 : i32
    %dma_wait3A_53 = tpu.memref_slice %arg2[%dma_wait3A_51, %dma_wait3A_52] : memref<10000x128xf32, #tpu.memory_space<hbm>> -> memref<10000x128xf32, #tpu.memory_space<hbm>>
    tpu.wait_indirect_dma semaphore(%arg14 : memref<!tpu.dma_semaphore, #tpu.memory_space<semaphore_mem>>) src(%dma_wait3A_53 : memref<10000x128xf32, #tpu.memory_space<hbm>>) dst(%arg11 : memref<80x128xf32, #tpu.memory_space<vmem>>)
    %dma_wait3A_54 = tpu.memref_slice %arg4[%mul3A_24] : memref<320080xi32, #tpu.memory_space<hbm>> -> memref<80xi32, #tpu.memory_space<hbm>>
    %dma_wait3A_55 = tpu.memref_slice %arg4[%mul3A_24] : memref<320080xi32, #tpu.memory_space<hbm>> -> memref<80xi32, #tpu.memory_space<hbm>>
    tpu.wait_dma2 semaphore(%arg18 : memref<!tpu.dma_semaphore, #tpu.memory_space<semaphore_mem>>) src(%dma_wait3A_55 : memref<80xi32, #tpu.memory_space<hbm>>) dst(%arg9 : memref<80xi32, #tpu.memory_space<vmem>>)
    "tpu.region"() ({
      %run_scoped3A = tpu.sem_alloc : memref<!tpu.dma_semaphore, #tpu.memory_space<semaphore_mem>>
      %dma_start3A_86 = arith.constant 0 : i32
      %dma_start3A_87 = arith.constant 0 : i32
      %dma_start3A_88 = tpu.memref_slice %arg6[%dma_start3A_86, %dma_start3A_87] : memref<10000x128xf32, #tpu.memory_space<vmem_shared>> -> memref<10000x128xf32, #tpu.memory_space<vmem_shared>>
      tpu.enqueue_indirect_dma source(%arg11 : memref<80x128xf32, #tpu.memory_space<vmem>>) target(%dma_start3A_88 : memref<10000x128xf32, #tpu.memory_space<vmem_shared>>) offsets(%arg9 : memref<80xi32, #tpu.memory_space<vmem>>) semaphore(%run_scoped3A : memref<!tpu.dma_semaphore, #tpu.memory_space<semaphore_mem>>) {add = true}
      %dma_wait3A_89 = arith.constant 0 : i32
      %dma_wait3A_90 = arith.constant 0 : i32
      %dma_wait3A_91 = tpu.memref_slice %arg6[%dma_wait3A_89, %dma_wait3A_90] : memref<10000x128xf32, #tpu.memory_space<vmem_shared>> -> memref<10000x128xf32, #tpu.memory_space<vmem_shared>>
      tpu.wait_indirect_dma semaphore(%run_scoped3A : memref<!tpu.dma_semaphore, #tpu.memory_space<semaphore_mem>>) src(%arg11 : memref<80x128xf32, #tpu.memory_space<vmem>>) dst(%dma_wait3A_91 : memref<10000x128xf32, #tpu.memory_space<vmem_shared>>)
      tpu.yield
    }) : () -> ()
    %dma_wait3A_56 = tpu.memref_slice %arg3[%mul3A_24] : memref<320080xi32, #tpu.memory_space<hbm>> -> memref<80xi32, #tpu.memory_space<hbm>>
    %dma_wait3A_57 = tpu.memref_slice %arg3[%mul3A_24] : memref<320080xi32, #tpu.memory_space<hbm>> -> memref<80xi32, #tpu.memory_space<hbm>>
    tpu.wait_dma2 semaphore(%arg17 : memref<!tpu.dma_semaphore, #tpu.memory_space<semaphore_mem>>) src(%dma_wait3A_57 : memref<80xi32, #tpu.memory_space<hbm>>) dst(%arg8 : memref<80xi32, #tpu.memory_space<vmem>>)
    %dma_wait3A_58 = tpu.memref_slice %arg4[%mul3A_24] : memref<320080xi32, #tpu.memory_space<hbm>> -> memref<80xi32, #tpu.memory_space<hbm>>
    %dma_wait3A_59 = tpu.memref_slice %arg4[%mul3A_24] : memref<320080xi32, #tpu.memory_space<hbm>> -> memref<80xi32, #tpu.memory_space<hbm>>
    tpu.wait_dma2 semaphore(%arg19 : memref<!tpu.dma_semaphore, #tpu.memory_space<semaphore_mem>>) src(%dma_wait3A_59 : memref<80xi32, #tpu.memory_space<hbm>>) dst(%arg10 : memref<80xi32, #tpu.memory_space<vmem>>)
    %barrier3A_60 = arith.constant 0 : index
    tpu.barrier barrier_id(%barrier3A_60)
    %add3A_61 = arith.constant 0 : i32
    %add3A_62 = arith.addi %add3A_61, %arg1 : i32
    %mul3A_63 = arith.constant 200 : i32
    %mul3A_64 = arith.muli %add3A_62, %mul3A_63 : i32
    "tpu.region"() ({
      %run_scoped3A = tpu.sem_alloc : memref<!tpu.dma_semaphore, #tpu.memory_space<semaphore_mem>>
      %dma_start3A_86 = arith.constant 0 : i32
      %dma_start3A_87 = tpu.memref_slice %arg6[%mul3A_64, %dma_start3A_86] : memref<10000x128xf32, #tpu.memory_space<vmem_shared>> -> memref<200x128xf32, #tpu.memory_space<vmem_shared>>
      %dma_start3A_88 = arith.constant 0 : i32
      %dma_start3A_89 = tpu.memref_slice %arg6[%mul3A_64, %dma_start3A_88] : memref<10000x128xf32, #tpu.memory_space<vmem_shared>> -> memref<200x128xf32, #tpu.memory_space<vmem_shared>>
      tpu.enqueue_dma source(%dma_start3A_89 : memref<200x128xf32, #tpu.memory_space<vmem_shared>>) target(%arg13 : memref<200x128xf32, #tpu.memory_space<vmem>>) target_semaphore(%run_scoped3A : memref<!tpu.dma_semaphore, #tpu.memory_space<semaphore_mem>>)
      %dma_wait3A_90 = arith.constant 0 : i32
      %dma_wait3A_91 = tpu.memref_slice %arg6[%mul3A_64, %dma_wait3A_90] : memref<10000x128xf32, #tpu.memory_space<vmem_shared>> -> memref<200x128xf32, #tpu.memory_space<vmem_shared>>
      %dma_wait3A_92 = arith.constant 0 : i32
      %dma_wait3A_93 = tpu.memref_slice %arg6[%mul3A_64, %dma_wait3A_92] : memref<10000x128xf32, #tpu.memory_space<vmem_shared>> -> memref<200x128xf32, #tpu.memory_space<vmem_shared>>
      tpu.wait_dma2 semaphore(%run_scoped3A : memref<!tpu.dma_semaphore, #tpu.memory_space<semaphore_mem>>) src(%dma_wait3A_93 : memref<200x128xf32, #tpu.memory_space<vmem_shared>>) dst(%arg13 : memref<200x128xf32, #tpu.memory_space<vmem>>)
      tpu.yield
    }) : () -> ()
    %mul3A_65 = arith.constant 200 : i32
    %mul3A_66 = arith.muli %add3A_62, %mul3A_65 : i32
    "tpu.region"() ({
      %run_scoped3A = tpu.sem_alloc : memref<!tpu.dma_semaphore, #tpu.memory_space<semaphore_mem>>
      %dma_start3A_86 = arith.constant 0 : i32
      %dma_start3A_87 = tpu.memref_slice %arg5[%arg0, %mul3A_66, %dma_start3A_86] : memref<2x10000x128xf32, #tpu.memory_space<hbm>> -> memref<1x200x128xf32, #tpu.memory_space<hbm>>
      %dma_start3A_88 = tpu.memref_squeeze %dma_start3A_87 : memref<1x200x128xf32, #tpu.memory_space<hbm>> -> memref<200x128xf32, #tpu.memory_space<hbm>>
      %dma_start3A_89 = arith.constant 0 : i32
      %dma_start3A_90 = tpu.memref_slice %arg5[%arg0, %mul3A_66, %dma_start3A_89] : memref<2x10000x128xf32, #tpu.memory_space<hbm>> -> memref<1x200x128xf32, #tpu.memory_space<hbm>>
      %dma_start3A_91 = tpu.memref_squeeze %dma_start3A_90 : memref<1x200x128xf32, #tpu.memory_space<hbm>> -> memref<200x128xf32, #tpu.memory_space<hbm>>
      tpu.enqueue_dma source(%arg13 : memref<200x128xf32, #tpu.memory_space<vmem>>) target(%dma_start3A_91 : memref<200x128xf32, #tpu.memory_space<hbm>>) target_semaphore(%run_scoped3A : memref<!tpu.dma_semaphore, #tpu.memory_space<semaphore_mem>>)
      %dma_wait3A_92 = arith.constant 0 : i32
      %dma_wait3A_93 = tpu.memref_slice %arg5[%arg0, %mul3A_66, %dma_wait3A_92] : memref<2x10000x128xf32, #tpu.memory_space<hbm>> -> memref<1x200x128xf32, #tpu.memory_space<hbm>>
      %dma_wait3A_94 = tpu.memref_squeeze %dma_wait3A_93 : memref<1x200x128xf32, #tpu.memory_space<hbm>> -> memref<200x128xf32, #tpu.memory_space<hbm>>
      %dma_wait3A_95 = arith.constant 0 : i32
      %dma_wait3A_96 = tpu.memref_slice %arg5[%arg0, %mul3A_66, %dma_wait3A_95] : memref<2x10000x128xf32, #tpu.memory_space<hbm>> -> memref<1x200x128xf32, #tpu.memory_space<hbm>>
      %dma_wait3A_97 = tpu.memref_squeeze %dma_wait3A_96 : memref<1x200x128xf32, #tpu.memory_space<hbm>> -> memref<200x128xf32, #tpu.memory_space<hbm>>
      tpu.wait_dma2 semaphore(%run_scoped3A : memref<!tpu.dma_semaphore, #tpu.memory_space<semaphore_mem>>) src(%arg13 : memref<200x128xf32, #tpu.memory_space<vmem>>) dst(%dma_wait3A_97 : memref<200x128xf32, #tpu.memory_space<hbm>>)
      tpu.yield
    }) : () -> ()
    %add3A_67 = arith.constant 16 : i32
    %add3A_68 = arith.addi %add3A_67, %arg1 : i32
    %mul3A_69 = arith.constant 200 : i32
    %mul3A_70 = arith.muli %add3A_68, %mul3A_69 : i32
    "tpu.region"() ({
      %run_scoped3A = tpu.sem_alloc : memref<!tpu.dma_semaphore, #tpu.memory_space<semaphore_mem>>
      %dma_start3A_86 = arith.constant 0 : i32
      %dma_start3A_87 = tpu.memref_slice %arg6[%mul3A_70, %dma_start3A_86] : memref<10000x128xf32, #tpu.memory_space<vmem_shared>> -> memref<200x128xf32, #tpu.memory_space<vmem_shared>>
      %dma_start3A_88 = arith.constant 0 : i32
      %dma_start3A_89 = tpu.memref_slice %arg6[%mul3A_70, %dma_start3A_88] : memref<10000x128xf32, #tpu.memory_space<vmem_shared>> -> memref<200x128xf32, #tpu.memory_space<vmem_shared>>
      tpu.enqueue_dma source(%dma_start3A_89 : memref<200x128xf32, #tpu.memory_space<vmem_shared>>) target(%arg13 : memref<200x128xf32, #tpu.memory_space<vmem>>) target_semaphore(%run_scoped3A : memref<!tpu.dma_semaphore, #tpu.memory_space<semaphore_mem>>)
      %dma_wait3A_90 = arith.constant 0 : i32
      %dma_wait3A_91 = tpu.memref_slice %arg6[%mul3A_70, %dma_wait3A_90] : memref<10000x128xf32, #tpu.memory_space<vmem_shared>> -> memref<200x128xf32, #tpu.memory_space<vmem_shared>>
      %dma_wait3A_92 = arith.constant 0 : i32
      %dma_wait3A_93 = tpu.memref_slice %arg6[%mul3A_70, %dma_wait3A_92] : memref<10000x128xf32, #tpu.memory_space<vmem_shared>> -> memref<200x128xf32, #tpu.memory_space<vmem_shared>>
      tpu.wait_dma2 semaphore(%run_scoped3A : memref<!tpu.dma_semaphore, #tpu.memory_space<semaphore_mem>>) src(%dma_wait3A_93 : memref<200x128xf32, #tpu.memory_space<vmem_shared>>) dst(%arg13 : memref<200x128xf32, #tpu.memory_space<vmem>>)
      tpu.yield
    }) : () -> ()
    %mul3A_71 = arith.constant 200 : i32
    %mul3A_72 = arith.muli %add3A_68, %mul3A_71 : i32
    "tpu.region"() ({
      %run_scoped3A = tpu.sem_alloc : memref<!tpu.dma_semaphore, #tpu.memory_space<semaphore_mem>>
      %dma_start3A_86 = arith.constant 0 : i32
      %dma_start3A_87 = tpu.memref_slice %arg5[%arg0, %mul3A_72, %dma_start3A_86] : memref<2x10000x128xf32, #tpu.memory_space<hbm>> -> memref<1x200x128xf32, #tpu.memory_space<hbm>>
      %dma_start3A_88 = tpu.memref_squeeze %dma_start3A_87 : memref<1x200x128xf32, #tpu.memory_space<hbm>> -> memref<200x128xf32, #tpu.memory_space<hbm>>
      %dma_start3A_89 = arith.constant 0 : i32
      %dma_start3A_90 = tpu.memref_slice %arg5[%arg0, %mul3A_72, %dma_start3A_89] : memref<2x10000x128xf32, #tpu.memory_space<hbm>> -> memref<1x200x128xf32, #tpu.memory_space<hbm>>
      %dma_start3A_91 = tpu.memref_squeeze %dma_start3A_90 : memref<1x200x128xf32, #tpu.memory_space<hbm>> -> memref<200x128xf32, #tpu.memory_space<hbm>>
      tpu.enqueue_dma source(%arg13 : memref<200x128xf32, #tpu.memory_space<vmem>>) target(%dma_start3A_91 : memref<200x128xf32, #tpu.memory_space<hbm>>) target_semaphore(%run_scoped3A : memref<!tpu.dma_semaphore, #tpu.memory_space<semaphore_mem>>)
      %dma_wait3A_92 = arith.constant 0 : i32
      %dma_wait3A_93 = tpu.memref_slice %arg5[%arg0, %mul3A_72, %dma_wait3A_92] : memref<2x10000x128xf32, #tpu.memory_space<hbm>> -> memref<1x200x128xf32, #tpu.memory_space<hbm>>
      %dma_wait3A_94 = tpu.memref_squeeze %dma_wait3A_93 : memref<1x200x128xf32, #tpu.memory_space<hbm>> -> memref<200x128xf32, #tpu.memory_space<hbm>>
      %dma_wait3A_95 = arith.constant 0 : i32
      %dma_wait3A_96 = tpu.memref_slice %arg5[%arg0, %mul3A_72, %dma_wait3A_95] : memref<2x10000x128xf32, #tpu.memory_space<hbm>> -> memref<1x200x128xf32, #tpu.memory_space<hbm>>
      %dma_wait3A_97 = tpu.memref_squeeze %dma_wait3A_96 : memref<1x200x128xf32, #tpu.memory_space<hbm>> -> memref<200x128xf32, #tpu.memory_space<hbm>>
      tpu.wait_dma2 semaphore(%run_scoped3A : memref<!tpu.dma_semaphore, #tpu.memory_space<semaphore_mem>>) src(%arg13 : memref<200x128xf32, #tpu.memory_space<vmem>>) dst(%dma_wait3A_97 : memref<200x128xf32, #tpu.memory_space<hbm>>)
      tpu.yield
    }) : () -> ()
    %add3A_73 = arith.constant 32 : i32
    %add3A_74 = arith.addi %add3A_73, %arg1 : i32
    %mul3A_75 = arith.constant 200 : i32
    %mul3A_76 = arith.muli %add3A_74, %mul3A_75 : i32
    "tpu.region"() ({
      %run_scoped3A = tpu.sem_alloc : memref<!tpu.dma_semaphore, #tpu.memory_space<semaphore_mem>>
      %dma_start3A_86 = arith.constant 0 : i32
      %dma_start3A_87 = tpu.memref_slice %arg6[%mul3A_76, %dma_start3A_86] : memref<10000x128xf32, #tpu.memory_space<vmem_shared>> -> memref<200x128xf32, #tpu.memory_space<vmem_shared>>
      %dma_start3A_88 = arith.constant 0 : i32
      %dma_start3A_89 = tpu.memref_slice %arg6[%mul3A_76, %dma_start3A_88] : memref<10000x128xf32, #tpu.memory_space<vmem_shared>> -> memref<200x128xf32, #tpu.memory_space<vmem_shared>>
      tpu.enqueue_dma source(%dma_start3A_89 : memref<200x128xf32, #tpu.memory_space<vmem_shared>>) target(%arg13 : memref<200x128xf32, #tpu.memory_space<vmem>>) target_semaphore(%run_scoped3A : memref<!tpu.dma_semaphore, #tpu.memory_space<semaphore_mem>>)
      %dma_wait3A_90 = arith.constant 0 : i32
      %dma_wait3A_91 = tpu.memref_slice %arg6[%mul3A_76, %dma_wait3A_90] : memref<10000x128xf32, #tpu.memory_space<vmem_shared>> -> memref<200x128xf32, #tpu.memory_space<vmem_shared>>
      %dma_wait3A_92 = arith.constant 0 : i32
      %dma_wait3A_93 = tpu.memref_slice %arg6[%mul3A_76, %dma_wait3A_92] : memref<10000x128xf32, #tpu.memory_space<vmem_shared>> -> memref<200x128xf32, #tpu.memory_space<vmem_shared>>
      tpu.wait_dma2 semaphore(%run_scoped3A : memref<!tpu.dma_semaphore, #tpu.memory_space<semaphore_mem>>) src(%dma_wait3A_93 : memref<200x128xf32, #tpu.memory_space<vmem_shared>>) dst(%arg13 : memref<200x128xf32, #tpu.memory_space<vmem>>)
      tpu.yield
    }) : () -> ()
    %mul3A_77 = arith.constant 200 : i32
    %mul3A_78 = arith.muli %add3A_74, %mul3A_77 : i32
    "tpu.region"() ({
      %run_scoped3A = tpu.sem_alloc : memref<!tpu.dma_semaphore, #tpu.memory_space<semaphore_mem>>
      %dma_start3A_86 = arith.constant 0 : i32
      %dma_start3A_87 = tpu.memref_slice %arg5[%arg0, %mul3A_78, %dma_start3A_86] : memref<2x10000x128xf32, #tpu.memory_space<hbm>> -> memref<1x200x128xf32, #tpu.memory_space<hbm>>
      %dma_start3A_88 = tpu.memref_squeeze %dma_start3A_87 : memref<1x200x128xf32, #tpu.memory_space<hbm>> -> memref<200x128xf32, #tpu.memory_space<hbm>>
      %dma_start3A_89 = arith.constant 0 : i32
      %dma_start3A_90 = tpu.memref_slice %arg5[%arg0, %mul3A_78, %dma_start3A_89] : memref<2x10000x128xf32, #tpu.memory_space<hbm>> -> memref<1x200x128xf32, #tpu.memory_space<hbm>>
      %dma_start3A_91 = tpu.memref_squeeze %dma_start3A_90 : memref<1x200x128xf32, #tpu.memory_space<hbm>> -> memref<200x128xf32, #tpu.memory_space<hbm>>
      tpu.enqueue_dma source(%arg13 : memref<200x128xf32, #tpu.memory_space<vmem>>) target(%dma_start3A_91 : memref<200x128xf32, #tpu.memory_space<hbm>>) target_semaphore(%run_scoped3A : memref<!tpu.dma_semaphore, #tpu.memory_space<semaphore_mem>>)
      %dma_wait3A_92 = arith.constant 0 : i32
      %dma_wait3A_93 = tpu.memref_slice %arg5[%arg0, %mul3A_78, %dma_wait3A_92] : memref<2x10000x128xf32, #tpu.memory_space<hbm>> -> memref<1x200x128xf32, #tpu.memory_space<hbm>>
      %dma_wait3A_94 = tpu.memref_squeeze %dma_wait3A_93 : memref<1x200x128xf32, #tpu.memory_space<hbm>> -> memref<200x128xf32, #tpu.memory_space<hbm>>
      %dma_wait3A_95 = arith.constant 0 : i32
      %dma_wait3A_96 = tpu.memref_slice %arg5[%arg0, %mul3A_78, %dma_wait3A_95] : memref<2x10000x128xf32, #tpu.memory_space<hbm>> -> memref<1x200x128xf32, #tpu.memory_space<hbm>>
      %dma_wait3A_97 = tpu.memref_squeeze %dma_wait3A_96 : memref<1x200x128xf32, #tpu.memory_space<hbm>> -> memref<200x128xf32, #tpu.memory_space<hbm>>
      tpu.wait_dma2 semaphore(%run_scoped3A : memref<!tpu.dma_semaphore, #tpu.memory_space<semaphore_mem>>) src(%arg13 : memref<200x128xf32, #tpu.memory_space<vmem>>) dst(%dma_wait3A_97 : memref<200x128xf32, #tpu.memory_space<hbm>>)
      tpu.yield
    }) : () -> ()
    %add3A_79 = arith.constant 48 : i32
    %add3A_80 = arith.addi %add3A_79, %arg1 : i32
    %lt3A_81 = arith.constant 50 : i32
    %lt3A_82 = arith.cmpi slt, %add3A_80, %lt3A_81 : i32
    %convert_element_type3A_83 = arith.extui %lt3A_82 : i1 to i32
    %cond3A_84 = arith.constant 0 : i32
    %cond3A_85 = arith.cmpi ne, %convert_element_type3A_83, %cond3A_84 : i32
    scf.if %cond3A_85 {
      %mul3A_86 = arith.constant 200 : i32
      %mul3A_87 = arith.muli %add3A_80, %mul3A_86 : i32
      "tpu.region"() ({
        %run_scoped3A = tpu.sem_alloc : memref<!tpu.dma_semaphore, #tpu.memory_space<semaphore_mem>>
        %dma_start3A_90 = arith.constant 0 : i32
        %dma_start3A_91 = tpu.memref_slice %arg6[%mul3A_87, %dma_start3A_90] : memref<10000x128xf32, #tpu.memory_space<vmem_shared>> -> memref<200x128xf32, #tpu.memory_space<vmem_shared>>
        %dma_start3A_92 = arith.constant 0 : i32
        %dma_start3A_93 = tpu.memref_slice %arg6[%mul3A_87, %dma_start3A_92] : memref<10000x128xf32, #tpu.memory_space<vmem_shared>> -> memref<200x128xf32, #tpu.memory_space<vmem_shared>>
        tpu.enqueue_dma source(%dma_start3A_93 : memref<200x128xf32, #tpu.memory_space<vmem_shared>>) target(%arg13 : memref<200x128xf32, #tpu.memory_space<vmem>>) target_semaphore(%run_scoped3A : memref<!tpu.dma_semaphore, #tpu.memory_space<semaphore_mem>>)
        %dma_wait3A_94 = arith.constant 0 : i32
        %dma_wait3A_95 = tpu.memref_slice %arg6[%mul3A_87, %dma_wait3A_94] : memref<10000x128xf32, #tpu.memory_space<vmem_shared>> -> memref<200x128xf32, #tpu.memory_space<vmem_shared>>
        %dma_wait3A_96 = arith.constant 0 : i32
        %dma_wait3A_97 = tpu.memref_slice %arg6[%mul3A_87, %dma_wait3A_96] : memref<10000x128xf32, #tpu.memory_space<vmem_shared>> -> memref<200x128xf32, #tpu.memory_space<vmem_shared>>
        tpu.wait_dma2 semaphore(%run_scoped3A : memref<!tpu.dma_semaphore, #tpu.memory_space<semaphore_mem>>) src(%dma_wait3A_97 : memref<200x128xf32, #tpu.memory_space<vmem_shared>>) dst(%arg13 : memref<200x128xf32, #tpu.memory_space<vmem>>)
        tpu.yield
      }) : () -> ()
      %mul3A_88 = arith.constant 200 : i32
      %mul3A_89 = arith.muli %add3A_80, %mul3A_88 : i32
      "tpu.region"() ({
        %run_scoped3A = tpu.sem_alloc : memref<!tpu.dma_semaphore, #tpu.memory_space<semaphore_mem>>
        %dma_start3A_90 = arith.constant 0 : i32
        %dma_start3A_91 = tpu.memref_slice %arg5[%arg0, %mul3A_89, %dma_start3A_90] : memref<2x10000x128xf32, #tpu.memory_space<hbm>> -> memref<1x200x128xf32, #tpu.memory_space<hbm>>
        %dma_start3A_92 = tpu.memref_squeeze %dma_start3A_91 : memref<1x200x128xf32, #tpu.memory_space<hbm>> -> memref<200x128xf32, #tpu.memory_space<hbm>>
        %dma_start3A_93 = arith.constant 0 : i32
        %dma_start3A_94 = tpu.memref_slice %arg5[%arg0, %mul3A_89, %dma_start3A_93] : memref<2x10000x128xf32, #tpu.memory_space<hbm>> -> memref<1x200x128xf32, #tpu.memory_space<hbm>>
        %dma_start3A_95 = tpu.memref_squeeze %dma_start3A_94 : memref<1x200x128xf32, #tpu.memory_space<hbm>> -> memref<200x128xf32, #tpu.memory_space<hbm>>
        tpu.enqueue_dma source(%arg13 : memref<200x128xf32, #tpu.memory_space<vmem>>) target(%dma_start3A_95 : memref<200x128xf32, #tpu.memory_space<hbm>>) target_semaphore(%run_scoped3A : memref<!tpu.dma_semaphore, #tpu.memory_space<semaphore_mem>>)
        %dma_wait3A_96 = arith.constant 0 : i32
        %dma_wait3A_97 = tpu.memref_slice %arg5[%arg0, %mul3A_89, %dma_wait3A_96] : memref<2x10000x128xf32, #tpu.memory_space<hbm>> -> memref<1x200x128xf32, #tpu.memory_space<hbm>>
        %dma_wait3A_98 = tpu.memref_squeeze %dma_wait3A_97 : memref<1x200x128xf32, #tpu.memory_space<hbm>> -> memref<200x128xf32, #tpu.memory_space<hbm>>
        %dma_wait3A_99 = arith.constant 0 : i32
        %dma_wait3A_100 = tpu.memref_slice %arg5[%arg0, %mul3A_89, %dma_wait3A_99] : memref<2x10000x128xf32, #tpu.memory_space<hbm>> -> memref<1x200x128xf32, #tpu.memory_space<hbm>>
        %dma_wait3A_101 = tpu.memref_squeeze %dma_wait3A_100 : memref<1x200x128xf32, #tpu.memory_space<hbm>> -> memref<200x128xf32, #tpu.memory_space<hbm>>
        tpu.wait_dma2 semaphore(%run_scoped3A : memref<!tpu.dma_semaphore, #tpu.memory_space<semaphore_mem>>) src(%arg13 : memref<200x128xf32, #tpu.memory_space<vmem>>) dst(%dma_wait3A_101 : memref<200x128xf32, #tpu.memory_space<hbm>>)
        tpu.yield
      }) : () -> ()
    } else {
    }
    return
  }
}

module attributes {stable_mosaic.version = 14 : i64} {
  func.func @body(%arg0: i32, %arg1: memref<400x128xf32, #tpu.memory_space<vmem>>, %arg2: memref<400x128xf32, #tpu.memory_space<vmem>>, %arg3: memref<400x1xf32, #tpu.memory_space<vmem>>, %arg4: memref<400x1xf32, #tpu.memory_space<vmem>>, %arg5: memref<400x128xf32, #tpu.memory_space<vmem>>, %arg6: memref<128x128xf32, #tpu.memory_space<vmem>>, %arg7: memref<128x128xf32, #tpu.memory_space<vmem>>, %arg8: memref<1x128xf32, #tpu.memory_space<vmem>>, %arg9: memref<400x128xf32, #tpu.memory_space<vmem>>) attributes {dimension_semantics = [#tpu.dimension_semantics<arbitrary>], iteration_bounds = array<i64: 25>, scalar_prefetch = 0 : i64, scratch_operands = 0 : i64, tpu.core_type = #tpu.core_type<tc>, window_params = [{transform_indices = @transform_0, window_bounds = array<i64: 400, 128>}, {transform_indices = @transform_1, window_bounds = array<i64: 400, 128>}, {transform_indices = @transform_2, window_bounds = array<i64: 400, 1>}, {transform_indices = @transform_3, window_bounds = array<i64: 400, 1>}, {transform_indices = @transform_4, window_bounds = array<i64: 400, 128>}, {pipeline_mode = #tpu.pipeline_mode<synchronous>, transform_indices = @transform_5, window_bounds = array<i64: 128, 128>}, {pipeline_mode = #tpu.pipeline_mode<synchronous>, transform_indices = @transform_6, window_bounds = array<i64: 128, 128>}, {pipeline_mode = #tpu.pipeline_mode<synchronous>, transform_indices = @transform_7, window_bounds = array<i64: 1, 128>}, {transform_indices = @transform_8, window_bounds = array<i64: 400, 128>}]} {
    %get3A = arith.constant 0 : index
    %get3A_0 = arith.constant 0 : index
    %get3A_1 = vector.load %arg3[%get3A, %get3A_0] : memref<400x1xf32, #tpu.memory_space<vmem>>, vector<400x1xf32>
    %get3A_2 = arith.constant 0 : index
    %get3A_3 = arith.constant 0 : index
    %get3A_4 = vector.load %arg4[%get3A_2, %get3A_3] : memref<400x1xf32, #tpu.memory_space<vmem>>, vector<400x1xf32>
    %add3A = arith.addf %get3A_1, %get3A_4 : vector<400x1xf32>
    %max3A = arith.constant 1.000000e+00 : f32
    %max3A_5 = vector.broadcast %max3A : f32 to vector<400x1xf32>
    %max3A_6 = arith.maximumf %add3A, %max3A_5 : vector<400x1xf32>
    %div3A = arith.constant 1.000000e+00 : f32
    %div3A_7 = vector.broadcast %div3A : f32 to vector<400x1xf32>
    %div3A_8 = arith.divf %div3A_7, %max3A_6 : vector<400x1xf32>
    %get3A_9 = arith.constant 0 : index
    %get3A_10 = arith.constant 0 : index
    %get3A_11 = vector.load %arg1[%get3A_9, %get3A_10] : memref<400x128xf32, #tpu.memory_space<vmem>>, vector<400x128xf32>
    %get3A_12 = arith.constant 0 : index
    %get3A_13 = arith.constant 0 : index
    %get3A_14 = vector.load %arg2[%get3A_12, %get3A_13] : memref<400x128xf32, #tpu.memory_space<vmem>>, vector<400x128xf32>
    %add3A_15 = arith.addf %get3A_11, %get3A_14 : vector<400x128xf32>
    %mul3A = vector.broadcast %div3A_8 : vector<400x1xf32> to vector<400x128xf32>
    %mul3A_16 = arith.mulf %add3A_15, %mul3A : vector<400x128xf32>
    %get3A_17 = arith.constant 0 : index
    %get3A_18 = arith.constant 0 : index
    %get3A_19 = vector.load %arg6[%get3A_17, %get3A_18] : memref<128x128xf32, #tpu.memory_space<vmem>>, vector<128x128xf32>
    %dot_general3A = arith.constant dense<0.000000e+00> : vector<400x128xf32>
    %dot_general3A_20 = tpu.matmul %mul3A_16, %get3A_19, %dot_general3A {dimension_numbers = #tpu.dot_dimension_numbers<[1], [0], [0], [1], [0, 0, 1, 1], [], []>, transpose_lhs_hint = false} : vector<400x128xf32>, vector<128x128xf32>, vector<400x128xf32> -> vector<400x128xf32>
    %get3A_21 = arith.constant 0 : index
    %get3A_22 = arith.constant 0 : index
    %get3A_23 = vector.load %arg8[%get3A_21, %get3A_22] : memref<1x128xf32, #tpu.memory_space<vmem>>, vector<1x128xf32>
    %add3A_24 = vector.broadcast %get3A_23 : vector<1x128xf32> to vector<400x128xf32>
    %add3A_25 = arith.addf %dot_general3A_20, %add3A_24 : vector<400x128xf32>
    %get3A_26 = arith.constant 0 : index
    %get3A_27 = arith.constant 0 : index
    %get3A_28 = vector.load %arg5[%get3A_26, %get3A_27] : memref<400x128xf32, #tpu.memory_space<vmem>>, vector<400x128xf32>
    %get3A_29 = arith.constant 0 : index
    %get3A_30 = arith.constant 0 : index
    %get3A_31 = vector.load %arg7[%get3A_29, %get3A_30] : memref<128x128xf32, #tpu.memory_space<vmem>>, vector<128x128xf32>
    %dot_general3A_32 = arith.constant dense<0.000000e+00> : vector<400x128xf32>
    %dot_general3A_33 = tpu.matmul %get3A_28, %get3A_31, %dot_general3A_32 {dimension_numbers = #tpu.dot_dimension_numbers<[1], [0], [0], [1], [0, 0, 1, 1], [], []>, transpose_lhs_hint = false} : vector<400x128xf32>, vector<128x128xf32>, vector<400x128xf32> -> vector<400x128xf32>
    %add3A_34 = arith.addf %add3A_25, %dot_general3A_33 : vector<400x128xf32>
    %max3A_35 = arith.constant 0.000000e+00 : f32
    %max3A_36 = vector.broadcast %max3A_35 : f32 to vector<400x128xf32>
    %max3A_37 = arith.maximumf %add3A_34, %max3A_36 : vector<400x128xf32>
    %swap3A = arith.constant 0 : index
    %swap3A_38 = arith.constant 0 : index
    %swap3A_39 = vector.load %arg9[%swap3A, %swap3A_38] : memref<400x128xf32, #tpu.memory_space<vmem>>, vector<400x128xf32>
    tpu.vector_store %arg9[%swap3A, %swap3A_38], %max3A_37 {strides = array<i32>} : memref<400x128xf32, #tpu.memory_space<vmem>>, vector<400x128xf32>,
    return
  }
  func.func @transform_0(%arg0: i32) -> (i32, i32) {
    %c0_i32 = arith.constant 0 : i32
    %c0_i32_0 = arith.constant 0 : i32
    return %arg0, %c0_i32 : i32, i32
  }
  func.func @transform_1(%arg0: i32) -> (i32, i32) {
    %c0_i32 = arith.constant 0 : i32
    %c0_i32_0 = arith.constant 0 : i32
    return %arg0, %c0_i32 : i32, i32
  }
  func.func @transform_2(%arg0: i32) -> (i32, i32) {
    %c0_i32 = arith.constant 0 : i32
    %c0_i32_0 = arith.constant 0 : i32
    return %arg0, %c0_i32 : i32, i32
  }
  func.func @transform_3(%arg0: i32) -> (i32, i32) {
    %c0_i32 = arith.constant 0 : i32
    %c0_i32_0 = arith.constant 0 : i32
    return %arg0, %c0_i32 : i32, i32
  }
  func.func @transform_4(%arg0: i32) -> (i32, i32) {
    %c0_i32 = arith.constant 0 : i32
    %c0_i32_0 = arith.constant 0 : i32
    return %arg0, %c0_i32 : i32, i32
  }
  func.func @transform_5(%arg0: i32) -> (i32, i32) {
    %c0_i32 = arith.constant 0 : i32
    %c0_i32_0 = arith.constant 0 : i32
    %c0_i32_1 = arith.constant 0 : i32
    return %c0_i32, %c0_i32_0 : i32, i32
  }
  func.func @transform_6(%arg0: i32) -> (i32, i32) {
    %c0_i32 = arith.constant 0 : i32
    %c0_i32_0 = arith.constant 0 : i32
    %c0_i32_1 = arith.constant 0 : i32
    return %c0_i32, %c0_i32_0 : i32, i32
  }
  func.func @transform_7(%arg0: i32) -> (i32, i32) {
    %c0_i32 = arith.constant 0 : i32
    %c0_i32_0 = arith.constant 0 : i32
    %c0_i32_1 = arith.constant 0 : i32
    return %c0_i32, %c0_i32_0 : i32, i32
  }
  func.func @transform_8(%arg0: i32) -> (i32, i32) {
    %c0_i32 = arith.constant 0 : i32
    %c0_i32_0 = arith.constant 0 : i32
    return %arg0, %c0_i32 : i32, i32
  }
}

module attributes {stable_mosaic.version = 14 : i64} {
  func.func @body(%arg0: i32, %arg1: memref<400x128xf32, #tpu.memory_space<vmem>>, %arg2: memref<400x128xf32, #tpu.memory_space<vmem>>, %arg3: memref<400x1xf32, #tpu.memory_space<vmem>>, %arg4: memref<400x1xf32, #tpu.memory_space<vmem>>, %arg5: memref<400x128xf32, #tpu.memory_space<vmem>>, %arg6: memref<1x1x400xi32, #tpu.memory_space<vmem>>, %arg7: memref<128x128xf32, #tpu.memory_space<vmem>>, %arg8: memref<128x128xf32, #tpu.memory_space<vmem>>, %arg9: memref<1x128xf32, #tpu.memory_space<vmem>>, %arg10: memref<128x64xf32, #tpu.memory_space<vmem>>, %arg11: memref<1x64xf32, #tpu.memory_space<vmem>>, %arg12: memref<64x16xf32, #tpu.memory_space<vmem>>, %arg13: memref<1x16xf32, #tpu.memory_space<vmem>>, %arg14: memref<64x16xf32, #tpu.memory_space<vmem>>, %arg15: memref<64x128xf32, #tpu.memory_space<vmem>>, %arg16: memref<64x128xf32, #tpu.memory_space<vmem>>) attributes {dimension_semantics = [#tpu.dimension_semantics<arbitrary>], iteration_bounds = array<i64: 25>, scalar_prefetch = 0 : i64, scratch_operands = 2 : i64, tpu.core_type = #tpu.core_type<tc>, window_params = [{transform_indices = @transform_0, window_bounds = array<i64: 400, 128>}, {transform_indices = @transform_1, window_bounds = array<i64: 400, 128>}, {transform_indices = @transform_2, window_bounds = array<i64: 400, 1>}, {transform_indices = @transform_3, window_bounds = array<i64: 400, 1>}, {transform_indices = @transform_4, window_bounds = array<i64: 400, 128>}, {transform_indices = @transform_5, window_bounds = array<i64: 1, 1, 400>}, {pipeline_mode = #tpu.pipeline_mode<synchronous>, transform_indices = @transform_6, window_bounds = array<i64: 128, 128>}, {pipeline_mode = #tpu.pipeline_mode<synchronous>, transform_indices = @transform_7, window_bounds = array<i64: 128, 128>}, {pipeline_mode = #tpu.pipeline_mode<synchronous>, transform_indices = @transform_8, window_bounds = array<i64: 1, 128>}, {pipeline_mode = #tpu.pipeline_mode<synchronous>, transform_indices = @transform_9, window_bounds = array<i64: 128, 64>}, {pipeline_mode = #tpu.pipeline_mode<synchronous>, transform_indices = @transform_10, window_bounds = array<i64: 1, 64>}, {pipeline_mode = #tpu.pipeline_mode<synchronous>, transform_indices = @transform_11, window_bounds = array<i64: 64, 16>}, {pipeline_mode = #tpu.pipeline_mode<synchronous>, transform_indices = @transform_12, window_bounds = array<i64: 1, 16>}, {pipeline_mode = #tpu.pipeline_mode<synchronous>, transform_indices = @transform_13, window_bounds = array<i64: 64, 16>}]} {
    %eq3A = arith.constant 0 : i32
    %eq3A_0 = arith.cmpi eq, %arg0, %eq3A : i32
    %convert_element_type3A = arith.extui %eq3A_0 : i1 to i32
    %cond3A = arith.constant 0 : i32
    %cond3A_1 = arith.cmpi ne, %convert_element_type3A, %cond3A : i32
    scf.if %cond3A_1 {
      %broadcast_in_dim3A_72 = arith.constant 0.000000e+00 : f32
      %broadcast_in_dim3A_73 = vector.broadcast %broadcast_in_dim3A_72 : f32 to vector<64x128xf32>
      %swap3A_74 = arith.constant 0 : index
      %swap3A_75 = arith.constant 0 : index
      %swap3A_76 = vector.load %arg15[%swap3A_74, %swap3A_75] : memref<64x128xf32, #tpu.memory_space<vmem>>, vector<64x128xf32>
      tpu.vector_store %arg15[%swap3A_74, %swap3A_75], %broadcast_in_dim3A_73 {strides = array<i32>} : memref<64x128xf32, #tpu.memory_space<vmem>>, vector<64x128xf32>,
      %broadcast_in_dim3A_77 = arith.constant 0.000000e+00 : f32
      %broadcast_in_dim3A_78 = vector.broadcast %broadcast_in_dim3A_77 : f32 to vector<64x128xf32>
      %swap3A_79 = arith.constant 0 : index
      %swap3A_80 = arith.constant 0 : index
      %swap3A_81 = vector.load %arg16[%swap3A_79, %swap3A_80] : memref<64x128xf32, #tpu.memory_space<vmem>>, vector<64x128xf32>
      tpu.vector_store %arg16[%swap3A_79, %swap3A_80], %broadcast_in_dim3A_78 {strides = array<i32>} : memref<64x128xf32, #tpu.memory_space<vmem>>, vector<64x128xf32>,
    } else {
    }
    %get3A = arith.constant 0 : index
    %get3A_2 = arith.constant 0 : index
    %get3A_3 = vector.load %arg3[%get3A, %get3A_2] : memref<400x1xf32, #tpu.memory_space<vmem>>, vector<400x1xf32>
    %get3A_4 = arith.constant 0 : index
    %get3A_5 = arith.constant 0 : index
    %get3A_6 = vector.load %arg4[%get3A_4, %get3A_5] : memref<400x1xf32, #tpu.memory_space<vmem>>, vector<400x1xf32>
    %add3A = arith.addf %get3A_3, %get3A_6 : vector<400x1xf32>
    %max3A = arith.constant 1.000000e+00 : f32
    %max3A_7 = vector.broadcast %max3A : f32 to vector<400x1xf32>
    %max3A_8 = arith.maximumf %add3A, %max3A_7 : vector<400x1xf32>
    %div3A = arith.constant 1.000000e+00 : f32
    %div3A_9 = vector.broadcast %div3A : f32 to vector<400x1xf32>
    %div3A_10 = arith.divf %div3A_9, %max3A_8 : vector<400x1xf32>
    %get3A_11 = arith.constant 0 : index
    %get3A_12 = arith.constant 0 : index
    %get3A_13 = vector.load %arg1[%get3A_11, %get3A_12] : memref<400x128xf32, #tpu.memory_space<vmem>>, vector<400x128xf32>
    %get3A_14 = arith.constant 0 : index
    %get3A_15 = arith.constant 0 : index
    %get3A_16 = vector.load %arg2[%get3A_14, %get3A_15] : memref<400x128xf32, #tpu.memory_space<vmem>>, vector<400x128xf32>
    %add3A_17 = arith.addf %get3A_13, %get3A_16 : vector<400x128xf32>
    %mul3A = vector.broadcast %div3A_10 : vector<400x1xf32> to vector<400x128xf32>
    %mul3A_18 = arith.mulf %add3A_17, %mul3A : vector<400x128xf32>
    %get3A_19 = arith.constant 0 : index
    %get3A_20 = arith.constant 0 : index
    %get3A_21 = vector.load %arg7[%get3A_19, %get3A_20] : memref<128x128xf32, #tpu.memory_space<vmem>>, vector<128x128xf32>
    %dot_general3A = arith.constant dense<0.000000e+00> : vector<400x128xf32>
    %dot_general3A_22 = tpu.matmul %mul3A_18, %get3A_21, %dot_general3A {dimension_numbers = #tpu.dot_dimension_numbers<[1], [0], [0], [1], [0, 0, 1, 1], [], []>, transpose_lhs_hint = false} : vector<400x128xf32>, vector<128x128xf32>, vector<400x128xf32> -> vector<400x128xf32>
    %get3A_23 = arith.constant 0 : index
    %get3A_24 = arith.constant 0 : index
    %get3A_25 = vector.load %arg9[%get3A_23, %get3A_24] : memref<1x128xf32, #tpu.memory_space<vmem>>, vector<1x128xf32>
    %add3A_26 = vector.broadcast %get3A_25 : vector<1x128xf32> to vector<400x128xf32>
    %add3A_27 = arith.addf %dot_general3A_22, %add3A_26 : vector<400x128xf32>
    %get3A_28 = arith.constant 0 : index
    %get3A_29 = arith.constant 0 : index
    %get3A_30 = vector.load %arg5[%get3A_28, %get3A_29] : memref<400x128xf32, #tpu.memory_space<vmem>>, vector<400x128xf32>
    %get3A_31 = arith.constant 0 : index
    %get3A_32 = arith.constant 0 : index
    %get3A_33 = vector.load %arg8[%get3A_31, %get3A_32] : memref<128x128xf32, #tpu.memory_space<vmem>>, vector<128x128xf32>
    %dot_general3A_34 = arith.constant dense<0.000000e+00> : vector<400x128xf32>
    %dot_general3A_35 = tpu.matmul %get3A_30, %get3A_33, %dot_general3A_34 {dimension_numbers = #tpu.dot_dimension_numbers<[1], [0], [0], [1], [0, 0, 1, 1], [], []>, transpose_lhs_hint = false} : vector<400x128xf32>, vector<128x128xf32>, vector<400x128xf32> -> vector<400x128xf32>
    %add3A_36 = arith.addf %add3A_27, %dot_general3A_35 : vector<400x128xf32>
    %max3A_37 = arith.constant 0.000000e+00 : f32
    %max3A_38 = vector.broadcast %max3A_37 : f32 to vector<400x128xf32>
    %max3A_39 = arith.maximumf %add3A_36, %max3A_38 : vector<400x128xf32>
    %iota3A = tpu.iota {dimensions = array<i32: 0>} : vector<64x400xi32>
    %get3A_40 = arith.constant 0 : index
    %get3A_41 = arith.constant 0 : index
    %get3A_42 = arith.constant 0 : index
    %get3A_43 = vector.load %arg6[%get3A_40, %get3A_41, %get3A_42] : memref<1x1x400xi32, #tpu.memory_space<vmem>>, vector<1x1x400xi32>
    %get3A_44 = vector.shape_cast %get3A_43 : vector<1x1x400xi32> to vector<1x400xi32>
    %eq3A_45 = vector.broadcast %get3A_44 : vector<1x400xi32> to vector<64x400xi32>
    %eq3A_46 = arith.cmpi eq, %iota3A, %eq3A_45 : vector<64x400xi32>
    %convert_element_type3A_47 = arith.extui %eq3A_46 : vector<64x400xi1> to vector<64x400xi32>
    %convert_element_type3A_48 = arith.sitofp %convert_element_type3A_47 : vector<64x400xi32> to vector<64x400xf32>
    %get3A_49 = arith.constant 0 : index
    %get3A_50 = arith.constant 0 : index
    %get3A_51 = vector.load %arg15[%get3A_49, %get3A_50] : memref<64x128xf32, #tpu.memory_space<vmem>>, vector<64x128xf32>
    %dot_general3A_52 = arith.constant dense<0.000000e+00> : vector<64x128xf32>
    %dot_general3A_53 = tpu.matmul %convert_element_type3A_48, %max3A_39, %dot_general3A_52 {dimension_numbers = #tpu.dot_dimension_numbers<[1], [0], [0], [1], [0, 0, 1, 1], [], []>, transpose_lhs_hint = false} : vector<64x400xf32>, vector<400x128xf32>, vector<64x128xf32> -> vector<64x128xf32>
    %add3A_54 = arith.addf %get3A_51, %dot_general3A_53 : vector<64x128xf32>
    %swap3A = arith.constant 0 : index
    %swap3A_55 = arith.constant 0 : index
    %swap3A_56 = vector.load %arg15[%swap3A, %swap3A_55] : memref<64x128xf32, #tpu.memory_space<vmem>>, vector<64x128xf32>
    tpu.vector_store %arg15[%swap3A, %swap3A_55], %add3A_54 {strides = array<i32>} : memref<64x128xf32, #tpu.memory_space<vmem>>, vector<64x128xf32>,
    %get3A_57 = arith.constant 0 : index
    %get3A_58 = arith.constant 0 : index
    %get3A_59 = vector.load %arg16[%get3A_57, %get3A_58] : memref<64x128xf32, #tpu.memory_space<vmem>>, vector<64x128xf32>
    %reduce_sum3A = arith.constant dense<0.000000e+00> : vector<64xf32>
    %reduce_sum3A_60 = vector.multi_reduction <add>, %convert_element_type3A_48, %reduce_sum3A [1] : vector<64x400xf32> to vector<64xf32>
    %broadcast_in_dim3A = vector.shape_cast %reduce_sum3A_60 : vector<64xf32> to vector<64x1xf32>
    %broadcast_in_dim3A_61 = vector.shape_cast %broadcast_in_dim3A : vector<64x1xf32> to vector<64x1xf32>
    %broadcast_in_dim3A_62 = vector.broadcast %broadcast_in_dim3A_61 : vector<64x1xf32> to vector<64x128xf32>
    %add3A_63 = arith.addf %get3A_59, %broadcast_in_dim3A_62 : vector<64x128xf32>
    %swap3A_64 = arith.constant 0 : index
    %swap3A_65 = arith.constant 0 : index
    %swap3A_66 = vector.load %arg16[%swap3A_64, %swap3A_65] : memref<64x128xf32, #tpu.memory_space<vmem>>, vector<64x128xf32>
    tpu.vector_store %arg16[%swap3A_64, %swap3A_65], %add3A_63 {strides = array<i32>} : memref<64x128xf32, #tpu.memory_space<vmem>>, vector<64x128xf32>,
    %eq3A_67 = arith.constant 24 : i32
    %eq3A_68 = arith.cmpi eq, %arg0, %eq3A_67 : i32
    %convert_element_type3A_69 = arith.extui %eq3A_68 : i1 to i32
    %cond3A_70 = arith.constant 0 : i32
    %cond3A_71 = arith.cmpi ne, %convert_element_type3A_69, %cond3A_70 : i32
    scf.if %cond3A_71 {
      %get3A_72 = arith.constant 0 : index
      %get3A_73 = arith.constant 0 : index
      %get3A_74 = vector.load %arg15[%get3A_72, %get3A_73] : memref<64x128xf32, #tpu.memory_space<vmem>>, vector<64x128xf32>
      %get3A_75 = arith.constant 0 : index
      %get3A_76 = arith.constant 0 : index
      %get3A_77 = vector.load %arg16[%get3A_75, %get3A_76] : memref<64x128xf32, #tpu.memory_space<vmem>>, vector<64x128xf32>
      %max3A_78 = arith.constant 1.000000e+00 : f32
      %max3A_79 = vector.broadcast %max3A_78 : f32 to vector<64x128xf32>
      %max3A_80 = arith.maximumf %get3A_77, %max3A_79 : vector<64x128xf32>
      %div3A_81 = arith.divf %get3A_74, %max3A_80 : vector<64x128xf32>
      %get3A_82 = arith.constant 0 : index
      %get3A_83 = arith.constant 0 : index
      %get3A_84 = vector.load %arg10[%get3A_82, %get3A_83] : memref<128x64xf32, #tpu.memory_space<vmem>>, vector<128x64xf32>
      %dot_general3A_85 = arith.constant dense<0.000000e+00> : vector<64x64xf32>
      %dot_general3A_86 = tpu.matmul %div3A_81, %get3A_84, %dot_general3A_85 {dimension_numbers = #tpu.dot_dimension_numbers<[1], [0], [0], [1], [0, 0, 1, 1], [], []>, transpose_lhs_hint = false} : vector<64x128xf32>, vector<128x64xf32>, vector<64x64xf32> -> vector<64x64xf32>
      %get3A_87 = arith.constant 0 : index
      %get3A_88 = arith.constant 0 : index
      %get3A_89 = vector.load %arg11[%get3A_87, %get3A_88] : memref<1x64xf32, #tpu.memory_space<vmem>>, vector<1x64xf32>
      %add3A_90 = vector.broadcast %get3A_89 : vector<1x64xf32> to vector<64x64xf32>
      %add3A_91 = arith.addf %dot_general3A_86, %add3A_90 : vector<64x64xf32>
      %get3A_92 = arith.constant 0 : index
      %get3A_93 = arith.constant 0 : index
      %get3A_94 = vector.load %arg12[%get3A_92, %get3A_93] : memref<64x16xf32, #tpu.memory_space<vmem>>, vector<64x16xf32>
      %dot_general3A_95 = arith.constant dense<0.000000e+00> : vector<64x16xf32>
      %dot_general3A_96 = tpu.matmul %add3A_91, %get3A_94, %dot_general3A_95 {dimension_numbers = #tpu.dot_dimension_numbers<[1], [0], [0], [1], [0, 0, 1, 1], [], []>, transpose_lhs_hint = false} : vector<64x64xf32>, vector<64x16xf32>, vector<64x16xf32> -> vector<64x16xf32>
      %get3A_97 = arith.constant 0 : index
      %get3A_98 = arith.constant 0 : index
      %get3A_99 = vector.load %arg13[%get3A_97, %get3A_98] : memref<1x16xf32, #tpu.memory_space<vmem>>, vector<1x16xf32>
      %add3A_100 = vector.broadcast %get3A_99 : vector<1x16xf32> to vector<64x16xf32>
      %add3A_101 = arith.addf %dot_general3A_96, %add3A_100 : vector<64x16xf32>
      %swap3A_102 = arith.constant 0 : index
      %swap3A_103 = arith.constant 0 : index
      %swap3A_104 = vector.load %arg14[%swap3A_102, %swap3A_103] : memref<64x16xf32, #tpu.memory_space<vmem>>, vector<64x16xf32>
      tpu.vector_store %arg14[%swap3A_102, %swap3A_103], %add3A_101 {strides = array<i32>} : memref<64x16xf32, #tpu.memory_space<vmem>>, vector<64x16xf32>,
    } else {
    }
    return
  }
  func.func @transform_0(%arg0: i32) -> (i32, i32) {
    %c0_i32 = arith.constant 0 : i32
    %c0_i32_0 = arith.constant 0 : i32
    return %arg0, %c0_i32 : i32, i32
  }
  func.func @transform_1(%arg0: i32) -> (i32, i32) {
    %c0_i32 = arith.constant 0 : i32
    %c0_i32_0 = arith.constant 0 : i32
    return %arg0, %c0_i32 : i32, i32
  }
  func.func @transform_2(%arg0: i32) -> (i32, i32) {
    %c0_i32 = arith.constant 0 : i32
    %c0_i32_0 = arith.constant 0 : i32
    return %arg0, %c0_i32 : i32, i32
  }
  func.func @transform_3(%arg0: i32) -> (i32, i32) {
    %c0_i32 = arith.constant 0 : i32
    %c0_i32_0 = arith.constant 0 : i32
    return %arg0, %c0_i32 : i32, i32
  }
  func.func @transform_4(%arg0: i32) -> (i32, i32) {
    %c0_i32 = arith.constant 0 : i32
    %c0_i32_0 = arith.constant 0 : i32
    return %arg0, %c0_i32 : i32, i32
  }
  func.func @transform_5(%arg0: i32) -> (i32, i32, i32) {
    %c0_i32 = arith.constant 0 : i32
    %c0_i32_0 = arith.constant 0 : i32
    %c0_i32_1 = arith.constant 0 : i32
    return %arg0, %c0_i32, %c0_i32_0 : i32, i32, i32
  }
  func.func @transform_6(%arg0: i32) -> (i32, i32) {
    %c0_i32 = arith.constant 0 : i32
    %c0_i32_0 = arith.constant 0 : i32
    %c0_i32_1 = arith.constant 0 : i32
    return %c0_i32, %c0_i32_0 : i32, i32
  }
  func.func @transform_7(%arg0: i32) -> (i32, i32) {
    %c0_i32 = arith.constant 0 : i32
    %c0_i32_0 = arith.constant 0 : i32
    %c0_i32_1 = arith.constant 0 : i32
    return %c0_i32, %c0_i32_0 : i32, i32
  }
  func.func @transform_8(%arg0: i32) -> (i32, i32) {
    %c0_i32 = arith.constant 0 : i32
    %c0_i32_0 = arith.constant 0 : i32
    %c0_i32_1 = arith.constant 0 : i32
    return %c0_i32, %c0_i32_0 : i32, i32
  }
  func.func @transform_9(%arg0: i32) -> (i32, i32) {
    %c0_i32 = arith.constant 0 : i32
    %c0_i32_0 = arith.constant 0 : i32
    %c0_i32_1 = arith.constant 0 : i32
    return %c0_i32, %c0_i32_0 : i32, i32
  }
  func.func @transform_10(%arg0: i32) -> (i32, i32) {
    %c0_i32 = arith.constant 0 : i32
    %c0_i32_0 = arith.constant 0 : i32
    %c0_i32_1 = arith.constant 0 : i32
    return %c0_i32, %c0_i32_0 : i32, i32
  }
  func.func @transform_11(%arg0: i32) -> (i32, i32) {
    %c0_i32 = arith.constant 0 : i32
    %c0_i32_0 = arith.constant 0 : i32
    %c0_i32_1 = arith.constant 0 : i32
    return %c0_i32, %c0_i32_0 : i32, i32
  }
  func.func @transform_12(%arg0: i32) -> (i32, i32) {
    %c0_i32 = arith.constant 0 : i32
    %c0_i32_0 = arith.constant 0 : i32
    %c0_i32_1 = arith.constant 0 : i32
    return %c0_i32, %c0_i32_0 : i32, i32
  }
  func.func @transform_13(%arg0: i32) -> (i32, i32) {
    %c0_i32 = arith.constant 0 : i32
    %c0_i32_0 = arith.constant 0 : i32
    %c0_i32_1 = arith.constant 0 : i32
    return %c0_i32, %c0_i32_0 : i32, i32
  }
}

</mosaic_0001>

<sc_bundles>
// kernel: kernel.10.cloned.1.call-start
scs
__scs_entry_jumppad:
0x0: {  	(pc) =	sbr.rel $0x88, $3  }
0x1: {  	(tag) =	ssettag $0x0;
	lr =	simm.s32 $0x1  }
0x2: {  	[smem:$0x3F94] =	sst lr;
	_ =	strace $0xD0000000  }
0x3: {  	_ = 	snop  }
0x4: {  	_ = 	snop  }
0x5: {  	_ = 	snop  }
0x6: {  	_ = 	snop  }
0x7: {  	_ = 	snop  }
__scs_overlays_trampoline_lowered:
0x8: {  	[smem:$0x3FA3] =	sst s0  }
0x9: {  	[smem:$0x3FA4] =	sst s1  }
0xa: {  	[smem:$0x3FA5] =	sst s2  }
0xb: {  	[smem:$0x3FA6] =	sst s3  }
0xc: {  	[smem:$0x3FA7] =	sst s4  }
0xd: {  	[smem:$0x3FA8] =	sst s5  }
0xe: {  	[smem:$0x3FA9] =	sst s6  }
0xf: {  	[smem:$0x3FAA] =	sst s7  }
0x10: {  	[smem:$0x3FAB] =	sst s8  }
0x11: {  	[smem:$0x3FAC] =	sst s9;
	s0 =	simm.s32 @!p0 $0x0  }
0x12: {  	s1 =	sld [smem:$0x3F92];
	s0 =	simm.s32 @p0 $0x1  }
0x13: {  	[smem:$0x3FAD] =	sst s0;
	s0 =	simm.s32 @!p1 $0x0  }
0x14: {  	s2 =	sld [smem:$0x3F91];
	s0 =	simm.s32 @p1 $0x1  }
0x15: {  	[smem:$0x3FAE] =	sst s0;
	s0 =	simm.s32 @!p2 $0x0  }
0x16: {  	s3 =	sld [smem:$0x3FDB];
	s0 =	simm.s32 @p2 $0x1  }
0x17: {  	s4 =	simm.s32 $0x1BF5;
	[smem:$0x3FB0] =	sst s0  }
0x18: {  	s0 =	sld [smem:$0x3F93];
	_ =	swait.ge [sflag:s4], $0x0  }
0x19: {  	s7 =	sld [smem:$0x3F94]  }
0x1a: {  	s8 =	sadd.s32 $0xFFFFE003, lr  }
0x1b: {  	s9 =	sadd.s32 $0xFFFFFEF7, lr;
	s5 =	simm.s32 $0xFFFFFFFF;
	p2 =	slt.u32 s8, $0xFFFFF086  }
0x1c: {  	p1 =	slt.u32 s9, $0xF7A;
	s5 =	simm.s32 @!p2 $0x0  }
0x1d: {  	s5 =	simm.s32 @p1 $0x1;
	p0 =	seq.s32 s7, s2  }
0x1e: {  	s7 =	smul.u32 @!p0 $0xF7A, s2;
	p2 =	seq.s32 @!p0 s5, $0x0  }
0x1f: {  	s9 =	smul.u32 $0xF7A, s1;
	s8 =	simm.s32 @!p0 $0x1BF5;
	p2 =	por !p2, p0  }
0x20: {  	[sflag:s8] =	ssyncset.s32 @!p0 $0xFFFFF086;
	s6 =	sadd.s32 @!p0 s3, s7;
	s7 =	simm.s32 @!p0 $0x108  }
0x21: {  	s3 =	sadd.s32 s3, s9;
	s6 =	sadd.s32 @!p0 $0x88, s6;
	s7 =	simm.s32 @p2 $0x1082  }
0x22: {  	[simem:s7], [sflag:s8] =	dma.local @!p0 [hbm:s6], $0xF7A  }
0x23: {  	s9 =	sor.u32 $0xD0000000, s2;
	s6 =	simm.s32 $0x108;
	_ =	swait.ge @!p0 [sflag:s8], $0x0  }
0x24: {  	s3 =	sadd.s32 $0x88, s3;
	s6 =	simm.s32 @!p1 $0x1082;
	[sflag:s4] =	ssyncset.s32 $0xFFFFF086  }
0x25: {  	[simem:s6], [sflag:s4] =	dma.local [hbm:s3], $0xF7A  }
0x26: {  	[smem:$0x3F94] =	sst s1;
	(tag) =	ssettag s2;
	_ =	strace s9  }
0x27: {  	s1 =	sld [smem:$0x3FA4]  }
0x28: {  	s2 =	sld [smem:$0x3FA5]  }
0x29: {  	s4 =	sld [smem:$0x3FA7]  }
0x2a: {  	p0 =	seq.s32 s5, $0x0;
	s5 =	sld [smem:$0x3FA8]  }
0x2b: {  	s6 =	sld [smem:$0x3FA9]  }
0x2c: {  	s7 =	sld [smem:$0x3FAA]  }
0x2d: {  	s3 =	simm.s32 $0x108;
	s8 =	sld [smem:$0x3FAB]  }
0x2e: {  	s3 =	simm.s32 @!p0 $0x1082;
	s9 =	sld [smem:$0x3FAC]  }
0x2f: {  	lr =	sadd.s32 s0, s3;
	s0 =	sld [smem:$0x3FA3]  }
0x30: {  	s3 =	sld [smem:$0x3FA6]  }
0x31: {  	[smem:$0x3FAF] =	sst s10  }
0x32: {  	s10 =	sld [smem:$0x3FAD];
	_ =	sdelay $0x3  }
0x33: {  	p0 =	seq.s32 s10, $0x1;
	s10 =	sld [smem:$0x3FAF];
	_ =	sdelay $0x3  }
0x34: {  	[smem:$0x3FAF] =	sst s10  }
0x35: {  	s10 =	sld [smem:$0x3FAE];
	_ =	sdelay $0x3  }
0x36: {  	p1 =	seq.s32 s10, $0x1;
	s10 =	sld [smem:$0x3FAF];
	_ =	sdelay $0x3  }
0x37: {  	[smem:$0x3FAF] =	sst s10  }
0x38: {  	s10 =	sld [smem:$0x3FB0]  }
0x39: {  	_ = 	snop;
	(pc) =	sbr.ind lr, $3  }
0x3a: {  	_ = 	snop  }
0x3b: {  	_ = 	snop  }
0x3c: {  	p2 =	seq.s32 s10, $0x1;
	s10 =	sld [smem:$0x3FAF]  }
0x3d: {  	_ =	shalt  }
0x3e: {  	_ =	shalt  }
0x3f: {  	_ =	shalt  }
0x40: {  	_ =	shalt  }
0x41: {  	_ =	shalt  }
0x42: {  	_ =	shalt  }
0x43: {  	_ =	shalt  }
0x44: {  	_ =	shalt  }
0x45: {  	_ =	shalt  }
0x46: {  	_ =	shalt  }
0x47: {  	_ =	shalt  }
0x48: {  	_ =	shalt  }
0x49: {  	_ =	shalt  }
0x4a: {  	_ =	shalt  }
0x4b: {  	_ =	shalt  }
0x4c: {  	_ =	shalt  }
0x4d: {  	_ =	shalt  }
0x4e: {  	_ =	shalt  }
0x4f: {  	_ =	shalt  }
0x50: {  	_ =	shalt  }
0x51: {  	_ =	shalt  }
0x52: {  	_ =	shalt  }
0x53: {  	_ =	shalt  }
0x54: {  	_ =	shalt  }
0x55: {  	_ =	shalt  }
0x56: {  	_ =	shalt  }
0x57: {  	_ =	shalt  }
0x58: {  	_ =	shalt  }
0x59: {  	_ =	shalt  }
0x5a: {  	_ =	shalt  }
0x5b: {  	_ =	shalt  }
0x5c: {  	_ =	shalt  }
0x5d: {  	_ =	shalt  }
0x5e: {  	_ =	shalt  }
0x5f: {  	_ =	shalt  }
0x60: {  	_ =	shalt  }
0x61: {  	_ =	shalt  }
0x62: {  	_ =	shalt  }
0x63: {  	_ =	shalt  }
0x64: {  	_ =	shalt  }
0x65: {  	_ =	shalt  }
0x66: {  	_ =	shalt  }
0x67: {  	_ =	shalt  }
0x68: {  	_ =	shalt  }
0x69: {  	_ =	shalt  }
0x6a: {  	_ =	shalt  }
0x6b: {  	_ =	shalt  }
0x6c: {  	_ =	shalt  }
0x6d: {  	_ =	shalt  }
0x6e: {  	_ =	shalt  }
0x6f: {  	_ =	shalt  }
0x70: {  	_ =	shalt  }
0x71: {  	_ =	shalt  }
0x72: {  	_ =	shalt  }
0x73: {  	_ =	shalt  }
0x74: {  	_ =	shalt  }
0x75: {  	_ =	shalt  }
0x76: {  	_ =	shalt  }
0x77: {  	_ =	shalt  }
0x78: {  	_ =	shalt  }
0x79: {  	_ =	shalt  }
0x7a: {  	_ =	shalt  }
0x7b: {  	_ =	shalt  }
0x7c: {  	_ =	shalt  }
0x7d: {  	_ =	shalt  }
0x7e: {  	_ =	shalt  }
0x7f: {  	_ =	shalt  }
0x80: {  	_ =	shalt  }
0x81: {  	_ =	shalt  }
0x82: {  	_ =	shalt  }
0x83: {  	_ =	shalt  }
0x84: {  	_ =	shalt  }
0x85: {  	_ =	shalt  }
0x86: {  	_ =	shalt  }
0x87: {  	_ =	shalt  }
.Lfunc_end0:
.L_simem_size_0:
called_computation.1_lowered:
.L_overlay_start_0:
0x88: {  	s2 =	sld [smem:$0x3FD9]  }
0x89: {  	s3 =	sld [smem:$0x3FFE];
	_ =	sdelay $0x1  }
0x8a: {  	s1 =	srdreg.scid  }
0x8b: {  	s0 =	sand.u32 $0x1, s1  }
0x8c: {  	s17 =	sshll.u32 s0, $0xA;
	s2 =	sadd.s32 s3, s2  }
0x8d: {  	s2 =	sadd.s32 s2, s17  }
0x8e: {  	[smem:$0x3FBB] =	sst s2  }
0x8f: {  	_ = 	snop  }
0x90: {  	s18 =	sld [smem:$0x3FC9];
	(tm) =	ssettm $0x1  }
0x91: {  	s19 =	sld [smem:$0x3FFB];
	_ =	sdelay $0x3  }
0x92: {  	_ =	strace s19  }
0x93: {  	s2 =	sld [smem:$0x3FFC];
	_ =	sdelay $0x3  }
0x94: {  	_ =	strace s2  }
0x95: {  	s2 =	sld [smem:$0x3FFD];
	_ =	sdelay $0x3  }
0x96: {  	_ =	strace s2  }
0x97: {  	_ =	strace $0x8FFFFFFF  }
0x98: {  	s20 =	sld [smem:$0x3FDB];
	_ =	sdelay $0x1  }
0x99: {  	s4 =	simm.s32 $_scs_section_size  }
0x9a: {  	s5 =	simm.s32 $_size__tile_overlayer_lowered;
	s6 =	simm.s32 $_tile_overlayer_lowered  }
0x9b: {  	s7 =	simm.s32 $0x1BFF;
	s21 =	sshll.u32 s6, $0x1;
	s4 =	sadd.s32 s4, s20  }
0x9c: {  	s22 =	simm.s32 $0x0;
	s5 =	sshll.u32 s5, $0x1;
	s6 =	sadd.s32 s21, s4  }
0x9d: {  	[timem:s22], [sflag:s7] =	dma.local [hbm:s6], s5  }
0x9e: {  	_ =	swait.ge [sflag:s7], s5  }
0x9f: {  	s5 =	ssub.s32 $0x0, s5;
	[sflag:s7] =	ssyncset.done $0x0  }
0xa0: {  	[sflag:s7] =	ssyncadd.s32 s5;
	_ =	sdelay $0x1  }
0xa1: {  	s23 =	simm.s32 $0x1B8B  }
0xa2: {  	_ =	swait.ge [sflag:s23], $0x1  }
0xa3: {  	[sflag:s23] =	ssyncset.done $0x0  }
0xa4: {  	[sflag:s23] =	ssyncadd.s32 $0xFFFFFFFF  }
0xa5: {  	s5 =	sld [smem:$0x0]  }
0xa6: {  	s6 =	sand.u32 $0xFFFFFFFE, s1  }
0xa7: {  	p0 =	sne.s32 s1, s6  }
0xa8: {  	s6 =	sshll.u32 @p0 s6, $0xE  }
0xa9: {  	s6 =	sadd.s32 @p0 $0x11B8D, s6;
	s7 =	sshll.u32 @p0 s5, $0x11  }
0xaa: {  	s6 =	sor.u32 @p0 s7, s6  }
0xab: {  	[sflag:s6] =	ssyncadd.remote.s32 @p0 $0x1;
	_ =	sdelay $0x1  }
0xac: {  	s6 =	simm.s32 @p0 $0x1B8D  }
0xad: {  	_ =	swait.eq @p0 [sflag:s6], $0x1  }
0xae: {  	[sflag:s6] =	ssyncadd.s32 @p0 $0xFFFFFFFF  }
0xaf: {  	s7 =	sshll.u32 @!p0 s1, $0xE  }
0xb0: {  	s7 =	sor.u32 @!p0 $0x4000, s7;
	s6 =	simm.s32 @!p0 $0x1B8D  }
0xb1: {  	s5 =	sshll.u32 @!p0 s5, $0x11;
	s7 =	sadd.s32 @!p0 $0x11B8D, s7;
	_ =	swait.eq @!p0 [sflag:s6], $0x1  }
0xb2: {  	s5 =	sor.u32 @!p0 s5, s7;
	[sflag:s6] =	ssyncadd.s32 @!p0 $0xFFFFFFFF  }
0xb3: {  	s25 =	simm.s32 $0x1B8E;
	s24 =	sld [smem:$0x3FFE];
	[sflag:s5] =	ssyncadd.remote.s32 @!p0 $0x1  }
0xb4: {  	s26 =	simm.s32 $execute0_lowered;
	[smem:$0x3FD2] =	sst s25  }
0xb5: {  	s6 =	sshll.u32 s26, $0x1;
	_ =	strace $0x80000049;
	[dreg:$0x1] =	wrdreg $0xFFFFFFFF  }
0xb6: {  	s28 =	simm.s32 $_size_execute0_lowered;
	s4 =	sadd.s32 s4, s6;
	[dreg:$0x0] =	wrdreg $0x0  }
0xb7: {  	s6 =	sshll.u32 s28, $0x1;
	[dreg:$0x2] =	wrdreg s4  }
0xb8: {  	[dreg:$0x3] =	wrdreg s6  }
0xb9: {  	[dreg:$0x4] =	wrdreg $0xC0  }
0xba: {  	_ =	task [dreg:s22], $0x5FFFF  }
0xbb: {  	[dreg:$0x1] =	wrdreg $0xFFFFFFFF  }
0xbc: {  	[dreg:$0x0] =	wrdreg $0x60  }
0xbd: {  	[dreg:$0x2] =	wrdreg s18  }
0xbe: {  	[dreg:$0x3] =	wrdreg s24  }
0xbf: {  	[dreg:$0x4] =	wrdreg $0x0  }
0xc0: {  	[dreg:$0x5] =	wrdreg $0xA  }
0xc1: {  	_ =	task.clear_ibuf [dreg:s22], $0x6FFFF;
	_ =	strace $0x90000049  }
0xc2: {  	s29 =	simm.s32 $0xA;
	_ =	strace $0x8000004B  }
0xc3: {  	_ =	swait.ge [sflag:s29], $0x1  }
0xc4: {  	[sflag:s29] =	ssyncadd.s32 $0xFFFFFFFF  }
0xc5: {  	_ =	strace $0x9000004B  }
0xc6: {  	_ =	sfence  }
0xc7: {  	s30 =	sld [smem:$0x0];
	_ =	sdelay $0x2  }
0xc8: {  	s31 =	sshll.u32 s1, $0xD;
	s1 =	sshrl.u32 s1, $0x2  }
0xc9: {  	s4 =	sand.u32 $0x4000, s31;
	s1 =	sadd.s32 s1, s30  }
0xca: {  	s0 =	sor.u32 s4, s0;
	s1 =	sshll.u32 s1, $0x11  }
0xcb: {  	s0 =	sor.u32 s1, s0  }
0xcc: {  	s0 =	sadd.s32 $0x8F2B, s0  }
0xcd: {  	[sflag:s0] =	ssyncadd.remote.s32 $0x1  }
0xce: {  	_ =	sfence.sel $0xFFFF  }
0xcf: {  	[dreg:$0x0] =	wrdreg $0xFFFFFFFF;
	(pc) =	sbr.abs _section_cstart, $3  }
0xd0: {  	[dreg:$0x1] =	wrdreg $0xFFFFFFFF  }
0xd1: {  	_ =	task.clear_ibuf [dreg:s22], $0x2FFFF;
	_ =	strace $0x9FFFFFFF  }
0xd2: {  	(tm) =	ssettm $0x7FFFFFFF  }
0xd3: {  	_ =	shalt  }
tec
execute0_lowered:
.L_overlay_start_1:
0x0: {  	(tag) =	ssettag $0x1  }
0x1: {  	s1 =	rddreg [dreg:$0x0]  }
0x2: {  	s0 =	rddreg [dreg:$0x1]  }
0x3: {  	s2 =	rddreg [dreg:$0x2]  }
0x4: {  	s3 =	simm.s32 $0x0;
	s4 =	srdreg.scid;
	s19 =	stileid.u32  }
0x5: {  	s28 =	simm.s32 $0x13900;
	s29 =	simm.s32 $0x13A00;
	s30 =	simm.s32 $0x3  }
0x6: {  	s31 =	simm.s32 $0x50;
	[smem:$0x7FF] =	sst s3;
	s21 =	smul.u32 $0x19000, s19  }
0x7: {  	s4 =	sand.u32 $0x1, s4;
	s12 =	smul.u32 $0x6400, s19;
	s13 =	sor.u32 $0x30, s19  }
0x8: {  	s5 =	sadd.s32 $0xD400, s0;
	s6 =	sadd.s32 $0x2A00, s0;
	s9 =	smul.u32 $0x19000, s13  }
0x9: {  	s0 =	sadd.s32 $0x17200, s0;
	p0 =	sgt.u32 s19, $0x1;
	s18 =	smul.u32 $0x138800, s4  }
0xa: {  	_ =	strace $0x8000004A;
	s7 =	ssub.s32 $0x2, s4;
	s13 =	smul.u32 $0x6400, s13  }
0xb: {  	s22 =	sshll.u32 s4, $0x4;
	s4 =	smul.u32 $0x27100, s4;
	s8 =	sshrl.u32 s7, $0x1  }
0xc: {  	s14 =	sadd.s32 $0x64000, s12;
	s16 =	sadd.s32 $0xC8000, s12;
	s11 =	ssub.s32 s7, s8  }
0xd: {  	s8 =	sor.u32 s19, s22;
	s7 =	sshrl.u32 s21, $0x2;
	s23 =	sadd.s32 s14, s2  }
0xe: {  	s10 =	sshrl.u32 s9, $0x2;
	s9 =	sadd.s32 s16, s2;
	s12 =	sadd.s32 s12, s18  }
0xf: {  	s14 =	sadd.s32 s18, s14;
	s22 =	sadd.s32 s18, s16;
	s13 =	sadd.s32 s18, s13  }
0x10: {  	s16 =	simm.s32 $0x0;
	s7 =	sadd.s32 s7, s2;
	s15 =	smul.u32 $0x2710, s8  }
0x11: {  	[dreg:$0x5] =	wrdreg s23;
	s10 =	sadd.s32 s10, s2;
	s12 =	sshrl.u32 s12, $0x3  }
0x12: {  	s14 =	sshrl.u32 s14, $0x3;
	s8 =	smul.u32 $0x2710, s19;
	s13 =	sshrl.u32 s13, $0x3  }
0x13: {  	[dreg:$0x4] =	wrdreg s7;
	s20 =	sadd.s32 s0, s12;
	s21 =	sadd.s32 s0, s14  }
0x14: {  	s12 =	sshrl.u32 s22, $0x3;
	s14 =	simm.s32 $0x2;
	[dreg:$0xa] =	wrdreg s20  }
0x15: {  	s15 =	sshrl.u32 s15, $0x3;
	[dreg:$0xb] =	wrdreg s21;
	s4 =	sadd.s32 s8, s4  }
0x16: {  	s24 =	sadd.s32 s5, s15;
	s17 =	sadd.s32 $0xA, s15;
	s25 =	sadd.s32 s6, s15  }
0x17: {  	s23 =	sadd.s32 $0xF0, s4;
	s22 =	sadd.s32 $0xA0, s4;
	[dreg:$0x6] =	wrdreg s24  }
0x18: {  	s4 =	simm.s32 $0x4;
	[dreg:$0x7] =	wrdreg s25;
	s26 =	sadd.s32 s5, s17  }
0x19: {  	s15 =	simm.s32 $0x6;
	s17 =	sadd.s32 s6, s17;
	[dreg:$0x8] =	wrdreg s26  }
0x1a: {  	s24 =	sadd.s32 s0, s12;
	s0 =	sadd.s32 s0, s13;
	[dreg:$0x9] =	wrdreg s17  }
0x1b: {  	s25 =	sshrl.u32 s23, $0x3;
	s23 =	simm.s32 $0x18A80;
	[dreg:$0xc] =	wrdreg s24  }
0x1c: {  	s12 =	simm.s32 $0x1;
	s13 =	simm.s32 $0x5;
	[dreg:$0xd] =	wrdreg s0  }
0x1d: {  	s26 =	smax.u32 s11, $0x1;
	s20 =	sadd.s32 s25, s6;
	s21 =	sadd.s32 s25, s5  }
0x1e: {  	s24 =	simm.s32 $0x7;
	s25 =	simm.s32 $0x13880;
	s0 =	simm.s32 $0x13A80  }
0x1f: {  	v0 =	vimm.f32 $0.0e+00;
	s11 =	simm.s32 $0x16280;
	[dreg:$0xe] =	wrdreg s26;
	s26 =	simm.s32 $0x13980  }
.LBB2_1:
0x20: {  	s17 =	simm.s32 $0x0;
	s18 =	simm.s32 $0x200  }
.LBB2_2:
0x21: {  	p1 =	sne.s32 s18, $0x18E00;
	[tilespmem:s17+$0x18AF0] =	vst v0  }
0x22: {  	[tilespmem:s17+$0x18A80] =	vst v0  }
0x23: {  	[tilespmem:s17+$0x18A90] =	vst v0  }
.Ltmp0:
0x24: {  	[tilespmem:s17+$0x18AA0] =	vst v0;
	(pc) =	sbr.rel @p1 .LBB2_2-.Ltmp0, $4  }
0x25: {  	[tilespmem:s17+$0x18AB0] =	vst v0  }
0x26: {  	[tilespmem:s17+$0x18AC0] =	vst v0  }
0x27: {  	[tilespmem:s17+$0x18AD0] =	vst v0  }
0x28: {  	[tilespmem:s17+$0x18AE0] =	vst v0;
	s17 =	sshra.s32 s18, $0x2;
	s18 =	sadd.s32 $0x200, s18  }
0x29: {  	[tilespmem:s17+$0x18AF0] =	vst v0  }
0x2a: {  	[tilespmem:s17+$0x18A80] =	vst v0  }
0x2b: {  	[tilespmem:s17+$0x18A90] =	vst v0  }
0x2c: {  	[tilespmem:s17+$0x18AA0] =	vst v0  }
0x2d: {  	[tilespmem:s17+$0x18AB0] =	vst v0  }
0x2e: {  	[tilespmem:s17+$0x18AC0] =	vst v0  }
0x2f: {  	[tilespmem:s17+$0x18AD0] =	vst v0  }
0x30: {  	[tilespmem:s17+$0x18AE0] =	vst v0;
	s7 =	rddreg [dreg:$0x4]  }
0x31: {  	[spmem:s7] =	stream.linear.scatter [tilespmem:s23], [sflag:$0x7], $0x6400, $0x38;
	[tilespmem:$0x1EE80] =	vst v63  }
0x32: {  	_ =	swait.ge [sflag:s24], $0x6400  }
0x33: {  	[sflag:s24] =	ssyncset.done $0x0  }
0x34: {  	s18 =	rddreg [dreg:$0x5];
	[sflag:s24] =	ssyncadd.s32 $0xFFFF9C00  }
0x35: {  	[spmem:s18] =	stream.linear.scatter [tilespmem:s23], [sflag:$0x7], $0x6400, $0x38;
	[tilespmem:$0x1EE80] =	vst v63  }
0x36: {  	_ =	swait.ge [sflag:s24], $0x6400  }
0x37: {  	[sflag:s24] =	ssyncset.done $0x0  }
0x38: {  	[sflag:s24] =	ssyncadd.s32 $0xFFFF9C00  }
0x39: {  	[spmem:s9] =	stream.linear.scatter [tilespmem:s23], [sflag:$0x7], $0x6400, $0x38;
	[tilespmem:$0x1EE80] =	vst v63  }
0x3a: {  	_ =	swait.ge [sflag:s24], $0x6400  }
0x3b: {  	[sflag:s24] =	ssyncset.done $0x0  }
0x3c: {  	s17 =	simm.s32 @!p0 $0x18A80;
	[sflag:s24] =	ssyncadd.s32 $0xFFFF9C00  }
0x3d: {  	[spmem:s10] =	stream.linear.scatter @!p0 [tilespmem:s17], [sflag:$0x7], $0x6400, $0x38;
	[tilespmem:$0x1EE80] =	vst v63  }
0x3e: {  	s17 =	simm.s32 @!p0 $0x7  }
0x3f: {  	_ =	swait.ge @!p0 [sflag:s17], $0x6400  }
0x40: {  	[sflag:s17] =	ssyncset.done @!p0 $0x0  }
0x41: {  	[sflag:s17] =	ssyncadd.s32 @!p0 $0xFFFF9C00  }
0x42: {  	[bflag:$0x0] =	sbarrier.arrive $0xFFFF  }
0x43: {  	s17 =	simm.s32 $0x0;
	s19 =	rddreg [dreg:$0x6]  }
0x44: {  	[tilespmem:s25], [sflag:$0x3] =	stream.linear.gather [hbm4b:s19+s17], $0x50, $0x38;
	[tilespmem:$0x1EE80] =	vst v63  }
0x45: {  	s8 =	rddreg [dreg:$0x7]  }
0x46: {  	[tilespmem:s26], [sflag:$0x5] =	stream.linear.gather [hbm4b:s8+s17], $0x50, $0x38;
	[tilespmem:$0x1EE80] =	vst v63  }
0x47: {  	s18 =	rddreg [dreg:$0x8]  }
0x48: {  	[tilespmem:s28], [sflag:$0x4] =	stream.linear.gather [hbm4b:s18+s17], $0x50, $0x38;
	[tilespmem:$0x1EE80] =	vst v63  }
0x49: {  	s19 =	rddreg [dreg:$0x9]  }
0x4a: {  	[tilespmem:s29], [sflag:$0x6] =	stream.linear.gather [hbm4b:s19+s17], $0x50, $0x38;
	[tilespmem:$0x1EE80] =	vst v63  }
0x4b: {  	_ =	swait.ge [sflag:s30], $0x50  }
0x4c: {  	[sflag:s30] =	ssyncset.done $0x0  }
0x4d: {  	[sflag:s30] =	ssyncadd.s32 $0xFFFFFFB0  }
0x4e: {  	[tilespmem:s0], [sflag:$0x1] =	stream.indirect.gather [hbm4b:s1+s31], $0x80, s25, s31, $0xb8;
	[tilespmem:$0x1EE80] =	vst v63  }
0x4f: {  	_ =	swait.ge [sflag:s4], $0x50  }
0x50: {  	[sflag:s4] =	ssyncset.done $0x0  }
0x51: {  	[sflag:s4] =	ssyncadd.s32 $0xFFFFFFB0  }
0x52: {  	[tilespmem:s11], [sflag:$0x2] =	stream.indirect.gather [hbm4b:s1+s31], $0x80, s28, s31, $0xb8;
	[tilespmem:$0x1EE80] =	vst v63  }
0x53: {  	_ =	swait.ge [sflag:s12], $0x2800  }
0x54: {  	s8 =	sshrl.u32 s22, $0x3;
	[sflag:s12] =	ssyncset.done $0x0  }
0x55: {  	s18 =	sadd.s32 s5, s8;
	[sflag:s12] =	ssyncadd.s32 $0xFFFFD800  }
0x56: {  	[tilespmem:s25], [sflag:$0x3] =	stream.linear.gather [hbm4b:s18+s3], $0x50, $0x38;
	[tilespmem:$0x1EE80] =	vst v63  }
0x57: {  	_ =	swait.ge [sflag:s13], $0x50  }
0x58: {  	[sflag:s13] =	ssyncset.done $0x0  }
0x59: {  	[sflag:s13] =	ssyncadd.s32 $0xFFFFFFB0  }
0x5a: {  	[spmem:s2] =	stream.indirect.scatter.add.f32 [tilespmem:s0], [sflag:$0x7], $0x80, s26, s31, $0xb8;
	[tilespmem:$0x1EE80] =	vst v63  }
0x5b: {  	_ =	swait.ge [sflag:s24], $0x2800  }
0x5c: {  	[sflag:s24] =	ssyncset.done $0x0  }
0x5d: {  	s17 =	sadd.s32 s6, s8;
	[sflag:s24] =	ssyncadd.s32 $0xFFFFD800  }
0x5e: {  	[tilespmem:s26], [sflag:$0x5] =	stream.linear.gather [hbm4b:s17+s3], $0x50, $0x38;
	[tilespmem:$0x1EE80] =	vst v63  }
0x5f: {  	_ =	swait.ge [sflag:s30], $0x50  }
0x60: {  	[sflag:s30] =	ssyncset.done $0x0  }
0x61: {  	[sflag:s30] =	ssyncadd.s32 $0xFFFFFFB0  }
0x62: {  	[tilespmem:s0], [sflag:$0x1] =	stream.indirect.gather [hbm4b:s1+s31], $0x80, s25, s31, $0xb8;
	[tilespmem:$0x1EE80] =	vst v63  }
0x63: {  	_ =	swait.ge [sflag:s14], $0x2800  }
0x64: {  	[sflag:s14] =	ssyncset.done $0x0  }
0x65: {  	s19 =	sadd.s32 $0x0, s21;
	[sflag:s14] =	ssyncadd.s32 $0xFFFFD800  }
0x66: {  	[tilespmem:s28], [sflag:$0x4] =	stream.linear.gather [hbm4b:s19+s3], $0x50, $0x38;
	[tilespmem:$0x1EE80] =	vst v63  }
0x67: {  	_ =	swait.ge [sflag:s15], $0x50  }
0x68: {  	[sflag:s15] =	ssyncset.done $0x0  }
0x69: {  	[sflag:s15] =	ssyncadd.s32 $0xFFFFFFB0  }
0x6a: {  	[spmem:s2] =	stream.indirect.scatter.add.f32 [tilespmem:s11], [sflag:$0x7], $0x80, s29, s31, $0xb8;
	[tilespmem:$0x1EE80] =	vst v63  }
0x6b: {  	_ =	swait.ge [sflag:s24], $0x2800  }
0x6c: {  	s18 =	sadd.s32 $0xA0, s22;
	[sflag:s24] =	ssyncset.done $0x0  }
0x6d: {  	s17 =	simm.s32 $0x14;
	s19 =	sadd.s32 $0x0, s20;
	[sflag:s24] =	ssyncadd.s32 $0xFFFFD800  }
.LBB2_4:
0x6e: {  	[tilespmem:s29], [sflag:$0x6] =	stream.linear.gather [hbm4b:s19+s3], $0x50, $0x38;
	[tilespmem:$0x1EE80] =	vst v63  }
0x6f: {  	s19 =	smov.u32 s17  }
0x70: {  	p1 =	sne.s32 s17, $0x4C4;
	s17 =	sadd.s32 $0x14, s17;
	_ =	swait.ge [sflag:s4], $0x50  }
0x71: {  	[sflag:s4] =	ssyncset.done $0x0  }
0x72: {  	[sflag:s4] =	ssyncadd.s32 $0xFFFFFFB0  }
0x73: {  	[tilespmem:s11], [sflag:$0x2] =	stream.indirect.gather [hbm4b:s1+s31], $0x80, s28, s31, $0xb8;
	[tilespmem:$0x1EE80] =	vst v63  }
0x74: {  	_ =	swait.ge [sflag:s12], $0x2800  }
0x75: {  	s7 =	sshrl.u32 s18, $0x3;
	[sflag:s12] =	ssyncset.done $0x0  }
0x76: {  	s8 =	sadd.s32 s5, s7;
	[sflag:s12] =	ssyncadd.s32 $0xFFFFD800  }
0x77: {  	[tilespmem:s25], [sflag:$0x3] =	stream.linear.gather [hbm4b:s8+s3], $0x50, $0x38;
	[tilespmem:$0x1EE80] =	vst v63  }
0x78: {  	_ =	swait.ge [sflag:s13], $0x50  }
0x79: {  	[sflag:s13] =	ssyncset.done $0x0  }
0x7a: {  	[sflag:s13] =	ssyncadd.s32 $0xFFFFFFB0  }
0x7b: {  	[spmem:s2] =	stream.indirect.scatter.add.f32 [tilespmem:s0], [sflag:$0x7], $0x80, s26, s31, $0xb8;
	[tilespmem:$0x1EE80] =	vst v63  }
0x7c: {  	_ =	swait.ge [sflag:s24], $0x2800  }
0x7d: {  	[sflag:s24] =	ssyncset.done $0x0  }
0x7e: {  	s7 =	sadd.s32 s6, s7;
	[sflag:s24] =	ssyncadd.s32 $0xFFFFD800  }
0x7f: {  	[tilespmem:s26], [sflag:$0x5] =	stream.linear.gather [hbm4b:s7+s3], $0x50, $0x38;
	[tilespmem:$0x1EE80] =	vst v63  }
0x80: {  	_ =	swait.ge [sflag:s30], $0x50  }
0x81: {  	[sflag:s30] =	ssyncset.done $0x0  }
0x82: {  	[sflag:s30] =	ssyncadd.s32 $0xFFFFFFB0  }
0x83: {  	[tilespmem:s0], [sflag:$0x1] =	stream.indirect.gather [hbm4b:s1+s31], $0x80, s25, s31, $0xb8;
	[tilespmem:$0x1EE80] =	vst v63  }
0x84: {  	_ =	swait.ge [sflag:s14], $0x2800  }
0x85: {  	[sflag:s14] =	ssyncset.done $0x0  }
0x86: {  	s7 =	sadd.s32 s19, s21;
	[sflag:s14] =	ssyncadd.s32 $0xFFFFD800  }
0x87: {  	[tilespmem:s28], [sflag:$0x4] =	stream.linear.gather [hbm4b:s7+s3], $0x50, $0x38;
	[tilespmem:$0x1EE80] =	vst v63  }
0x88: {  	_ =	swait.ge [sflag:s15], $0x50  }
0x89: {  	[sflag:s15] =	ssyncset.done $0x0  }
.Ltmp1:
0x8a: {  	[sflag:s15] =	ssyncadd.s32 $0xFFFFFFB0;
	(pc) =	sbr.rel @p1 .LBB2_4-.Ltmp1, $4  }
0x8b: {  	[spmem:s2] =	stream.indirect.scatter.add.f32 [tilespmem:s11], [sflag:$0x7], $0x80, s29, s31, $0xb8;
	[tilespmem:$0x1EE80] =	vst v63  }
0x8c: {  	_ =	swait.ge [sflag:s24], $0x2800  }
0x8d: {  	[sflag:s24] =	ssyncset.done $0x0  }
0x8e: {  	s18 =	sadd.s32 $0xA0, s18;
	s19 =	sadd.s32 s19, s20;
	[sflag:s24] =	ssyncadd.s32 $0xFFFFD800  }
0x8f: {  	[tilespmem:s29], [sflag:$0x6] =	stream.linear.gather [hbm4b:s19+s3], $0x50, $0x38;
	[tilespmem:$0x1EE80] =	vst v63  }
0x90: {  	_ =	swait.ge [sflag:s12], $0x2800  }
0x91: {  	[sflag:s12] =	ssyncset.done $0x0  }
0x92: {  	[sflag:s12] =	ssyncadd.s32 $0xFFFFD800  }
0x93: {  	_ =	swait.ge [sflag:s13], $0x50  }
0x94: {  	[sflag:s13] =	ssyncset.done $0x0  }
0x95: {  	[sflag:s13] =	ssyncadd.s32 $0xFFFFFFB0  }
0x96: {  	[spmem:s2] =	stream.indirect.scatter.add.f32 [tilespmem:s0], [sflag:$0x7], $0x80, s26, s31, $0xb8;
	[tilespmem:$0x1EE80] =	vst v63  }
0x97: {  	_ =	swait.ge [sflag:s24], $0x2800  }
0x98: {  	[sflag:s24] =	ssyncset.done $0x0  }
0x99: {  	[sflag:s24] =	ssyncadd.s32 $0xFFFFD800  }
0x9a: {  	_ =	swait.ge [sflag:s4], $0x50  }
0x9b: {  	[sflag:s4] =	ssyncset.done $0x0  }
0x9c: {  	[sflag:s4] =	ssyncadd.s32 $0xFFFFFFB0  }
0x9d: {  	_ =	swait.ge [sflag:s15], $0x50  }
0x9e: {  	[sflag:s15] =	ssyncset.done $0x0  }
0x9f: {  	[sflag:s15] =	ssyncadd.s32 $0xFFFFFFB0  }
0xa0: {  	[bflag:$0x0] =	sbarrier.arrive $0xFFFF  }
0xa1: {  	s7 =	rddreg [dreg:$0x4]  }
0xa2: {  	[tilespmem:s23], [sflag:$0x7] =	stream.linear.gather [spmem:s7], $0x6400, $0x38;
	[tilespmem:$0x1EE80] =	vst v63  }
0xa3: {  	_ =	swait.ge [sflag:s24], $0x6400  }
0xa4: {  	[sflag:s24] =	ssyncset.done $0x0  }
0xa5: {  	s19 =	rddreg [dreg:$0xa];
	[sflag:s24] =	ssyncadd.s32 $0xFFFF9C00  }
0xa6: {  	[hbm4b:s19+s3] =	stream.linear.scatter [tilespmem:s23], [sflag:$0x7], $0x6400, $0x38;
	[tilespmem:$0x1EE80] =	vst v63  }
0xa7: {  	_ =	swait.ge [sflag:s24], $0x6400  }
0xa8: {  	[sflag:s24] =	ssyncset.done $0x0  }
0xa9: {  	s8 =	rddreg [dreg:$0x5];
	[sflag:s24] =	ssyncadd.s32 $0xFFFF9C00  }
0xaa: {  	[tilespmem:s23], [sflag:$0x7] =	stream.linear.gather [spmem:s8], $0x6400, $0x38;
	[tilespmem:$0x1EE80] =	vst v63  }
0xab: {  	_ =	swait.ge [sflag:s24], $0x6400  }
0xac: {  	[sflag:s24] =	ssyncset.done $0x0  }
0xad: {  	s17 =	rddreg [dreg:$0xb];
	[sflag:s24] =	ssyncadd.s32 $0xFFFF9C00  }
0xae: {  	[hbm4b:s17+s3] =	stream.linear.scatter [tilespmem:s23], [sflag:$0x7], $0x6400, $0x38;
	[tilespmem:$0x1EE80] =	vst v63  }
0xaf: {  	_ =	swait.ge [sflag:s24], $0x6400  }
0xb0: {  	[sflag:s24] =	ssyncset.done $0x0  }
0xb1: {  	[sflag:s24] =	ssyncadd.s32 $0xFFFF9C00  }
0xb2: {  	[tilespmem:s23], [sflag:$0x7] =	stream.linear.gather [spmem:s9], $0x6400, $0x38;
	[tilespmem:$0x1EE80] =	vst v63  }
0xb3: {  	_ =	swait.ge [sflag:s24], $0x6400  }
0xb4: {  	[sflag:s24] =	ssyncset.done $0x0  }
0xb5: {  	s18 =	rddreg [dreg:$0xc];
	[sflag:s24] =	ssyncadd.s32 $0xFFFF9C00  }
0xb6: {  	[hbm4b:s18+s3] =	stream.linear.scatter [tilespmem:s23], [sflag:$0x7], $0x6400, $0x38;
	[tilespmem:$0x1EE80] =	vst v63  }
0xb7: {  	_ =	swait.ge [sflag:s24], $0x6400  }
0xb8: {  	[sflag:s24] =	ssyncset.done $0x0  }
0xb9: {  	s7 =	simm.s32 @!p0 $0x18A80;
	s8 =	simm.s32 @!p0 $0x7;
	[sflag:s24] =	ssyncadd.s32 $0xFFFF9C00  }
0xba: {  	[tilespmem:s7], [sflag:$0x7] =	stream.linear.gather @!p0 [spmem:s10], $0x6400, $0x38;
	[tilespmem:$0x1EE80] =	vst v63  }
0xbb: {  	_ =	swait.ge @!p0 [sflag:s8], $0x6400  }
0xbc: {  	[sflag:s8] =	ssyncset.done @!p0 $0x0  }
0xbd: {  	s17 =	simm.s32 @!p0 $0x0;
	s18 =	rddreg [dreg:$0xd];
	[sflag:s8] =	ssyncadd.s32 @!p0 $0xFFFF9C00  }
0xbe: {  	[hbm4b:s18+s17] =	stream.linear.scatter @!p0 [tilespmem:s7], [sflag:$0x7], $0x6400, $0x38;
	[tilespmem:$0x1EE80] =	vst v63  }
0xbf: {  	_ =	swait.ge @!p0 [sflag:s8], $0x6400  }
0xc0: {  	s16 =	sadd.s32 $0x1, s16;
	s19 =	rddreg [dreg:$0xe]  }
0xc1: {  	p1 =	sne.s32 s16, s19  }
.Ltmp2:
0xc2: {  	_ = 	snop;
	(pc) =	sbr.rel @p1 .LBB2_1-.Ltmp2, $3  }
0xc3: {  	_ =	sdelay $0x1  }
0xc4: {  	[sflag:s8] =	ssyncset.done @!p0 $0x0  }
0xc5: {  	[sflag:s8] =	ssyncadd.s32 @!p0 $0xFFFF9C00  }
0xc6: {  	_ =	sfence.sel $0x180000  }
0xc7: {  	[bflag:$0x0] =	sbarrier.arrive $0xFFFF  }
0xc8: {  	_ =	strace $0x9000004A  }
0xc9: {  	s0 =	stileid.u32;
	[bflag:$0x2] =	sbarrier.arrive $0xFFFF  }
0xca: {  	p0 =	sne.s32 s0, $0x0;
	s0 =	rddreg [dreg:$0x3]  }
0xcb: {  	s0 =	sadd.s32 @!p0 $0x100000, s0  }
0xcc: {  	[sflag:s0] =	ssyncadd.tile.s32 @!p0 $0x1;
	_ =	shalt  }
.Lfunc_end2:
_tile_overlayer_lowered:
.L_overlay_start_2:
0xcd: {  	(tag) =	ssettag $0x2  }
0xce: {  	s0 =	rddreg [dreg:$0x0];
	s2 =	stileid.u32  }
0xcf: {  	s1 =	rddreg [dreg:$0x1];
	p0 =	sne.s32 s2, $0x0  }
0xd0: {  	s3 =	rddreg [dreg:$0x2];
	[bflag:$0x3] =	sbarrier.arrive $0xFFFF;
	s2 =	simm.s32 @!p0 $0x1C07  }
0xd1: {  	[timem:s3], [sflag:s2] =	dma.local @!p0 [hbm:s0], s1  }
0xd2: {  	s0 =	simm.s32 @!p0 $0x7  }
0xd3: {  	_ =	swait.ge @!p0 [sflag:s0], s1  }
0xd4: {  	s1 =	ssub.s32 @!p0 $0x0, s1;
	[sflag:s0] =	ssyncset.done @!p0 $0x0  }
0xd5: {  	[sflag:s0] =	ssyncadd.s32 @!p0 s1  }
0xd6: {  	[bflag:$0x3] =	sbarrier.arrive $0xFFFF  }
0xd7: {  	_ =	shalt  }

// kernel: kernel.13.cloned.1.call-start
scs
__scs_entry_jumppad:
0x0: {  	(pc) =	sbr.rel $0x88, $3  }
0x1: {  	(tag) =	ssettag $0x0;
	lr =	simm.s32 $0x1  }
0x2: {  	[smem:$0x3F94] =	sst lr;
	_ =	strace $0xD0000000  }
0x3: {  	_ = 	snop  }
0x4: {  	_ = 	snop  }
0x5: {  	_ = 	snop  }
0x6: {  	_ = 	snop  }
0x7: {  	_ = 	snop  }
__scs_overlays_trampoline_lowered:
0x8: {  	[smem:$0x3FA3] =	sst s0  }
0x9: {  	[smem:$0x3FA4] =	sst s1  }
0xa: {  	[smem:$0x3FA5] =	sst s2  }
0xb: {  	[smem:$0x3FA6] =	sst s3  }
0xc: {  	[smem:$0x3FA7] =	sst s4  }
0xd: {  	[smem:$0x3FA8] =	sst s5  }
0xe: {  	[smem:$0x3FA9] =	sst s6  }
0xf: {  	[smem:$0x3FAA] =	sst s7  }
0x10: {  	[smem:$0x3FAB] =	sst s8  }
0x11: {  	[smem:$0x3FAC] =	sst s9;
	s0 =	simm.s32 @!p0 $0x0  }
0x12: {  	s1 =	sld [smem:$0x3F92];
	s0 =	simm.s32 @p0 $0x1  }
0x13: {  	[smem:$0x3FAD] =	sst s0;
	s0 =	simm.s32 @!p1 $0x0  }
0x14: {  	s2 =	sld [smem:$0x3F91];
	s0 =	simm.s32 @p1 $0x1  }
0x15: {  	[smem:$0x3FAE] =	sst s0;
	s0 =	simm.s32 @!p2 $0x0  }
0x16: {  	s3 =	sld [smem:$0x3FDB];
	s0 =	simm.s32 @p2 $0x1  }
0x17: {  	s4 =	simm.s32 $0x1BF5;
	[smem:$0x3FB0] =	sst s0  }
0x18: {  	s0 =	sld [smem:$0x3F93];
	_ =	swait.ge [sflag:s4], $0x0  }
0x19: {  	s7 =	sld [smem:$0x3F94]  }
0x1a: {  	s8 =	sadd.s32 $0xFFFFE003, lr  }
0x1b: {  	s9 =	sadd.s32 $0xFFFFFEF7, lr;
	s5 =	simm.s32 $0xFFFFFFFF;
	p2 =	slt.u32 s8, $0xFFFFF086  }
0x1c: {  	p1 =	slt.u32 s9, $0xF7A;
	s5 =	simm.s32 @!p2 $0x0  }
0x1d: {  	s5 =	simm.s32 @p1 $0x1;
	p0 =	seq.s32 s7, s2  }
0x1e: {  	s7 =	smul.u32 @!p0 $0xF7A, s2;
	p2 =	seq.s32 @!p0 s5, $0x0  }
0x1f: {  	s9 =	smul.u32 $0xF7A, s1;
	s8 =	simm.s32 @!p0 $0x1BF5;
	p2 =	por !p2, p0  }
0x20: {  	[sflag:s8] =	ssyncset.s32 @!p0 $0xFFFFF086;
	s6 =	sadd.s32 @!p0 s3, s7;
	s7 =	simm.s32 @!p0 $0x108  }
0x21: {  	s3 =	sadd.s32 s3, s9;
	s6 =	sadd.s32 @!p0 $0x88, s6;
	s7 =	simm.s32 @p2 $0x1082  }
0x22: {  	[simem:s7], [sflag:s8] =	dma.local @!p0 [hbm:s6], $0xF7A  }
0x23: {  	s9 =	sor.u32 $0xD0000000, s2;
	s6 =	simm.s32 $0x108;
	_ =	swait.ge @!p0 [sflag:s8], $0x0  }
0x24: {  	s3 =	sadd.s32 $0x88, s3;
	s6 =	simm.s32 @!p1 $0x1082;
	[sflag:s4] =	ssyncset.s32 $0xFFFFF086  }
0x25: {  	[simem:s6], [sflag:s4] =	dma.local [hbm:s3], $0xF7A  }
0x26: {  	[smem:$0x3F94] =	sst s1;
	(tag) =	ssettag s2;
	_ =	strace s9  }
0x27: {  	s1 =	sld [smem:$0x3FA4]  }
0x28: {  	s2 =	sld [smem:$0x3FA5]  }
0x29: {  	s4 =	sld [smem:$0x3FA7]  }
0x2a: {  	p0 =	seq.s32 s5, $0x0;
	s5 =	sld [smem:$0x3FA8]  }
0x2b: {  	s6 =	sld [smem:$0x3FA9]  }
0x2c: {  	s7 =	sld [smem:$0x3FAA]  }
0x2d: {  	s3 =	simm.s32 $0x108;
	s8 =	sld [smem:$0x3FAB]  }
0x2e: {  	s3 =	simm.s32 @!p0 $0x1082;
	s9 =	sld [smem:$0x3FAC]  }
0x2f: {  	lr =	sadd.s32 s0, s3;
	s0 =	sld [smem:$0x3FA3]  }
0x30: {  	s3 =	sld [smem:$0x3FA6]  }
0x31: {  	[smem:$0x3FAF] =	sst s10  }
0x32: {  	s10 =	sld [smem:$0x3FAD];
	_ =	sdelay $0x3  }
0x33: {  	p0 =	seq.s32 s10, $0x1;
	s10 =	sld [smem:$0x3FAF];
	_ =	sdelay $0x3  }
0x34: {  	[smem:$0x3FAF] =	sst s10  }
0x35: {  	s10 =	sld [smem:$0x3FAE];
	_ =	sdelay $0x3  }
0x36: {  	p1 =	seq.s32 s10, $0x1;
	s10 =	sld [smem:$0x3FAF];
	_ =	sdelay $0x3  }
0x37: {  	[smem:$0x3FAF] =	sst s10  }
0x38: {  	s10 =	sld [smem:$0x3FB0]  }
0x39: {  	_ = 	snop;
	(pc) =	sbr.ind lr, $3  }
0x3a: {  	_ = 	snop  }
0x3b: {  	_ = 	snop  }
0x3c: {  	p2 =	seq.s32 s10, $0x1;
	s10 =	sld [smem:$0x3FAF]  }
0x3d: {  	_ =	shalt  }
0x3e: {  	_ =	shalt  }
0x3f: {  	_ =	shalt  }
0x40: {  	_ =	shalt  }
0x41: {  	_ =	shalt  }
0x42: {  	_ =	shalt  }
0x43: {  	_ =	shalt  }
0x44: {  	_ =	shalt  }
0x45: {  	_ =	shalt  }
0x46: {  	_ =	shalt  }
0x47: {  	_ =	shalt  }
0x48: {  	_ =	shalt  }
0x49: {  	_ =	shalt  }
0x4a: {  	_ =	shalt  }
0x4b: {  	_ =	shalt  }
0x4c: {  	_ =	shalt  }
0x4d: {  	_ =	shalt  }
0x4e: {  	_ =	shalt  }
0x4f: {  	_ =	shalt  }
0x50: {  	_ =	shalt  }
0x51: {  	_ =	shalt  }
0x52: {  	_ =	shalt  }
0x53: {  	_ =	shalt  }
0x54: {  	_ =	shalt  }
0x55: {  	_ =	shalt  }
0x56: {  	_ =	shalt  }
0x57: {  	_ =	shalt  }
0x58: {  	_ =	shalt  }
0x59: {  	_ =	shalt  }
0x5a: {  	_ =	shalt  }
0x5b: {  	_ =	shalt  }
0x5c: {  	_ =	shalt  }
0x5d: {  	_ =	shalt  }
0x5e: {  	_ =	shalt  }
0x5f: {  	_ =	shalt  }
0x60: {  	_ =	shalt  }
0x61: {  	_ =	shalt  }
0x62: {  	_ =	shalt  }
0x63: {  	_ =	shalt  }
0x64: {  	_ =	shalt  }
0x65: {  	_ =	shalt  }
0x66: {  	_ =	shalt  }
0x67: {  	_ =	shalt  }
0x68: {  	_ =	shalt  }
0x69: {  	_ =	shalt  }
0x6a: {  	_ =	shalt  }
0x6b: {  	_ =	shalt  }
0x6c: {  	_ =	shalt  }
0x6d: {  	_ =	shalt  }
0x6e: {  	_ =	shalt  }
0x6f: {  	_ =	shalt  }
0x70: {  	_ =	shalt  }
0x71: {  	_ =	shalt  }
0x72: {  	_ =	shalt  }
0x73: {  	_ =	shalt  }
0x74: {  	_ =	shalt  }
0x75: {  	_ =	shalt  }
0x76: {  	_ =	shalt  }
0x77: {  	_ =	shalt  }
0x78: {  	_ =	shalt  }
0x79: {  	_ =	shalt  }
0x7a: {  	_ =	shalt  }
0x7b: {  	_ =	shalt  }
0x7c: {  	_ =	shalt  }
0x7d: {  	_ =	shalt  }
0x7e: {  	_ =	shalt  }
0x7f: {  	_ =	shalt  }
0x80: {  	_ =	shalt  }
0x81: {  	_ =	shalt  }
0x82: {  	_ =	shalt  }
0x83: {  	_ =	shalt  }
0x84: {  	_ =	shalt  }
0x85: {  	_ =	shalt  }
0x86: {  	_ =	shalt  }
0x87: {  	_ =	shalt  }
.Lfunc_end0:
.L_simem_size_0:
called_computation.2_lowered:
.L_overlay_start_0:
0x88: {  	s2 =	sld [smem:$0x3FD9]  }
0x89: {  	s3 =	sld [smem:$0x3FFE];
	_ =	sdelay $0x1  }
0x8a: {  	s1 =	srdreg.scid  }
0x8b: {  	s0 =	sand.u32 $0x1, s1  }
0x8c: {  	s16 =	sshll.u32 s0, $0xA;
	s2 =	sadd.s32 s3, s2  }
0x8d: {  	s2 =	sadd.s32 s2, s16  }
0x8e: {  	[smem:$0x3FBB] =	sst s2  }
0x8f: {  	_ = 	snop  }
0x90: {  	(tm) =	ssettm $0x1  }
0x91: {  	s17 =	sld [smem:$0x3FFB];
	_ =	sdelay $0x3  }
0x92: {  	_ =	strace s17  }
0x93: {  	s2 =	sld [smem:$0x3FFC];
	_ =	sdelay $0x3  }
0x94: {  	_ =	strace s2  }
0x95: {  	s2 =	sld [smem:$0x3FFD];
	_ =	sdelay $0x3  }
0x96: {  	_ =	strace s2  }
0x97: {  	_ =	strace $0x8FFFFFFF  }
0x98: {  	s18 =	sld [smem:$0x3FDB];
	_ =	sdelay $0x1  }
0x99: {  	s19 =	simm.s32 $_scs_section_size  }
0x9a: {  	s4 =	simm.s32 $_size__tile_overlayer_lowered;
	s5 =	simm.s32 $_tile_overlayer_lowered  }
0x9b: {  	s22 =	simm.s32 $0x1BFF;
	s21 =	sshll.u32 s5, $0x1;
	s2 =	sadd.s32 s19, s18  }
0x9c: {  	s6 =	simm.s32 $0x0;
	s20 =	sshll.u32 s4, $0x1;
	s4 =	sadd.s32 s21, s2  }
0x9d: {  	[timem:s6], [sflag:s22] =	dma.local [hbm:s4], s20  }
0x9e: {  	_ =	swait.ge [sflag:s22], s20  }
0x9f: {  	s3 =	ssub.s32 $0x0, s20;
	[sflag:s22] =	ssyncset.done $0x0  }
0xa0: {  	[sflag:s22] =	ssyncadd.s32 s3;
	_ =	sdelay $0x1  }
0xa1: {  	s23 =	simm.s32 $0x1B8B  }
0xa2: {  	_ =	swait.ge [sflag:s23], $0x1  }
0xa3: {  	[sflag:s23] =	ssyncset.done $0x0  }
0xa4: {  	s25 =	simm.s32 $0x1B8E;
	s24 =	sld [smem:$0x3FFE];
	[sflag:s23] =	ssyncadd.s32 $0xFFFFFFFF  }
0xa5: {  	s26 =	simm.s32 $execute0_lowered;
	[smem:$0x3FD2] =	sst s25  }
0xa6: {  	s4 =	sshll.u32 s26, $0x1;
	_ =	strace $0x8000004C;
	[dreg:$0x1] =	wrdreg $0xFFFFFFFF  }
0xa7: {  	s28 =	simm.s32 $_size_execute0_lowered;
	s2 =	sadd.s32 s2, s4;
	[dreg:$0x0] =	wrdreg $0x0  }
0xa8: {  	s4 =	sshll.u32 s28, $0x1;
	[dreg:$0x2] =	wrdreg s2  }
0xa9: {  	[dreg:$0x3] =	wrdreg s4  }
0xaa: {  	[dreg:$0x4] =	wrdreg $0xC0  }
0xab: {  	_ =	task [dreg:s6], $0x5FFFF  }
0xac: {  	[dreg:$0x1] =	wrdreg $0xFFFFFFFF  }
0xad: {  	[dreg:$0x0] =	wrdreg $0x60  }
0xae: {  	[dreg:$0x2] =	wrdreg s24  }
0xaf: {  	[dreg:$0x3] =	wrdreg $0x0  }
0xb0: {  	[dreg:$0x4] =	wrdreg $0x9  }
0xb1: {  	_ =	task.clear_ibuf [dreg:s6], $0x5FFFF;
	_ =	strace $0x9000004C  }
0xb2: {  	s29 =	simm.s32 $0x9;
	_ =	strace $0x8000004E  }
0xb3: {  	_ =	swait.ge [sflag:s29], $0x1  }
0xb4: {  	[sflag:s29] =	ssyncadd.s32 $0xFFFFFFFF  }
0xb5: {  	_ =	strace $0x9000004E  }
0xb6: {  	_ =	sfence  }
0xb7: {  	s30 =	sld [smem:$0x0];
	_ =	sdelay $0x2  }
0xb8: {  	s31 =	sshll.u32 s1, $0xD;
	s1 =	sshrl.u32 s1, $0x2  }
0xb9: {  	s3 =	sand.u32 $0x4000, s31;
	s1 =	sadd.s32 s1, s30  }
0xba: {  	s0 =	sor.u32 s3, s0;
	s1 =	sshll.u32 s1, $0x11  }
0xbb: {  	s0 =	sor.u32 s1, s0  }
0xbc: {  	s0 =	sadd.s32 $0x8F2B, s0  }
0xbd: {  	[sflag:s0] =	ssyncadd.remote.s32 $0x1  }
0xbe: {  	_ =	sfence.sel $0xFFFF  }
0xbf: {  	[dreg:$0x0] =	wrdreg $0xFFFFFFFF;
	(pc) =	sbr.abs _section_cstart, $3  }
0xc0: {  	[dreg:$0x1] =	wrdreg $0xFFFFFFFF  }
0xc1: {  	_ =	task.clear_ibuf [dreg:s6], $0x2FFFF;
	_ =	strace $0x9FFFFFFF  }
0xc2: {  	(tm) =	ssettm $0x7FFFFFFF  }
0xc3: {  	_ =	shalt  }
tec
execute0_lowered:
.L_overlay_start_1:
0x0: {  	(tag) =	ssettag $0x1  }
0x1: {  	s0 =	rddreg [dreg:$0x0]  }
0x2: {  	s1 =	rddreg [dreg:$0x1];
	s2 =	simm.s32 $0x0  }
0x3: {  	s3 =	srdreg.scid;
	s19 =	stileid.u32;
	s28 =	simm.s32 $0x13900  }
0x4: {  	s29 =	simm.s32 $0x13A00;
	s30 =	simm.s32 $0x3;
	s31 =	simm.s32 $0x50  }
0x5: {  	[smem:$0x7FF] =	sst s2;
	s3 =	sand.u32 $0x1, s3;
	s21 =	smul.u32 $0x19000, s19  }
0x6: {  	s4 =	sadd.s32 $0x17200, s0;
	s12 =	smul.u32 $0x6400, s19;
	s13 =	sor.u32 $0x30, s19  }
0x7: {  	s5 =	sadd.s32 $0xD400, s0;
	s6 =	sadd.s32 $0x2A00, s0;
	s9 =	smul.u32 $0x19000, s13  }
0x8: {  	s0 =	sadd.s32 $0x8C600, s0;
	p0 =	sgt.u32 s19, $0x1;
	s18 =	smul.u32 $0x138800, s3  }
0x9: {  	_ =	strace $0x8000004D;
	s7 =	ssub.s32 $0x2, s3;
	s13 =	smul.u32 $0x6400, s13  }
0xa: {  	s22 =	sshll.u32 s3, $0x4;
	s3 =	smul.u32 $0x27100, s3;
	s8 =	sshrl.u32 s7, $0x1  }
0xb: {  	s14 =	sadd.s32 $0x64000, s12;
	s16 =	sadd.s32 $0xC8000, s12;
	s11 =	ssub.s32 s7, s8  }
0xc: {  	s8 =	sor.u32 s19, s22;
	s7 =	sshrl.u32 s21, $0x2;
	s23 =	sadd.s32 s14, s1  }
0xd: {  	s10 =	sshrl.u32 s9, $0x2;
	s9 =	sadd.s32 s16, s1;
	s12 =	sadd.s32 s12, s18  }
0xe: {  	s14 =	sadd.s32 s18, s14;
	s22 =	sadd.s32 s18, s16;
	s13 =	sadd.s32 s18, s13  }
0xf: {  	s16 =	simm.s32 $0x0;
	s7 =	sadd.s32 s7, s1;
	s15 =	smul.u32 $0x2710, s8  }
0x10: {  	[dreg:$0x4] =	wrdreg s23;
	s10 =	sadd.s32 s10, s1;
	s12 =	sshrl.u32 s12, $0x3  }
0x11: {  	s14 =	sshrl.u32 s14, $0x3;
	s8 =	smul.u32 $0x2710, s19;
	s13 =	sshrl.u32 s13, $0x3  }
0x12: {  	[dreg:$0x3] =	wrdreg s7;
	s20 =	sadd.s32 s0, s12;
	s21 =	sadd.s32 s0, s14  }
0x13: {  	s12 =	sshrl.u32 s22, $0x3;
	s14 =	simm.s32 $0x2;
	[dreg:$0x9] =	wrdreg s20  }
0x14: {  	s15 =	sshrl.u32 s15, $0x3;
	[dreg:$0xa] =	wrdreg s21;
	s3 =	sadd.s32 s8, s3  }
0x15: {  	s24 =	sadd.s32 s5, s15;
	s17 =	sadd.s32 $0xA, s15;
	s25 =	sadd.s32 s6, s15  }
0x16: {  	s23 =	sadd.s32 $0xF0, s3;
	s22 =	sadd.s32 $0xA0, s3;
	[dreg:$0x5] =	wrdreg s24  }
0x17: {  	s3 =	simm.s32 $0x4;
	[dreg:$0x6] =	wrdreg s25;
	s26 =	sadd.s32 s5, s17  }
0x18: {  	s15 =	simm.s32 $0x6;
	s17 =	sadd.s32 s6, s17;
	[dreg:$0x7] =	wrdreg s26  }
0x19: {  	s24 =	sadd.s32 s0, s12;
	s0 =	sadd.s32 s0, s13;
	[dreg:$0x8] =	wrdreg s17  }
0x1a: {  	s25 =	sshrl.u32 s23, $0x3;
	s23 =	simm.s32 $0x18A80;
	[dreg:$0xb] =	wrdreg s24  }
0x1b: {  	s12 =	simm.s32 $0x1;
	s13 =	simm.s32 $0x5;
	[dreg:$0xc] =	wrdreg s0  }
0x1c: {  	s26 =	smax.u32 s11, $0x1;
	s20 =	sadd.s32 s25, s6;
	s21 =	sadd.s32 s25, s5  }
0x1d: {  	s24 =	simm.s32 $0x7;
	s25 =	simm.s32 $0x13880;
	s0 =	simm.s32 $0x13A80  }
0x1e: {  	v0 =	vimm.f32 $0.0e+00;
	s11 =	simm.s32 $0x16280;
	[dreg:$0xd] =	wrdreg s26;
	s26 =	simm.s32 $0x13980  }
.LBB2_1:
0x1f: {  	s17 =	simm.s32 $0x0;
	s18 =	simm.s32 $0x200  }
.LBB2_2:
0x20: {  	p1 =	sne.s32 s18, $0x18E00;
	[tilespmem:s17+$0x18AF0] =	vst v0  }
0x21: {  	[tilespmem:s17+$0x18A80] =	vst v0  }
0x22: {  	[tilespmem:s17+$0x18A90] =	vst v0  }
.Ltmp0:
0x23: {  	[tilespmem:s17+$0x18AA0] =	vst v0;
	(pc) =	sbr.rel @p1 .LBB2_2-.Ltmp0, $4  }
0x24: {  	[tilespmem:s17+$0x18AB0] =	vst v0  }
0x25: {  	[tilespmem:s17+$0x18AC0] =	vst v0  }
0x26: {  	[tilespmem:s17+$0x18AD0] =	vst v0  }
0x27: {  	[tilespmem:s17+$0x18AE0] =	vst v0;
	s17 =	sshra.s32 s18, $0x2;
	s18 =	sadd.s32 $0x200, s18  }
0x28: {  	[tilespmem:s17+$0x18AF0] =	vst v0  }
0x29: {  	[tilespmem:s17+$0x18A80] =	vst v0  }
0x2a: {  	[tilespmem:s17+$0x18A90] =	vst v0  }
0x2b: {  	[tilespmem:s17+$0x18AA0] =	vst v0  }
0x2c: {  	[tilespmem:s17+$0x18AB0] =	vst v0  }
0x2d: {  	[tilespmem:s17+$0x18AC0] =	vst v0  }
0x2e: {  	[tilespmem:s17+$0x18AD0] =	vst v0  }
0x2f: {  	[tilespmem:s17+$0x18AE0] =	vst v0;
	s7 =	rddreg [dreg:$0x3]  }
0x30: {  	[spmem:s7] =	stream.linear.scatter [tilespmem:s23], [sflag:$0x7], $0x6400, $0x38;
	[tilespmem:$0x1EE80] =	vst v63  }
0x31: {  	_ =	swait.ge [sflag:s24], $0x6400  }
0x32: {  	[sflag:s24] =	ssyncset.done $0x0  }
0x33: {  	s18 =	rddreg [dreg:$0x4];
	[sflag:s24] =	ssyncadd.s32 $0xFFFF9C00  }
0x34: {  	[spmem:s18] =	stream.linear.scatter [tilespmem:s23], [sflag:$0x7], $0x6400, $0x38;
	[tilespmem:$0x1EE80] =	vst v63  }
0x35: {  	_ =	swait.ge [sflag:s24], $0x6400  }
0x36: {  	[sflag:s24] =	ssyncset.done $0x0  }
0x37: {  	[sflag:s24] =	ssyncadd.s32 $0xFFFF9C00  }
0x38: {  	[spmem:s9] =	stream.linear.scatter [tilespmem:s23], [sflag:$0x7], $0x6400, $0x38;
	[tilespmem:$0x1EE80] =	vst v63  }
0x39: {  	_ =	swait.ge [sflag:s24], $0x6400  }
0x3a: {  	[sflag:s24] =	ssyncset.done $0x0  }
0x3b: {  	s17 =	simm.s32 @!p0 $0x18A80;
	[sflag:s24] =	ssyncadd.s32 $0xFFFF9C00  }
0x3c: {  	[spmem:s10] =	stream.linear.scatter @!p0 [tilespmem:s17], [sflag:$0x7], $0x6400, $0x38;
	[tilespmem:$0x1EE80] =	vst v63  }
0x3d: {  	s17 =	simm.s32 @!p0 $0x7  }
0x3e: {  	_ =	swait.ge @!p0 [sflag:s17], $0x6400  }
0x3f: {  	[sflag:s17] =	ssyncset.done @!p0 $0x0  }
0x40: {  	[sflag:s17] =	ssyncadd.s32 @!p0 $0xFFFF9C00  }
0x41: {  	[bflag:$0x0] =	sbarrier.arrive $0xFFFF  }
0x42: {  	s17 =	simm.s32 $0x0;
	s19 =	rddreg [dreg:$0x5]  }
0x43: {  	[tilespmem:s25], [sflag:$0x3] =	stream.linear.gather [hbm4b:s19+s17], $0x50, $0x38;
	[tilespmem:$0x1EE80] =	vst v63  }
0x44: {  	s8 =	rddreg [dreg:$0x6]  }
0x45: {  	[tilespmem:s26], [sflag:$0x5] =	stream.linear.gather [hbm4b:s8+s17], $0x50, $0x38;
	[tilespmem:$0x1EE80] =	vst v63  }
0x46: {  	s18 =	rddreg [dreg:$0x7]  }
0x47: {  	[tilespmem:s28], [sflag:$0x4] =	stream.linear.gather [hbm4b:s18+s17], $0x50, $0x38;
	[tilespmem:$0x1EE80] =	vst v63  }
0x48: {  	s19 =	rddreg [dreg:$0x8]  }
0x49: {  	[tilespmem:s29], [sflag:$0x6] =	stream.linear.gather [hbm4b:s19+s17], $0x50, $0x38;
	[tilespmem:$0x1EE80] =	vst v63  }
0x4a: {  	_ =	swait.ge [sflag:s30], $0x50  }
0x4b: {  	[sflag:s30] =	ssyncset.done $0x0  }
0x4c: {  	[sflag:s30] =	ssyncadd.s32 $0xFFFFFFB0  }
0x4d: {  	[tilespmem:s0], [sflag:$0x1] =	stream.indirect.gather [hbm4b:s4+s31], $0x80, s25, s31, $0xb8;
	[tilespmem:$0x1EE80] =	vst v63  }
0x4e: {  	_ =	swait.ge [sflag:s3], $0x50  }
0x4f: {  	[sflag:s3] =	ssyncset.done $0x0  }
0x50: {  	[sflag:s3] =	ssyncadd.s32 $0xFFFFFFB0  }
0x51: {  	[tilespmem:s11], [sflag:$0x2] =	stream.indirect.gather [hbm4b:s4+s31], $0x80, s28, s31, $0xb8;
	[tilespmem:$0x1EE80] =	vst v63  }
0x52: {  	_ =	swait.ge [sflag:s12], $0x2800  }
0x53: {  	s8 =	sshrl.u32 s22, $0x3;
	[sflag:s12] =	ssyncset.done $0x0  }
0x54: {  	s18 =	sadd.s32 s5, s8;
	[sflag:s12] =	ssyncadd.s32 $0xFFFFD800  }
0x55: {  	[tilespmem:s25], [sflag:$0x3] =	stream.linear.gather [hbm4b:s18+s2], $0x50, $0x38;
	[tilespmem:$0x1EE80] =	vst v63  }
0x56: {  	_ =	swait.ge [sflag:s13], $0x50  }
0x57: {  	[sflag:s13] =	ssyncset.done $0x0  }
0x58: {  	[sflag:s13] =	ssyncadd.s32 $0xFFFFFFB0  }
0x59: {  	[spmem:s1] =	stream.indirect.scatter.add.f32 [tilespmem:s0], [sflag:$0x7], $0x80, s26, s31, $0xb8;
	[tilespmem:$0x1EE80] =	vst v63  }
0x5a: {  	_ =	swait.ge [sflag:s24], $0x2800  }
0x5b: {  	[sflag:s24] =	ssyncset.done $0x0  }
0x5c: {  	s17 =	sadd.s32 s6, s8;
	[sflag:s24] =	ssyncadd.s32 $0xFFFFD800  }
0x5d: {  	[tilespmem:s26], [sflag:$0x5] =	stream.linear.gather [hbm4b:s17+s2], $0x50, $0x38;
	[tilespmem:$0x1EE80] =	vst v63  }
0x5e: {  	_ =	swait.ge [sflag:s30], $0x50  }
0x5f: {  	[sflag:s30] =	ssyncset.done $0x0  }
0x60: {  	[sflag:s30] =	ssyncadd.s32 $0xFFFFFFB0  }
0x61: {  	[tilespmem:s0], [sflag:$0x1] =	stream.indirect.gather [hbm4b:s4+s31], $0x80, s25, s31, $0xb8;
	[tilespmem:$0x1EE80] =	vst v63  }
0x62: {  	_ =	swait.ge [sflag:s14], $0x2800  }
0x63: {  	[sflag:s14] =	ssyncset.done $0x0  }
0x64: {  	s19 =	sadd.s32 $0x0, s21;
	[sflag:s14] =	ssyncadd.s32 $0xFFFFD800  }
0x65: {  	[tilespmem:s28], [sflag:$0x4] =	stream.linear.gather [hbm4b:s19+s2], $0x50, $0x38;
	[tilespmem:$0x1EE80] =	vst v63  }
0x66: {  	_ =	swait.ge [sflag:s15], $0x50  }
0x67: {  	[sflag:s15] =	ssyncset.done $0x0  }
0x68: {  	[sflag:s15] =	ssyncadd.s32 $0xFFFFFFB0  }
0x69: {  	[spmem:s1] =	stream.indirect.scatter.add.f32 [tilespmem:s11], [sflag:$0x7], $0x80, s29, s31, $0xb8;
	[tilespmem:$0x1EE80] =	vst v63  }
0x6a: {  	_ =	swait.ge [sflag:s24], $0x2800  }
0x6b: {  	s18 =	sadd.s32 $0xA0, s22;
	[sflag:s24] =	ssyncset.done $0x0  }
0x6c: {  	s17 =	simm.s32 $0x14;
	s19 =	sadd.s32 $0x0, s20;
	[sflag:s24] =	ssyncadd.s32 $0xFFFFD800  }
.LBB2_4:
0x6d: {  	[tilespmem:s29], [sflag:$0x6] =	stream.linear.gather [hbm4b:s19+s2], $0x50, $0x38;
	[tilespmem:$0x1EE80] =	vst v63  }
0x6e: {  	s19 =	smov.u32 s17  }
0x6f: {  	p1 =	sne.s32 s17, $0x4C4;
	s17 =	sadd.s32 $0x14, s17;
	_ =	swait.ge [sflag:s3], $0x50  }
0x70: {  	[sflag:s3] =	ssyncset.done $0x0  }
0x71: {  	[sflag:s3] =	ssyncadd.s32 $0xFFFFFFB0  }
0x72: {  	[tilespmem:s11], [sflag:$0x2] =	stream.indirect.gather [hbm4b:s4+s31], $0x80, s28, s31, $0xb8;
	[tilespmem:$0x1EE80] =	vst v63  }
0x73: {  	_ =	swait.ge [sflag:s12], $0x2800  }
0x74: {  	s7 =	sshrl.u32 s18, $0x3;
	[sflag:s12] =	ssyncset.done $0x0  }
0x75: {  	s8 =	sadd.s32 s5, s7;
	[sflag:s12] =	ssyncadd.s32 $0xFFFFD800  }
0x76: {  	[tilespmem:s25], [sflag:$0x3] =	stream.linear.gather [hbm4b:s8+s2], $0x50, $0x38;
	[tilespmem:$0x1EE80] =	vst v63  }
0x77: {  	_ =	swait.ge [sflag:s13], $0x50  }
0x78: {  	[sflag:s13] =	ssyncset.done $0x0  }
0x79: {  	[sflag:s13] =	ssyncadd.s32 $0xFFFFFFB0  }
0x7a: {  	[spmem:s1] =	stream.indirect.scatter.add.f32 [tilespmem:s0], [sflag:$0x7], $0x80, s26, s31, $0xb8;
	[tilespmem:$0x1EE80] =	vst v63  }
0x7b: {  	_ =	swait.ge [sflag:s24], $0x2800  }
0x7c: {  	[sflag:s24] =	ssyncset.done $0x0  }
0x7d: {  	s7 =	sadd.s32 s6, s7;
	[sflag:s24] =	ssyncadd.s32 $0xFFFFD800  }
0x7e: {  	[tilespmem:s26], [sflag:$0x5] =	stream.linear.gather [hbm4b:s7+s2], $0x50, $0x38;
	[tilespmem:$0x1EE80] =	vst v63  }
0x7f: {  	_ =	swait.ge [sflag:s30], $0x50  }
0x80: {  	[sflag:s30] =	ssyncset.done $0x0  }
0x81: {  	[sflag:s30] =	ssyncadd.s32 $0xFFFFFFB0  }
0x82: {  	[tilespmem:s0], [sflag:$0x1] =	stream.indirect.gather [hbm4b:s4+s31], $0x80, s25, s31, $0xb8;
	[tilespmem:$0x1EE80] =	vst v63  }
0x83: {  	_ =	swait.ge [sflag:s14], $0x2800  }
0x84: {  	[sflag:s14] =	ssyncset.done $0x0  }
0x85: {  	s7 =	sadd.s32 s19, s21;
	[sflag:s14] =	ssyncadd.s32 $0xFFFFD800  }
0x86: {  	[tilespmem:s28], [sflag:$0x4] =	stream.linear.gather [hbm4b:s7+s2], $0x50, $0x38;
	[tilespmem:$0x1EE80] =	vst v63  }
0x87: {  	_ =	swait.ge [sflag:s15], $0x50  }
0x88: {  	[sflag:s15] =	ssyncset.done $0x0  }
.Ltmp1:
0x89: {  	[sflag:s15] =	ssyncadd.s32 $0xFFFFFFB0;
	(pc) =	sbr.rel @p1 .LBB2_4-.Ltmp1, $4  }
0x8a: {  	[spmem:s1] =	stream.indirect.scatter.add.f32 [tilespmem:s11], [sflag:$0x7], $0x80, s29, s31, $0xb8;
	[tilespmem:$0x1EE80] =	vst v63  }
0x8b: {  	_ =	swait.ge [sflag:s24], $0x2800  }
0x8c: {  	[sflag:s24] =	ssyncset.done $0x0  }
0x8d: {  	s18 =	sadd.s32 $0xA0, s18;
	s19 =	sadd.s32 s19, s20;
	[sflag:s24] =	ssyncadd.s32 $0xFFFFD800  }
0x8e: {  	[tilespmem:s29], [sflag:$0x6] =	stream.linear.gather [hbm4b:s19+s2], $0x50, $0x38;
	[tilespmem:$0x1EE80] =	vst v63  }
0x8f: {  	_ =	swait.ge [sflag:s12], $0x2800  }
0x90: {  	[sflag:s12] =	ssyncset.done $0x0  }
0x91: {  	[sflag:s12] =	ssyncadd.s32 $0xFFFFD800  }
0x92: {  	_ =	swait.ge [sflag:s13], $0x50  }
0x93: {  	[sflag:s13] =	ssyncset.done $0x0  }
0x94: {  	[sflag:s13] =	ssyncadd.s32 $0xFFFFFFB0  }
0x95: {  	[spmem:s1] =	stream.indirect.scatter.add.f32 [tilespmem:s0], [sflag:$0x7], $0x80, s26, s31, $0xb8;
	[tilespmem:$0x1EE80] =	vst v63  }
0x96: {  	_ =	swait.ge [sflag:s24], $0x2800  }
0x97: {  	[sflag:s24] =	ssyncset.done $0x0  }
0x98: {  	[sflag:s24] =	ssyncadd.s32 $0xFFFFD800  }
0x99: {  	_ =	swait.ge [sflag:s3], $0x50  }
0x9a: {  	[sflag:s3] =	ssyncset.done $0x0  }
0x9b: {  	[sflag:s3] =	ssyncadd.s32 $0xFFFFFFB0  }
0x9c: {  	_ =	swait.ge [sflag:s15], $0x50  }
0x9d: {  	[sflag:s15] =	ssyncset.done $0x0  }
0x9e: {  	[sflag:s15] =	ssyncadd.s32 $0xFFFFFFB0  }
0x9f: {  	[bflag:$0x0] =	sbarrier.arrive $0xFFFF  }
0xa0: {  	s7 =	rddreg [dreg:$0x3]  }
0xa1: {  	[tilespmem:s23], [sflag:$0x7] =	stream.linear.gather [spmem:s7], $0x6400, $0x38;
	[tilespmem:$0x1EE80] =	vst v63  }
0xa2: {  	_ =	swait.ge [sflag:s24], $0x6400  }
0xa3: {  	[sflag:s24] =	ssyncset.done $0x0  }
0xa4: {  	s19 =	rddreg [dreg:$0x9];
	[sflag:s24] =	ssyncadd.s32 $0xFFFF9C00  }
0xa5: {  	[hbm4b:s19+s2] =	stream.linear.scatter [tilespmem:s23], [sflag:$0x7], $0x6400, $0x38;
	[tilespmem:$0x1EE80] =	vst v63  }
0xa6: {  	_ =	swait.ge [sflag:s24], $0x6400  }
0xa7: {  	[sflag:s24] =	ssyncset.done $0x0  }
0xa8: {  	s8 =	rddreg [dreg:$0x4];
	[sflag:s24] =	ssyncadd.s32 $0xFFFF9C00  }
0xa9: {  	[tilespmem:s23], [sflag:$0x7] =	stream.linear.gather [spmem:s8], $0x6400, $0x38;
	[tilespmem:$0x1EE80] =	vst v63  }
0xaa: {  	_ =	swait.ge [sflag:s24], $0x6400  }
0xab: {  	[sflag:s24] =	ssyncset.done $0x0  }
0xac: {  	s17 =	rddreg [dreg:$0xa];
	[sflag:s24] =	ssyncadd.s32 $0xFFFF9C00  }
0xad: {  	[hbm4b:s17+s2] =	stream.linear.scatter [tilespmem:s23], [sflag:$0x7], $0x6400, $0x38;
	[tilespmem:$0x1EE80] =	vst v63  }
0xae: {  	_ =	swait.ge [sflag:s24], $0x6400  }
0xaf: {  	[sflag:s24] =	ssyncset.done $0x0  }
0xb0: {  	[sflag:s24] =	ssyncadd.s32 $0xFFFF9C00  }
0xb1: {  	[tilespmem:s23], [sflag:$0x7] =	stream.linear.gather [spmem:s9], $0x6400, $0x38;
	[tilespmem:$0x1EE80] =	vst v63  }
0xb2: {  	_ =	swait.ge [sflag:s24], $0x6400  }
0xb3: {  	[sflag:s24] =	ssyncset.done $0x0  }
0xb4: {  	s18 =	rddreg [dreg:$0xb];
	[sflag:s24] =	ssyncadd.s32 $0xFFFF9C00  }
0xb5: {  	[hbm4b:s18+s2] =	stream.linear.scatter [tilespmem:s23], [sflag:$0x7], $0x6400, $0x38;
	[tilespmem:$0x1EE80] =	vst v63  }
0xb6: {  	_ =	swait.ge [sflag:s24], $0x6400  }
0xb7: {  	[sflag:s24] =	ssyncset.done $0x0  }
0xb8: {  	s7 =	simm.s32 @!p0 $0x18A80;
	s8 =	simm.s32 @!p0 $0x7;
	[sflag:s24] =	ssyncadd.s32 $0xFFFF9C00  }
0xb9: {  	[tilespmem:s7], [sflag:$0x7] =	stream.linear.gather @!p0 [spmem:s10], $0x6400, $0x38;
	[tilespmem:$0x1EE80] =	vst v63  }
0xba: {  	_ =	swait.ge @!p0 [sflag:s8], $0x6400  }
0xbb: {  	[sflag:s8] =	ssyncset.done @!p0 $0x0  }
0xbc: {  	s17 =	simm.s32 @!p0 $0x0;
	s18 =	rddreg [dreg:$0xc];
	[sflag:s8] =	ssyncadd.s32 @!p0 $0xFFFF9C00  }
0xbd: {  	[hbm4b:s18+s17] =	stream.linear.scatter @!p0 [tilespmem:s7], [sflag:$0x7], $0x6400, $0x38;
	[tilespmem:$0x1EE80] =	vst v63  }
0xbe: {  	_ =	swait.ge @!p0 [sflag:s8], $0x6400  }
0xbf: {  	s16 =	sadd.s32 $0x1, s16;
	s19 =	rddreg [dreg:$0xd]  }
0xc0: {  	p1 =	sne.s32 s16, s19  }
.Ltmp2:
0xc1: {  	_ = 	snop;
	(pc) =	sbr.rel @p1 .LBB2_1-.Ltmp2, $3  }
0xc2: {  	_ =	sdelay $0x1  }
0xc3: {  	[sflag:s8] =	ssyncset.done @!p0 $0x0  }
0xc4: {  	[sflag:s8] =	ssyncadd.s32 @!p0 $0xFFFF9C00  }
0xc5: {  	_ =	sfence.sel $0x180000  }
0xc6: {  	[bflag:$0x0] =	sbarrier.arrive $0xFFFF  }
0xc7: {  	_ =	strace $0x9000004D  }
0xc8: {  	s0 =	stileid.u32;
	[bflag:$0x2] =	sbarrier.arrive $0xFFFF  }
0xc9: {  	p0 =	sne.s32 s0, $0x0;
	s0 =	rddreg [dreg:$0x2]  }
0xca: {  	s0 =	sadd.s32 @!p0 $0x100000, s0  }
0xcb: {  	[sflag:s0] =	ssyncadd.tile.s32 @!p0 $0x1;
	_ =	shalt  }
.Lfunc_end2:
_tile_overlayer_lowered:
.L_overlay_start_2:
0xcc: {  	(tag) =	ssettag $0x2  }
0xcd: {  	s0 =	rddreg [dreg:$0x0];
	s2 =	stileid.u32  }
0xce: {  	s1 =	rddreg [dreg:$0x1];
	p0 =	sne.s32 s2, $0x0  }
0xcf: {  	s3 =	rddreg [dreg:$0x2];
	[bflag:$0x3] =	sbarrier.arrive $0xFFFF;
	s2 =	simm.s32 @!p0 $0x1C07  }
0xd0: {  	[timem:s3], [sflag:s2] =	dma.local @!p0 [hbm:s0], s1  }
0xd1: {  	s0 =	simm.s32 @!p0 $0x7  }
0xd2: {  	_ =	swait.ge @!p0 [sflag:s0], s1  }
0xd3: {  	s1 =	ssub.s32 @!p0 $0x0, s1;
	[sflag:s0] =	ssyncset.done @!p0 $0x0  }
0xd4: {  	[sflag:s0] =	ssyncadd.s32 @!p0 s1  }
0xd5: {  	[bflag:$0x3] =	sbarrier.arrive $0xFFFF  }
0xd6: {  	_ =	shalt  }

// kernel: kernel.7.cloned.1.call-start
scs
__scs_entry_jumppad:
0x0: {  	(pc) =	sbr.rel $0x88, $3  }
0x1: {  	(tag) =	ssettag $0x0;
	lr =	simm.s32 $0x1  }
0x2: {  	[smem:$0x3F94] =	sst lr;
	_ =	strace $0xD0000000  }
0x3: {  	_ = 	snop  }
0x4: {  	_ = 	snop  }
0x5: {  	_ = 	snop  }
0x6: {  	_ = 	snop  }
0x7: {  	_ = 	snop  }
__scs_overlays_trampoline_lowered:
0x8: {  	[smem:$0x3FA3] =	sst s0  }
0x9: {  	[smem:$0x3FA4] =	sst s1  }
0xa: {  	[smem:$0x3FA5] =	sst s2  }
0xb: {  	[smem:$0x3FA6] =	sst s3  }
0xc: {  	[smem:$0x3FA7] =	sst s4  }
0xd: {  	[smem:$0x3FA8] =	sst s5  }
0xe: {  	[smem:$0x3FA9] =	sst s6  }
0xf: {  	[smem:$0x3FAA] =	sst s7  }
0x10: {  	[smem:$0x3FAB] =	sst s8  }
0x11: {  	[smem:$0x3FAC] =	sst s9;
	s0 =	simm.s32 @!p0 $0x0  }
0x12: {  	s1 =	sld [smem:$0x3F92];
	s0 =	simm.s32 @p0 $0x1  }
0x13: {  	[smem:$0x3FAD] =	sst s0;
	s0 =	simm.s32 @!p1 $0x0  }
0x14: {  	s2 =	sld [smem:$0x3F91];
	s0 =	simm.s32 @p1 $0x1  }
0x15: {  	[smem:$0x3FAE] =	sst s0;
	s0 =	simm.s32 @!p2 $0x0  }
0x16: {  	s3 =	sld [smem:$0x3FDB];
	s0 =	simm.s32 @p2 $0x1  }
0x17: {  	s4 =	simm.s32 $0x1BF5;
	[smem:$0x3FB0] =	sst s0  }
0x18: {  	s0 =	sld [smem:$0x3F93];
	_ =	swait.ge [sflag:s4], $0x0  }
0x19: {  	s7 =	sld [smem:$0x3F94]  }
0x1a: {  	s8 =	sadd.s32 $0xFFFFE003, lr  }
0x1b: {  	s9 =	sadd.s32 $0xFFFFFEF7, lr;
	s5 =	simm.s32 $0xFFFFFFFF;
	p2 =	slt.u32 s8, $0xFFFFF086  }
0x1c: {  	p1 =	slt.u32 s9, $0xF7A;
	s5 =	simm.s32 @!p2 $0x0  }
0x1d: {  	s5 =	simm.s32 @p1 $0x1;
	p0 =	seq.s32 s7, s2  }
0x1e: {  	s7 =	smul.u32 @!p0 $0xF7A, s2;
	p2 =	seq.s32 @!p0 s5, $0x0  }
0x1f: {  	s9 =	smul.u32 $0xF7A, s1;
	s8 =	simm.s32 @!p0 $0x1BF5;
	p2 =	por !p2, p0  }
0x20: {  	[sflag:s8] =	ssyncset.s32 @!p0 $0xFFFFF086;
	s6 =	sadd.s32 @!p0 s3, s7;
	s7 =	simm.s32 @!p0 $0x108  }
0x21: {  	s3 =	sadd.s32 s3, s9;
	s6 =	sadd.s32 @!p0 $0x88, s6;
	s7 =	simm.s32 @p2 $0x1082  }
0x22: {  	[simem:s7], [sflag:s8] =	dma.local @!p0 [hbm:s6], $0xF7A  }
0x23: {  	s9 =	sor.u32 $0xD0000000, s2;
	s6 =	simm.s32 $0x108;
	_ =	swait.ge @!p0 [sflag:s8], $0x0  }
0x24: {  	s3 =	sadd.s32 $0x88, s3;
	s6 =	simm.s32 @!p1 $0x1082;
	[sflag:s4] =	ssyncset.s32 $0xFFFFF086  }
0x25: {  	[simem:s6], [sflag:s4] =	dma.local [hbm:s3], $0xF7A  }
0x26: {  	[smem:$0x3F94] =	sst s1;
	(tag) =	ssettag s2;
	_ =	strace s9  }
0x27: {  	s1 =	sld [smem:$0x3FA4]  }
0x28: {  	s2 =	sld [smem:$0x3FA5]  }
0x29: {  	s4 =	sld [smem:$0x3FA7]  }
0x2a: {  	p0 =	seq.s32 s5, $0x0;
	s5 =	sld [smem:$0x3FA8]  }
0x2b: {  	s6 =	sld [smem:$0x3FA9]  }
0x2c: {  	s7 =	sld [smem:$0x3FAA]  }
0x2d: {  	s3 =	simm.s32 $0x108;
	s8 =	sld [smem:$0x3FAB]  }
0x2e: {  	s3 =	simm.s32 @!p0 $0x1082;
	s9 =	sld [smem:$0x3FAC]  }
0x2f: {  	lr =	sadd.s32 s0, s3;
	s0 =	sld [smem:$0x3FA3]  }
0x30: {  	s3 =	sld [smem:$0x3FA6]  }
0x31: {  	[smem:$0x3FAF] =	sst s10  }
0x32: {  	s10 =	sld [smem:$0x3FAD];
	_ =	sdelay $0x3  }
0x33: {  	p0 =	seq.s32 s10, $0x1;
	s10 =	sld [smem:$0x3FAF];
	_ =	sdelay $0x3  }
0x34: {  	[smem:$0x3FAF] =	sst s10  }
0x35: {  	s10 =	sld [smem:$0x3FAE];
	_ =	sdelay $0x3  }
0x36: {  	p1 =	seq.s32 s10, $0x1;
	s10 =	sld [smem:$0x3FAF];
	_ =	sdelay $0x3  }
0x37: {  	[smem:$0x3FAF] =	sst s10  }
0x38: {  	s10 =	sld [smem:$0x3FB0]  }
0x39: {  	_ = 	snop;
	(pc) =	sbr.ind lr, $3  }
0x3a: {  	_ = 	snop  }
0x3b: {  	_ = 	snop  }
0x3c: {  	p2 =	seq.s32 s10, $0x1;
	s10 =	sld [smem:$0x3FAF]  }
0x3d: {  	_ =	shalt  }
0x3e: {  	_ =	shalt  }
0x3f: {  	_ =	shalt  }
0x40: {  	_ =	shalt  }
0x41: {  	_ =	shalt  }
0x42: {  	_ =	shalt  }
0x43: {  	_ =	shalt  }
0x44: {  	_ =	shalt  }
0x45: {  	_ =	shalt  }
0x46: {  	_ =	shalt  }
0x47: {  	_ =	shalt  }
0x48: {  	_ =	shalt  }
0x49: {  	_ =	shalt  }
0x4a: {  	_ =	shalt  }
0x4b: {  	_ =	shalt  }
0x4c: {  	_ =	shalt  }
0x4d: {  	_ =	shalt  }
0x4e: {  	_ =	shalt  }
0x4f: {  	_ =	shalt  }
0x50: {  	_ =	shalt  }
0x51: {  	_ =	shalt  }
0x52: {  	_ =	shalt  }
0x53: {  	_ =	shalt  }
0x54: {  	_ =	shalt  }
0x55: {  	_ =	shalt  }
0x56: {  	_ =	shalt  }
0x57: {  	_ =	shalt  }
0x58: {  	_ =	shalt  }
0x59: {  	_ =	shalt  }
0x5a: {  	_ =	shalt  }
0x5b: {  	_ =	shalt  }
0x5c: {  	_ =	shalt  }
0x5d: {  	_ =	shalt  }
0x5e: {  	_ =	shalt  }
0x5f: {  	_ =	shalt  }
0x60: {  	_ =	shalt  }
0x61: {  	_ =	shalt  }
0x62: {  	_ =	shalt  }
0x63: {  	_ =	shalt  }
0x64: {  	_ =	shalt  }
0x65: {  	_ =	shalt  }
0x66: {  	_ =	shalt  }
0x67: {  	_ =	shalt  }
0x68: {  	_ =	shalt  }
0x69: {  	_ =	shalt  }
0x6a: {  	_ =	shalt  }
0x6b: {  	_ =	shalt  }
0x6c: {  	_ =	shalt  }
0x6d: {  	_ =	shalt  }
0x6e: {  	_ =	shalt  }
0x6f: {  	_ =	shalt  }
0x70: {  	_ =	shalt  }
0x71: {  	_ =	shalt  }
0x72: {  	_ =	shalt  }
0x73: {  	_ =	shalt  }
0x74: {  	_ =	shalt  }
0x75: {  	_ =	shalt  }
0x76: {  	_ =	shalt  }
0x77: {  	_ =	shalt  }
0x78: {  	_ =	shalt  }
0x79: {  	_ =	shalt  }
0x7a: {  	_ =	shalt  }
0x7b: {  	_ =	shalt  }
0x7c: {  	_ =	shalt  }
0x7d: {  	_ =	shalt  }
0x7e: {  	_ =	shalt  }
0x7f: {  	_ =	shalt  }
0x80: {  	_ =	shalt  }
0x81: {  	_ =	shalt  }
0x82: {  	_ =	shalt  }
0x83: {  	_ =	shalt  }
0x84: {  	_ =	shalt  }
0x85: {  	_ =	shalt  }
0x86: {  	_ =	shalt  }
0x87: {  	_ =	shalt  }
.Lfunc_end0:
.L_simem_size_0:
called_computation_lowered:
.L_overlay_start_0:
0x88: {  	s2 =	sld [smem:$0x3FD9]  }
0x89: {  	s3 =	sld [smem:$0x3FFE];
	_ =	sdelay $0x1  }
0x8a: {  	s1 =	srdreg.scid  }
0x8b: {  	s0 =	sand.u32 $0x1, s1  }
0x8c: {  	s17 =	sshll.u32 s0, $0xA;
	s2 =	sadd.s32 s3, s2  }
0x8d: {  	s2 =	sadd.s32 s2, s17  }
0x8e: {  	[smem:$0x3FBB] =	sst s2  }
0x8f: {  	_ = 	snop  }
0x90: {  	s2 =	sld [smem:$0x3FD0];
	(tm) =	ssettm $0x1  }
0x91: {  	s18 =	sld [smem:$0x3FFB];
	_ =	sdelay $0x3  }
0x92: {  	_ =	strace s18  }
0x93: {  	s3 =	sld [smem:$0x3FFC];
	_ =	sdelay $0x3  }
0x94: {  	_ =	strace s3  }
0x95: {  	s3 =	sld [smem:$0x3FFD];
	_ =	sdelay $0x3  }
0x96: {  	_ =	strace s3  }
0x97: {  	_ =	strace $0x8FFFFFFF  }
0x98: {  	s19 =	sld [smem:$0x3FDB];
	_ =	sdelay $0x1  }
0x99: {  	s4 =	simm.s32 $_scs_section_size  }
0x9a: {  	s5 =	simm.s32 $_size__tile_overlayer_lowered;
	s6 =	simm.s32 $_tile_overlayer_lowered  }
0x9b: {  	s22 =	simm.s32 $0x1BFF;
	s21 =	sshll.u32 s6, $0x1;
	s3 =	sadd.s32 s4, s19  }
0x9c: {  	s7 =	simm.s32 $0x0;
	s20 =	sshll.u32 s5, $0x1;
	s5 =	sadd.s32 s21, s3  }
0x9d: {  	[timem:s7], [sflag:s22] =	dma.local [hbm:s5], s20  }
0x9e: {  	_ =	swait.ge [sflag:s22], s20  }
0x9f: {  	s4 =	ssub.s32 $0x0, s20;
	[sflag:s22] =	ssyncset.done $0x0  }
0xa0: {  	[sflag:s22] =	ssyncadd.s32 s4;
	_ =	sdelay $0x1  }
0xa1: {  	s23 =	simm.s32 $0x1B8B  }
0xa2: {  	_ =	swait.ge [sflag:s23], $0x1  }
0xa3: {  	[sflag:s23] =	ssyncset.done $0x0  }
0xa4: {  	s25 =	simm.s32 $0x1B8E;
	s24 =	sld [smem:$0x3FFE];
	[sflag:s23] =	ssyncadd.s32 $0xFFFFFFFF  }
0xa5: {  	s26 =	simm.s32 $execute0_lowered;
	[smem:$0x3FD2] =	sst s25  }
0xa6: {  	s5 =	sshll.u32 s26, $0x1;
	_ =	strace $0x80000046;
	[dreg:$0x1] =	wrdreg $0xFFFFFFFF  }
0xa7: {  	s28 =	simm.s32 $_size_execute0_lowered;
	s3 =	sadd.s32 s3, s5;
	[dreg:$0x0] =	wrdreg $0x0  }
0xa8: {  	s5 =	sshll.u32 s28, $0x1;
	[dreg:$0x2] =	wrdreg s3  }
0xa9: {  	[dreg:$0x3] =	wrdreg s5  }
0xaa: {  	[dreg:$0x4] =	wrdreg $0xC0  }
0xab: {  	_ =	task [dreg:s7], $0x5FFFF  }
0xac: {  	[dreg:$0x1] =	wrdreg $0xFFFFFFFF  }
0xad: {  	[dreg:$0x0] =	wrdreg $0x60  }
0xae: {  	[dreg:$0x2] =	wrdreg s24  }
0xaf: {  	[dreg:$0x3] =	wrdreg s2  }
0xb0: {  	[dreg:$0x4] =	wrdreg $0x0  }
0xb1: {  	[dreg:$0x5] =	wrdreg $0x9  }
0xb2: {  	_ =	task.clear_ibuf [dreg:s7], $0x6FFFF;
	_ =	strace $0x90000046  }
0xb3: {  	s29 =	simm.s32 $0x9;
	_ =	strace $0x80000048  }
0xb4: {  	_ =	swait.ge [sflag:s29], $0x1  }
0xb5: {  	[sflag:s29] =	ssyncadd.s32 $0xFFFFFFFF  }
0xb6: {  	_ =	strace $0x90000048  }
0xb7: {  	_ =	sfence  }
0xb8: {  	s30 =	sld [smem:$0x0];
	_ =	sdelay $0x2  }
0xb9: {  	s31 =	sshll.u32 s1, $0xD;
	s1 =	sshrl.u32 s1, $0x2  }
0xba: {  	s3 =	sand.u32 $0x4000, s31;
	s1 =	sadd.s32 s1, s30  }
0xbb: {  	s0 =	sor.u32 s3, s0;
	s1 =	sshll.u32 s1, $0x11  }
0xbc: {  	s0 =	sor.u32 s1, s0  }
0xbd: {  	s0 =	sadd.s32 $0x8F2B, s0  }
0xbe: {  	[sflag:s0] =	ssyncadd.remote.s32 $0x1  }
0xbf: {  	_ =	sfence.sel $0xFFFF  }
0xc0: {  	[dreg:$0x0] =	wrdreg $0xFFFFFFFF;
	(pc) =	sbr.abs _section_cstart, $3  }
0xc1: {  	[dreg:$0x1] =	wrdreg $0xFFFFFFFF  }
0xc2: {  	_ =	task.clear_ibuf [dreg:s7], $0x2FFFF;
	_ =	strace $0x9FFFFFFF  }
0xc3: {  	(tm) =	ssettm $0x7FFFFFFF  }
tec
execute0_lowered:
.L_overlay_start_1:
0x0: {  	(tag) =	ssettag $0x1  }
0x1: {  	s0 =	rddreg [dreg:$0x0]  }
0x2: {  	s2 =	rddreg [dreg:$0x2];
	s3 =	simm.s32 $0x0  }
0x3: {  	s4 =	srdreg.scid;
	s1 =	stileid.u32;
	s21 =	simm.s32 $0x3F8  }
0x4: {  	s28 =	simm.s32 $0x50;
	s29 =	simm.s32 $0x2;
	s30 =	simm.s32 $0x0  }
0x5: {  	[smem:$0x7FF] =	sst s3;
	s5 =	sadd.s32 $0x2A00, s0;
	s13 =	smul.u32 $0xC8, s1  }
0x6: {  	s6 =	sadd.s32 $0xC800, s0;
	s14 =	sor.u32 $0x30, s1;
	s25 =	smul.u32 $0x2710, s1  }
0x7: {  	s4 =	sand.u32 $0x1, s4;
	s0 =	sadd.s32 $0xCA00, s0;
	s10 =	smul.u32 $0x320, s14  }
0x8: {  	p0 =	sgt.u32 s1, $0x1;
	_ =	strace $0x80000047;
	s17 =	smul.u32 $0x2710, s4  }
0x9: {  	s7 =	ssub.s32 $0x2, s4;
	s8 =	sshll.u32 s4, $0x4;
	s19 =	smul.u32 $0xC8, s14  }
0xa: {  	s4 =	smul.u32 $0x27100, s4;
	s9 =	sshrl.u32 s7, $0x1;
	s8 =	sor.u32 s1, s8  }
0xb: {  	s15 =	sadd.s32 $0xC80, s13;
	s16 =	sadd.s32 $0x1900, s13;
	s18 =	ssub.s32 s7, s9  }
0xc: {  	s22 =	smul.u32 $0x2710, s8;
	s7 =	sadd.s32 s13, s2;
	s8 =	sadd.s32 s15, s2  }
0xd: {  	s10 =	sshrl.u32 s10, $0x2;
	s9 =	sadd.s32 s16, s2;
	s13 =	sadd.s32 s13, s17  }
0xe: {  	s23 =	sadd.s32 s17, s15;
	s24 =	sadd.s32 s17, s16;
	s17 =	sadd.s32 s17, s19  }
0xf: {  	s4 =	sadd.s32 s25, s4;
	s16 =	sadd.s32 s19, s2;
	s25 =	simm.s32 $0x2F8  }
0x10: {  	s10 =	sadd.s32 s10, s2;
	s13 =	sshrl.u32 s13, $0x3;
	s14 =	sshrl.u32 s23, $0x3  }
0x11: {  	s15 =	sshrl.u32 s24, $0x3;
	s17 =	sshrl.u32 s17, $0x3;
	s26 =	sadd.s32 $0xF0, s4  }
0x12: {  	s18 =	smax.u32 s18, $0x1;
	s20 =	sadd.s32 $0xA0, s4;
	s23 =	simm.s32 $0x378  }
0x13: {  	s24 =	simm.s32 $0x278;
	s11 =	sshrl.u32 s22, $0x3;
	s13 =	sadd.s32 s0, s13  }
0x14: {  	s14 =	sadd.s32 s0, s14;
	s15 =	sadd.s32 s0, s15;
	s17 =	sadd.s32 s0, s17  }
0x15: {  	s31 =	sshrl.u32 s26, $0x3;
	s22 =	simm.s32 $0x3;
	s11 =	sadd.s32 s5, s11  }
0x16: {  	s26 =	simm.s32 $0x1;
	s19 =	sadd.s32 s31, s5;
	s12 =	sadd.s32 $0xA, s11  }
.LBB2_1:
0x17: {  	s0 =	rddreg [dreg:$0x1]  }
0x18: {  	[tilespmem:s21], [sflag:$0x3] =	stream.linear.gather [hbm4b:s0+s3], $0x100, $0x38;
	[tilespmem:$0x4F8] =	vst v63  }
0x19: {  	_ =	swait.ge [sflag:s22], $0x100  }
0x1a: {  	[sflag:s22] =	ssyncset.done $0x0  }
0x1b: {  	[sflag:s22] =	ssyncadd.s32 $0xFFFFFF00  }
0x1c: {  	[spmem:s7] =	stream.linear.scatter [tilespmem:s21], [sflag:$0x3], $0xC8, $0x38;
	[tilespmem:$0x4F8] =	vst v63  }
0x1d: {  	_ =	swait.ge [sflag:s22], $0xC8  }
0x1e: {  	[sflag:s22] =	ssyncset.done $0x0  }
0x1f: {  	[sflag:s22] =	ssyncadd.s32 $0xFFFFFF38  }
0x20: {  	[spmem:s8] =	stream.linear.scatter [tilespmem:s21], [sflag:$0x3], $0xC8, $0x38;
	[tilespmem:$0x4F8] =	vst v63  }
0x21: {  	_ =	swait.ge [sflag:s22], $0xC8  }
0x22: {  	[sflag:s22] =	ssyncset.done $0x0  }
0x23: {  	[sflag:s22] =	ssyncadd.s32 $0xFFFFFF38  }
0x24: {  	[spmem:s9] =	stream.linear.scatter [tilespmem:s21], [sflag:$0x3], $0xC8, $0x38;
	[tilespmem:$0x4F8] =	vst v63  }
0x25: {  	_ =	swait.ge [sflag:s22], $0xC8  }
0x26: {  	[sflag:s22] =	ssyncset.done $0x0  }
0x27: {  	s0 =	simm.s32 @!p0 $0x3F8;
	[sflag:s22] =	ssyncadd.s32 $0xFFFFFF38  }
0x28: {  	[spmem:s10] =	stream.linear.scatter @!p0 [tilespmem:s0], [sflag:$0x3], $0xC8, $0x38;
	[tilespmem:$0x4F8] =	vst v63  }
0x29: {  	s0 =	simm.s32 @!p0 $0x3  }
0x2a: {  	_ =	swait.ge @!p0 [sflag:s0], $0xC8  }
0x2b: {  	[sflag:s0] =	ssyncset.done @!p0 $0x0  }
0x2c: {  	[sflag:s0] =	ssyncadd.s32 @!p0 $0xFFFFFF38  }
0x2d: {  	[tilespmem:s23], [sflag:$0x3] =	stream.linear.gather [hbm4b:s6+s3], $0x80, $0x38;
	[tilespmem:$0x4F8] =	vst v63  }
0x2e: {  	_ =	swait.ge [sflag:s22], $0x80  }
0x2f: {  	[sflag:s22] =	ssyncset.done $0x0  }
0x30: {  	[sflag:s22] =	ssyncadd.s32 $0xFFFFFF80  }
0x31: {  	[bflag:$0x0] =	sbarrier.arrive $0xFFFF  }
0x32: {  	[tilespmem:s24], [sflag:$0x1] =	stream.linear.gather [hbm4b:s11+s3], $0x50, $0x38;
	[tilespmem:$0x4F8] =	vst v63  }
0x33: {  	_ = 	snop  }
0x34: {  	[tilespmem:s25], [sflag:$0x2] =	stream.linear.gather [hbm4b:s12+s3], $0x50, $0x38;
	[tilespmem:$0x4F8] =	vst v63  }
0x35: {  	_ =	swait.ge [sflag:s26], $0x50  }
0x36: {  	[sflag:s26] =	ssyncset.done $0x0  }
0x37: {  	[sflag:s26] =	ssyncadd.s32 $0xFFFFFFB0  }
0x38: {  	[spmem:s2] =	stream.indirect.scatter.add.f32 [tilespmem:s23], [sflag:$0x3], $0x1, s24, s28, $0xb8;
	[tilespmem:$0x4F8] =	vst v63  }
0x39: {  	_ =	swait.ge [sflag:s22], $0x50  }
0x3a: {  	s4 =	sshrl.u32 s20, $0x3;
	[sflag:s22] =	ssyncset.done $0x0  }
0x3b: {  	s0 =	sadd.s32 s5, s4;
	[sflag:s22] =	ssyncadd.s32 $0xFFFFFFB0  }
0x3c: {  	[tilespmem:s24], [sflag:$0x1] =	stream.linear.gather [hbm4b:s0+s3], $0x50, $0x38;
	[tilespmem:$0x4F8] =	vst v63  }
0x3d: {  	_ =	swait.ge [sflag:s29], $0x50  }
0x3e: {  	[sflag:s29] =	ssyncset.done $0x0  }
0x3f: {  	[sflag:s29] =	ssyncadd.s32 $0xFFFFFFB0  }
0x40: {  	[spmem:s2] =	stream.indirect.scatter.add.f32 [tilespmem:s23], [sflag:$0x3], $0x1, s25, s28, $0xb8;
	[tilespmem:$0x4F8] =	vst v63  }
0x41: {  	_ =	swait.ge [sflag:s22], $0x50  }
0x42: {  	s31 =	simm.s32 $0x14;
	[sflag:s22] =	ssyncset.done $0x0  }
0x43: {  	s4 =	sadd.s32 $0x0, s19;
	s0 =	sadd.s32 $0xA0, s20;
	[sflag:s22] =	ssyncadd.s32 $0xFFFFFFB0  }
.LBB2_2:
0x44: {  	[tilespmem:s25], [sflag:$0x2] =	stream.linear.gather [hbm4b:s4+s3], $0x50, $0x38;
	[tilespmem:$0x4F8] =	vst v63  }
0x45: {  	s4 =	smov.u32 s31  }
0x46: {  	p1 =	sne.s32 s31, $0x4C4;
	s31 =	sadd.s32 $0x14, s31;
	_ =	swait.ge [sflag:s26], $0x50  }
0x47: {  	[sflag:s26] =	ssyncset.done $0x0  }
0x48: {  	[sflag:s26] =	ssyncadd.s32 $0xFFFFFFB0  }
0x49: {  	[spmem:s2] =	stream.indirect.scatter.add.f32 [tilespmem:s23], [sflag:$0x3], $0x1, s24, s28, $0xb8;
	[tilespmem:$0x4F8] =	vst v63  }
0x4a: {  	_ =	swait.ge [sflag:s22], $0x50  }
0x4b: {  	s1 =	sshrl.u32 s0, $0x3;
	[sflag:s22] =	ssyncset.done $0x0  }
0x4c: {  	s1 =	sadd.s32 s5, s1;
	[sflag:s22] =	ssyncadd.s32 $0xFFFFFFB0  }
0x4d: {  	[tilespmem:s24], [sflag:$0x1] =	stream.linear.gather [hbm4b:s1+s3], $0x50, $0x38;
	[tilespmem:$0x4F8] =	vst v63  }
0x4e: {  	_ =	swait.ge [sflag:s29], $0x50  }
0x4f: {  	[sflag:s29] =	ssyncset.done $0x0  }
.Ltmp0:
0x50: {  	[sflag:s29] =	ssyncadd.s32 $0xFFFFFFB0;
	(pc) =	sbr.rel @p1 .LBB2_2-.Ltmp0, $4  }
0x51: {  	[spmem:s2] =	stream.indirect.scatter.add.f32 [tilespmem:s23], [sflag:$0x3], $0x1, s25, s28, $0xb8;
	[tilespmem:$0x4F8] =	vst v63  }
0x52: {  	_ =	swait.ge [sflag:s22], $0x50  }
0x53: {  	[sflag:s22] =	ssyncset.done $0x0  }
0x54: {  	s0 =	sadd.s32 $0xA0, s0;
	s4 =	sadd.s32 s4, s19;
	[sflag:s22] =	ssyncadd.s32 $0xFFFFFFB0  }
0x55: {  	[tilespmem:s25], [sflag:$0x2] =	stream.linear.gather [hbm4b:s4+s3], $0x50, $0x38;
	[tilespmem:$0x4F8] =	vst v63  }
0x56: {  	_ =	swait.ge [sflag:s26], $0x50  }
0x57: {  	[sflag:s26] =	ssyncset.done $0x0  }
0x58: {  	[sflag:s26] =	ssyncadd.s32 $0xFFFFFFB0  }
0x59: {  	[spmem:s2] =	stream.indirect.scatter.add.f32 [tilespmem:s23], [sflag:$0x3], $0x1, s24, s28, $0xb8;
	[tilespmem:$0x4F8] =	vst v63  }
0x5a: {  	_ =	swait.ge [sflag:s22], $0x50  }
0x5b: {  	[sflag:s22] =	ssyncset.done $0x0  }
0x5c: {  	[sflag:s22] =	ssyncadd.s32 $0xFFFFFFB0  }
0x5d: {  	_ =	swait.ge [sflag:s29], $0x50  }
0x5e: {  	[sflag:s29] =	ssyncset.done $0x0  }
0x5f: {  	[sflag:s29] =	ssyncadd.s32 $0xFFFFFFB0  }
0x60: {  	[bflag:$0x0] =	sbarrier.arrive $0xFFFF  }
0x61: {  	[tilespmem:s21], [sflag:$0x3] =	stream.linear.gather [spmem:s7], $0xC8, $0x38;
	[tilespmem:$0x4F8] =	vst v63  }
0x62: {  	_ =	swait.ge [sflag:s22], $0xC8  }
0x63: {  	[sflag:s22] =	ssyncset.done $0x0  }
0x64: {  	[sflag:s22] =	ssyncadd.s32 $0xFFFFFF38  }
0x65: {  	[hbm4b:s13+s3] =	stream.linear.scatter [tilespmem:s21], [sflag:$0x3], $0xC8, $0x38;
	[tilespmem:$0x4F8] =	vst v63  }
0x66: {  	_ =	swait.ge [sflag:s22], $0xC8  }
0x67: {  	[sflag:s22] =	ssyncset.done $0x0  }
0x68: {  	[sflag:s22] =	ssyncadd.s32 $0xFFFFFF38  }
0x69: {  	[tilespmem:s21], [sflag:$0x3] =	stream.linear.gather [spmem:s8], $0xC8, $0x38;
	[tilespmem:$0x4F8] =	vst v63  }
0x6a: {  	_ =	swait.ge [sflag:s22], $0xC8  }
0x6b: {  	[sflag:s22] =	ssyncset.done $0x0  }
0x6c: {  	[sflag:s22] =	ssyncadd.s32 $0xFFFFFF38  }
0x6d: {  	[hbm4b:s14+s3] =	stream.linear.scatter [tilespmem:s21], [sflag:$0x3], $0xC8, $0x38;
	[tilespmem:$0x4F8] =	vst v63  }
0x6e: {  	_ =	swait.ge [sflag:s22], $0xC8  }
0x6f: {  	[sflag:s22] =	ssyncset.done $0x0  }
0x70: {  	[sflag:s22] =	ssyncadd.s32 $0xFFFFFF38  }
0x71: {  	[tilespmem:s21], [sflag:$0x3] =	stream.linear.gather [spmem:s9], $0xC8, $0x38;
	[tilespmem:$0x4F8] =	vst v63  }
0x72: {  	_ =	swait.ge [sflag:s22], $0xC8  }
0x73: {  	[sflag:s22] =	ssyncset.done $0x0  }
0x74: {  	[sflag:s22] =	ssyncadd.s32 $0xFFFFFF38  }
0x75: {  	[hbm4b:s15+s3] =	stream.linear.scatter [tilespmem:s21], [sflag:$0x3], $0xC8, $0x38;
	[tilespmem:$0x4F8] =	vst v63  }
0x76: {  	_ =	swait.ge [sflag:s22], $0xC8  }
0x77: {  	[sflag:s22] =	ssyncset.done $0x0  }
0x78: {  	s0 =	simm.s32 @!p0 $0x3F8;
	s1 =	simm.s32 @!p0 $0x3;
	[sflag:s22] =	ssyncadd.s32 $0xFFFFFF38  }
0x79: {  	[tilespmem:s0], [sflag:$0x3] =	stream.linear.gather @!p0 [spmem:s16], $0xC8, $0x38;
	[tilespmem:$0x4F8] =	vst v63  }
0x7a: {  	s30 =	sadd.s32 $0x1, s30;
	_ =	swait.ge @!p0 [sflag:s1], $0xC8  }
0x7b: {  	p1 =	sne.s32 s30, s18;
	[sflag:s1] =	ssyncset.done @!p0 $0x0  }
.Ltmp1:
0x7c: {  	s4 =	simm.s32 @!p0 $0x0;
	[sflag:s1] =	ssyncadd.s32 @!p0 $0xFFFFFF38;
	(pc) =	sbr.rel @p1 .LBB2_1-.Ltmp1, $4  }
0x7d: {  	[hbm4b:s17+s4] =	stream.linear.scatter @!p0 [tilespmem:s0], [sflag:$0x3], $0xC8, $0x38;
	[tilespmem:$0x4F8] =	vst v63  }
0x7e: {  	_ =	swait.ge @!p0 [sflag:s1], $0xC8  }
0x7f: {  	[sflag:s1] =	ssyncset.done @!p0 $0x0  }
0x80: {  	[sflag:s1] =	ssyncadd.s32 @!p0 $0xFFFFFF38  }
0x81: {  	_ =	sfence.sel $0x180000  }
0x82: {  	[bflag:$0x0] =	sbarrier.arrive $0xFFFF  }
0x83: {  	_ =	strace $0x90000047  }
0x84: {  	s0 =	stileid.u32;
	[bflag:$0x2] =	sbarrier.arrive $0xFFFF  }
0x85: {  	p0 =	sne.s32 s0, $0x0;
	s0 =	rddreg [dreg:$0x3]  }
0x86: {  	s0 =	sadd.s32 @!p0 $0x100000, s0  }
0x87: {  	[sflag:s0] =	ssyncadd.tile.s32 @!p0 $0x1;
	_ =	shalt  }
.Lfunc_end2:
_tile_overlayer_lowered:
.L_overlay_start_2:
0x88: {  	(tag) =	ssettag $0x2  }
0x89: {  	s0 =	rddreg [dreg:$0x0];
	s2 =	stileid.u32  }
0x8a: {  	s1 =	rddreg [dreg:$0x1];
	p0 =	sne.s32 s2, $0x0  }
0x8b: {  	s3 =	rddreg [dreg:$0x2];
	[bflag:$0x3] =	sbarrier.arrive $0xFFFF;
	s2 =	simm.s32 @!p0 $0x1C03  }
0x8c: {  	[timem:s3], [sflag:s2] =	dma.local @!p0 [hbm:s0], s1  }
0x8d: {  	s0 =	simm.s32 @!p0 $0x3  }
0x8e: {  	_ =	swait.ge @!p0 [sflag:s0], s1  }
0x8f: {  	s1 =	ssub.s32 @!p0 $0x0, s1;
	[sflag:s0] =	ssyncset.done @!p0 $0x0  }
0x90: {  	[sflag:s0] =	ssyncadd.s32 @!p0 s1  }
0x91: {  	[bflag:$0x3] =	sbarrier.arrive $0xFFFF  }
0x92: {  	_ =	shalt  }

</sc_bundles>
